<compile_context>
chip_gen: v7x
topology: tpu7x:2x2x1
jax: 0.10.2.dev20260603
libtpu: 0.0.44.dev20260713+nightly
codegen_flags: <defaults>
</compile_context>

<pallas_src>
import functools

import jax
import jax.numpy as jnp
from jax import lax
from jax.experimental import pallas as pl
from jax.experimental.pallas import tpu as pltpu
from jax.experimental.pallas import tpu_sc as plsc

NC = 2
NS = 16
NW = NC * NS
KB = 128
UNROLL = 6


def _make_deg_kernel(n, nb):
    per_w = nb // NW
    rem = nb - per_w * NW
    chunk = -(-((n + NS - 1) // NS) // 128) * 128
    n_pad = NS * chunk
    U = 3
    n_groups = per_w // U
    tail = per_w - n_groups * U

    mesh = plsc.VectorSubcoreMesh(core_axis_name="c", subcore_axis_name="s")

    @functools.partial(
        pl.kernel,
        mesh=mesh,
        out_type=jax.ShapeDtypeStruct((NC, n_pad), jnp.float32),
        scratch_types=[
            pltpu.VMEM((KB,), jnp.int32),
            pltpu.VMEM((KB,), jnp.int32),
            pltpu.VMEM((KB,), jnp.int32),
            pltpu.VMEM((KB,), jnp.float32),
            pltpu.VMEM((chunk,), jnp.float32),
            pltpu.VMEM_SHARED((n_pad,), jnp.float32),
            pltpu.SemaphoreType.DMA,
            pltpu.SemaphoreType.DMA,
            pltpu.SemaphoreType.DMA,
            pltpu.SemaphoreType.DMA,
            pltpu.SemaphoreType.DMA,
            pltpu.SemaphoreType.DMA,
        ],
    )
    def deg_kernel(dst2_hbm, out_hbm, i0, i1, i2, ones_v, z_v, hist,
                   si0, si1, si2, ss0, ss1, ss2):
        idx = (i0, i1, i2)
        sem_i = (si0, si1, si2)
        sem_s = (ss0, ss1, ss2)
        c = lax.axis_index("c")
        s = lax.axis_index("s")
        w = s * NC + c

        def fill(i, _):
            ones_v[pl.ds(i * 16, 16)] = jnp.full((16,), 1.0, jnp.float32)
            return _

        lax.fori_loop(0, KB // 16, fill, None)

        def zfill(i, _):
            z_v[pl.ds(i * 16, 16)] = jnp.zeros((16,), jnp.float32)
            return _

        lax.fori_loop(0, chunk // 16, zfill, None)
        pltpu.sync_copy(z_v, hist.at[pl.ds(s * chunk, chunk)])
        plsc.subcore_barrier()

        def body(j, _):
            base = w * per_w + 3 * j
            d_i = [pltpu.async_copy(dst2_hbm.at[base + k], idx[k], sem_i[k])
                   for k in range(3)]
            d_s = []
            for k in range(3):
                d_i[k].wait()
                d_s.append(pltpu.async_copy(ones_v, hist.at[idx[k]],
                                            sem_s[k], add=True))
            for k in range(3):
                d_s[k].wait()
            return _

        lax.fori_loop(0, n_groups, body, None)
        for t in range(tail):
            bj = w * per_w + n_groups * U + t
            pltpu.sync_copy(dst2_hbm.at[bj], idx[0])
            pltpu.sync_copy(ones_v, hist.at[idx[0]], add=True)
        if rem:
            @pl.when(w < rem)
            def _():
                bj = NW * per_w + w
                pltpu.sync_copy(dst2_hbm.at[bj], idx[0])
                pltpu.sync_copy(ones_v, hist.at[idx[0]], add=True)

        plsc.subcore_barrier()
        pltpu.sync_copy(hist.at[pl.ds(s * chunk, chunk)],
                        out_hbm.at[c, pl.ds(s * chunk, chunk)])

    return deg_kernel


def _make_agg_kernel(n, d, nb):
    per_w = nb // NW
    rem = nb - per_w * NW
    rows_per_tile = -(-((n + NS - 1) // NS) // 8) * 8
    n_pad = NS * rows_per_tile
    U = 3
    n_groups = per_w // U
    tail = per_w - n_groups * U

    mesh = plsc.VectorSubcoreMesh(core_axis_name="c", subcore_axis_name="s")

    @functools.partial(
        pl.kernel,
        mesh=mesh,
        out_type=jax.ShapeDtypeStruct((NC, n_pad, d), jnp.float32),
        scratch_types=[
            pltpu.VMEM((KB,), jnp.int32),
            pltpu.VMEM((KB,), jnp.int32),
            pltpu.VMEM((KB,), jnp.int32),
            pltpu.VMEM((KB,), jnp.int32),
            pltpu.VMEM((KB,), jnp.int32),
            pltpu.VMEM((KB,), jnp.int32),
            pltpu.VMEM((KB, d), jnp.float32),
            pltpu.VMEM((KB, d), jnp.float32),
            pltpu.VMEM((KB, d), jnp.float32),
            pltpu.VMEM_SHARED((n_pad, d), jnp.float32),
            pltpu.SemaphoreType.DMA,
            pltpu.SemaphoreType.DMA,
            pltpu.SemaphoreType.DMA,
            pltpu.SemaphoreType.DMA,
            pltpu.SemaphoreType.DMA,
            pltpu.SemaphoreType.DMA,
            pltpu.SemaphoreType.DMA,
            pltpu.SemaphoreType.DMA,
            pltpu.SemaphoreType.DMA,
            pltpu.SemaphoreType.DMA,
            pltpu.SemaphoreType.DMA,
            pltpu.SemaphoreType.DMA,
        ],
    )
    def agg_kernel(hs_hbm, src2_hbm, dst2_hbm, out_hbm,
                   ia0, ia1, ia2,
                   ib0, ib1, ib2,
                   r0_, r1_, r2_,
                   acc,
                   sa0, sa1, sa2,
                   sb0, sb1, sb2,
                   sg0, sg1, sg2,
                   sc0, sc1, sc2):
        idx_s = (ia0, ia1, ia2)
        idx_d = (ib0, ib1, ib2)
        rows = (r0_, r1_, r2_)
        sem_is = (sa0, sa1, sa2)
        sem_id = (sb0, sb1, sb2)
        sem_g = (sg0, sg1, sg2)
        sem_sc = (sc0, sc1, sc2)
        c = lax.axis_index("c")
        s = lax.axis_index("s")
        w = s * NC + c

        z_v = rows[0]

        def zrow(i, _):
            for g in range(d // 16):
                z_v[i, pl.ds(g * 16, 16)] = jnp.zeros((16,), jnp.float32)
            return _

        lax.fori_loop(0, KB, zrow, None)
        r0 = s * rows_per_tile
        off = 0
        while off < rows_per_tile:
            sz = min(KB, rows_per_tile - off)
            pltpu.sync_copy(z_v.at[pl.ds(0, sz)], acc.at[pl.ds(r0 + off, sz)])
            off += sz
        plsc.subcore_barrier()

        def do_block(bj):
            pltpu.sync_copy(src2_hbm.at[bj], idx_s[0])
            pltpu.sync_copy(dst2_hbm.at[bj], idx_d[0])
            pltpu.async_copy(hs_hbm.at[idx_s[0]], rows[0], sem_g[0]).wait()
            pltpu.sync_copy(rows[0], acc.at[idx_d[0]], add=True)

        def body(j, _):
            base = w * per_w + U * j
            d_is = [pltpu.async_copy(src2_hbm.at[base + k], idx_s[k],
                                     sem_is[k]) for k in range(U)]
            d_id = [pltpu.async_copy(dst2_hbm.at[base + k], idx_d[k],
                                     sem_id[k]) for k in range(U)]
            d_g = []
            for k in range(U):
                d_is[k].wait()
                d_g.append(pltpu.async_copy(hs_hbm.at[idx_s[k]], rows[k],
                                            sem_g[k]))
            d_sc = []
            for k in range(U):
                d_g[k].wait()
                d_id[k].wait()
                d_sc.append(pltpu.async_copy(rows[k], acc.at[idx_d[k]],
                                             sem_sc[k], add=True))
            for k in range(U):
                d_sc[k].wait()
            return _

        lax.fori_loop(0, n_groups, body, None)
        for t in range(tail):
            do_block(w * per_w + n_groups * U + t)
        if rem:
            @pl.when(w < rem)
            def _():
                do_block(NW * per_w + w)

        plsc.subcore_barrier()
        lo = s * rows_per_tile
        pltpu.sync_copy(acc.at[pl.ds(lo, rows_per_tile)],
                        out_hbm.at[c, pl.ds(lo, rows_per_tile)])

    return agg_kernel


def _scale_mm(degT_ref, x_ref, w_ref, hs_ref, dis_ref):
    dis = lax.rsqrt(1.0 + degT_ref[:, 0:1] + degT_ref[:, 1:2])
    hs_ref[...] = dis * jnp.dot(x_ref[...], w_ref[...],
                                preferred_element_type=jnp.float32)
    dis_ref[...] = dis


def _mid_layer(agg_ref, hs_ref, dis_ref, b1_ref, w2_ref, o_ref):
    a = agg_ref[0] + agg_ref[1] + hs_ref[...]
    h1 = jnp.tanh(dis_ref[...] * a + b1_ref[...])
    o_ref[...] = dis_ref[...] * jnp.dot(h1, w2_ref[...],
                                        preferred_element_type=jnp.float32)


def _final_head(agg_ref, hs_ref, dis_ref, b2_ref, w3_ref, b3_ref, w4_ref,
                b4_ref, o_ref):
    a = agg_ref[0] + agg_ref[1] + hs_ref[...]
    h2 = jnp.tanh(dis_ref[...] * a + b2_ref[...])
    h3 = jnp.tanh(jnp.dot(h2, w3_ref[...], preferred_element_type=jnp.float32)
                  + b3_ref[...])
    o_ref[...] = jnp.dot(h3, w4_ref[...],
                         preferred_element_type=jnp.float32) + b4_ref[...]


def kernel(x, edge_index, W1, b1, W2, b2, W3, b3, W4, b4):
    n, d = x.shape
    e = edge_index.shape[1]
    nb = e // KB
    assert nb * KB == e

    src2 = edge_index[0].reshape(nb, KB)
    dst2 = edge_index[1].reshape(nb, KB)

    deg_kernel = _make_deg_kernel(n, nb)
    agg_kernel = _make_agg_kernel(n, d, nb)

    degT = deg_kernel(dst2).T

    bm = 1000
    grid = (n // bm,)
    f32 = jnp.float32

    hs1, dis = pl.pallas_call(
        _scale_mm,
        grid=grid,
        in_specs=[
            pl.BlockSpec((bm, 2), lambda i: (i, 0)),
            pl.BlockSpec((bm, d), lambda i: (i, 0)),
            pl.BlockSpec((d, d), lambda i: (0, 0)),
        ],
        out_specs=[
            pl.BlockSpec((bm, d), lambda i: (i, 0)),
            pl.BlockSpec((bm, 1), lambda i: (i, 0)),
        ],
        out_shape=[
            jax.ShapeDtypeStruct((n, d), f32),
            jax.ShapeDtypeStruct((n, 1), f32),
        ],
    )(degT, x, W1)

    agg1 = agg_kernel(hs1, src2, dst2)

    hs2 = pl.pallas_call(
        _mid_layer,
        grid=grid,
        in_specs=[
            pl.BlockSpec((2, bm, d), lambda i: (0, i, 0)),
            pl.BlockSpec((bm, d), lambda i: (i, 0)),
            pl.BlockSpec((bm, 1), lambda i: (i, 0)),
            pl.BlockSpec((d,), lambda i: (0,)),
            pl.BlockSpec((d, d), lambda i: (0, 0)),
        ],
        out_specs=pl.BlockSpec((bm, d), lambda i: (i, 0)),
        out_shape=jax.ShapeDtypeStruct((n, d), f32),
    )(agg1, hs1, dis, b1, W2)

    agg2 = agg_kernel(hs2, src2, dst2)

    d3 = W3.shape[1]
    out = pl.pallas_call(
        _final_head,
        grid=grid,
        in_specs=[
            pl.BlockSpec((2, bm, d), lambda i: (0, i, 0)),
            pl.BlockSpec((bm, d), lambda i: (i, 0)),
            pl.BlockSpec((bm, 1), lambda i: (i, 0)),
            pl.BlockSpec((d,), lambda i: (0,)),
            pl.BlockSpec((d, d3), lambda i: (0, 0)),
            pl.BlockSpec((d3,), lambda i: (0,)),
            pl.BlockSpec((d3, 1), lambda i: (0, 0)),
            pl.BlockSpec((1,), lambda i: (0,)),
        ],
        out_specs=pl.BlockSpec((bm, 1), lambda i: (i, 0)),
        out_shape=jax.ShapeDtypeStruct((n, 1), f32),
    )(agg2, hs2, dis, b2, W3, b3, W4, b4)

    return out

# --- scband reference (transcript-rebuilt; emitter-appended) ---
"""Pipeline reference for scband-brain-gcn-68436008894831 (READ-ONLY COPY).

The authoritative reference and input builder live on the scoring server;
editing this copy changes nothing except your own understanding.
"""

import jax, jax.numpy as jnp
import numpy as np

N = 10000
E = 320000
D = 128


def setup_inputs(seed: int = 0) -> dict:
    key = jax.random.key(seed)
    ks = jax.random.split(key, 12)
    x = jax.random.normal(ks[0], (N, D), dtype=jnp.float32)
    edge_index = jax.random.randint(ks[1], (2, E), 0, N, dtype=jnp.int32)
    # GCNConv layer 1: 128 -> 128
    W1 = jax.random.normal(ks[2], (128, 128), dtype=jnp.float32) * (1.0 / np.sqrt(128))
    b1 = jnp.zeros((128,), dtype=jnp.float32)
    # GCNConv layer 2: 128 -> 128
    W2 = jax.random.normal(ks[3], (128, 128), dtype=jnp.float32) * (1.0 / np.sqrt(128))
    b2 = jnp.zeros((128,), dtype=jnp.float32)
    # Linear fc1: 128 -> 64
    W3 = jax.random.normal(ks[4], (128, 64), dtype=jnp.float32) * (1.0 / np.sqrt(128))
    b3 = jnp.zeros((64,), dtype=jnp.float32)
    # Linear fc2 (output): 64 -> 1
    W4 = jax.random.normal(ks[5], (64, 1), dtype=jnp.float32) * (1.0 / np.sqrt(64))
    b4 = jnp.zeros((1,), dtype=jnp.float32)
    return {"x": x, "edge_index": edge_index, "W1": W1, "b1": b1, "W2": W2, "b2": b2, "W3": W3, "b3": b3, "W4": W4, "b4": b4}


def _gcn_conv(x, edge_index, W, b):
    # PyG GCNConv: add self-loops, symmetric normalization, linear transform,
    # message = norm * x_j, aggregate by scatter-add to dst, add bias.
    n = x.shape[0]
    loop = jnp.arange(n, dtype=edge_index.dtype)
    src = jnp.concatenate([edge_index[0], loop])
    dst = jnp.concatenate([edge_index[1], loop])
    h = x @ W
    deg = jnp.zeros((n,), dtype=h.dtype).at[dst].add(1.0)
    deg_inv_sqrt = jnp.where(deg > 0, jax.lax.rsqrt(jnp.maximum(deg, 1e-12)), 0.0)
    norm = deg_inv_sqrt[src] * deg_inv_sqrt[dst]
    msg = h[src] * norm[:, None]
    out = jnp.zeros((n, h.shape[1]), dtype=h.dtype).at[dst].add(msg)
    return out + b


def reference(x, edge_index, W1, b1, W2, b2, W3, b3, W4, b4):
    h = jnp.tanh(_gcn_conv(x, edge_index, W1, b1))
    h = jnp.tanh(_gcn_conv(h, edge_index, W2, b2))
    # fc layers: all but last use tanh + dropout (identity at inference)
    h = jnp.tanh(h @ W3 + b3)
    out = h @ W4 + b4
    return out

if __name__ == "__main__":
    import jax
    _d = setup_inputs()
    print(jax.jit(kernel)(*tuple(_d.values())))

</pallas_src>

<mosaic_0001>
#map = affine_map<(d0, d1) -> (0, 0)>
#map1 = affine_map<(d0, d1) -> (0, 0, 0)>
module attributes {stable_mosaic.version = 14 : i64} {
  func.func @agg_kernel(%arg0: i32, %arg1: i32, %arg2: memref<10000x128xf32, #tpu.memory_space<hbm>>, %arg3: memref<2500x128xi32, #tpu.memory_space<hbm>>, %arg4: memref<2500x128xi32, #tpu.memory_space<hbm>>, %arg5: memref<2x10112x128xf32, #tpu.memory_space<hbm>>, %arg6: memref<128xi32, #tpu.memory_space<vmem>>, %arg7: memref<128xi32, #tpu.memory_space<vmem>>, %arg8: memref<128xi32, #tpu.memory_space<vmem>>, %arg9: memref<128xi32, #tpu.memory_space<vmem>>, %arg10: memref<128xi32, #tpu.memory_space<vmem>>, %arg11: memref<128xi32, #tpu.memory_space<vmem>>, %arg12: memref<128x128xf32, #tpu.memory_space<vmem>>, %arg13: memref<128x128xf32, #tpu.memory_space<vmem>>, %arg14: memref<128x128xf32, #tpu.memory_space<vmem>>, %arg15: memref<10112x128xf32, #tpu.memory_space<vmem_shared>>, %arg16: memref<!tpu.dma_semaphore, #tpu.memory_space<semaphore_mem>>, %arg17: memref<!tpu.dma_semaphore, #tpu.memory_space<semaphore_mem>>, %arg18: memref<!tpu.dma_semaphore, #tpu.memory_space<semaphore_mem>>, %arg19: memref<!tpu.dma_semaphore, #tpu.memory_space<semaphore_mem>>, %arg20: memref<!tpu.dma_semaphore, #tpu.memory_space<semaphore_mem>>, %arg21: memref<!tpu.dma_semaphore, #tpu.memory_space<semaphore_mem>>, %arg22: memref<!tpu.dma_semaphore, #tpu.memory_space<semaphore_mem>>, %arg23: memref<!tpu.dma_semaphore, #tpu.memory_space<semaphore_mem>>, %arg24: memref<!tpu.dma_semaphore, #tpu.memory_space<semaphore_mem>>, %arg25: memref<!tpu.dma_semaphore, #tpu.memory_space<semaphore_mem>>, %arg26: memref<!tpu.dma_semaphore, #tpu.memory_space<semaphore_mem>>, %arg27: memref<!tpu.dma_semaphore, #tpu.memory_space<semaphore_mem>>) attributes {dimension_semantics = [#tpu.dimension_semantics<core_parallel>, #tpu.dimension_semantics<subcore_parallel>], iteration_bounds = array<i64: 2, 16>, scalar_prefetch = 0 : i64, scratch_operands = 22 : i64, tpu.core_type = #tpu.core_type<sc_vector_subcore>, window_params = [{transform_indices = #map}, {transform_indices = #map}, {transform_indices = #map}, {transform_indices = #map1}]} {
    %mul3A = arith.constant 2 : i32
    %mul3A_0 = arith.muli %arg1, %mul3A : i32
    %add3A = arith.addi %mul3A_0, %arg0 : i32
    %scan3A = arith.constant 0 : i32
    %scan3A_1 = arith.constant 128 : i32
    %scan3A_2 = arith.addi %scan3A, %scan3A_1 : i32
    %scan3A_3 = arith.constant 1 : i32
    scf.for %scan3A_27 = %scan3A to %scan3A_2 step %scan3A_3  : i32 {
      %broadcast_in_dim3A = arith.constant 0.000000e+00 : f32
      %broadcast_in_dim3A_28 = vector.broadcast %broadcast_in_dim3A : f32 to vector<16xf32>
      %swap3A = arith.index_cast %scan3A_27 : i32 to index
      %swap3A_29 = arith.constant 0 : index
      %swap3A_30 = tpu.vector_load %arg12[%swap3A, %swap3A_29] {strides = array<i32>} : memref<128x128xf32, #tpu.memory_space<vmem>>, vector<1x16xf32>,
      %swap3A_31 = vector.shape_cast %swap3A_30 : vector<1x16xf32> to vector<16xf32>
      %swap3A_32 = vector.shape_cast %broadcast_in_dim3A_28 : vector<16xf32> to vector<1x16xf32>
      tpu.vector_store %arg12[%swap3A, %swap3A_29], %swap3A_32 {strides = array<i32>} : memref<128x128xf32, #tpu.memory_space<vmem>>, vector<1x16xf32>,
      %broadcast_in_dim3A_33 = arith.constant 0.000000e+00 : f32
      %broadcast_in_dim3A_34 = vector.broadcast %broadcast_in_dim3A_33 : f32 to vector<16xf32>
      %swap3A_35 = arith.index_cast %scan3A_27 : i32 to index
      %swap3A_36 = arith.constant 16 : index
      %swap3A_37 = tpu.vector_load %arg12[%swap3A_35, %swap3A_36] {strides = array<i32>} : memref<128x128xf32, #tpu.memory_space<vmem>>, vector<1x16xf32>,
      %swap3A_38 = vector.shape_cast %swap3A_37 : vector<1x16xf32> to vector<16xf32>
      %swap3A_39 = vector.shape_cast %broadcast_in_dim3A_34 : vector<16xf32> to vector<1x16xf32>
      tpu.vector_store %arg12[%swap3A_35, %swap3A_36], %swap3A_39 {strides = array<i32>} : memref<128x128xf32, #tpu.memory_space<vmem>>, vector<1x16xf32>,
      %broadcast_in_dim3A_40 = arith.constant 0.000000e+00 : f32
      %broadcast_in_dim3A_41 = vector.broadcast %broadcast_in_dim3A_40 : f32 to vector<16xf32>
      %swap3A_42 = arith.index_cast %scan3A_27 : i32 to index
      %swap3A_43 = arith.constant 32 : index
      %swap3A_44 = tpu.vector_load %arg12[%swap3A_42, %swap3A_43] {strides = array<i32>} : memref<128x128xf32, #tpu.memory_space<vmem>>, vector<1x16xf32>,
      %swap3A_45 = vector.shape_cast %swap3A_44 : vector<1x16xf32> to vector<16xf32>
      %swap3A_46 = vector.shape_cast %broadcast_in_dim3A_41 : vector<16xf32> to vector<1x16xf32>
      tpu.vector_store %arg12[%swap3A_42, %swap3A_43], %swap3A_46 {strides = array<i32>} : memref<128x128xf32, #tpu.memory_space<vmem>>, vector<1x16xf32>,
      %broadcast_in_dim3A_47 = arith.constant 0.000000e+00 : f32
      %broadcast_in_dim3A_48 = vector.broadcast %broadcast_in_dim3A_47 : f32 to vector<16xf32>
      %swap3A_49 = arith.index_cast %scan3A_27 : i32 to index
      %swap3A_50 = arith.constant 48 : index
      %swap3A_51 = tpu.vector_load %arg12[%swap3A_49, %swap3A_50] {strides = array<i32>} : memref<128x128xf32, #tpu.memory_space<vmem>>, vector<1x16xf32>,
      %swap3A_52 = vector.shape_cast %swap3A_51 : vector<1x16xf32> to vector<16xf32>
      %swap3A_53 = vector.shape_cast %broadcast_in_dim3A_48 : vector<16xf32> to vector<1x16xf32>
      tpu.vector_store %arg12[%swap3A_49, %swap3A_50], %swap3A_53 {strides = array<i32>} : memref<128x128xf32, #tpu.memory_space<vmem>>, vector<1x16xf32>,
      %broadcast_in_dim3A_54 = arith.constant 0.000000e+00 : f32
      %broadcast_in_dim3A_55 = vector.broadcast %broadcast_in_dim3A_54 : f32 to vector<16xf32>
      %swap3A_56 = arith.index_cast %scan3A_27 : i32 to index
      %swap3A_57 = arith.constant 64 : index
      %swap3A_58 = tpu.vector_load %arg12[%swap3A_56, %swap3A_57] {strides = array<i32>} : memref<128x128xf32, #tpu.memory_space<vmem>>, vector<1x16xf32>,
      %swap3A_59 = vector.shape_cast %swap3A_58 : vector<1x16xf32> to vector<16xf32>
      %swap3A_60 = vector.shape_cast %broadcast_in_dim3A_55 : vector<16xf32> to vector<1x16xf32>
      tpu.vector_store %arg12[%swap3A_56, %swap3A_57], %swap3A_60 {strides = array<i32>} : memref<128x128xf32, #tpu.memory_space<vmem>>, vector<1x16xf32>,
      %broadcast_in_dim3A_61 = arith.constant 0.000000e+00 : f32
      %broadcast_in_dim3A_62 = vector.broadcast %broadcast_in_dim3A_61 : f32 to vector<16xf32>
      %swap3A_63 = arith.index_cast %scan3A_27 : i32 to index
      %swap3A_64 = arith.constant 80 : index
      %swap3A_65 = tpu.vector_load %arg12[%swap3A_63, %swap3A_64] {strides = array<i32>} : memref<128x128xf32, #tpu.memory_space<vmem>>, vector<1x16xf32>,
      %swap3A_66 = vector.shape_cast %swap3A_65 : vector<1x16xf32> to vector<16xf32>
      %swap3A_67 = vector.shape_cast %broadcast_in_dim3A_62 : vector<16xf32> to vector<1x16xf32>
      tpu.vector_store %arg12[%swap3A_63, %swap3A_64], %swap3A_67 {strides = array<i32>} : memref<128x128xf32, #tpu.memory_space<vmem>>, vector<1x16xf32>,
      %broadcast_in_dim3A_68 = arith.constant 0.000000e+00 : f32
      %broadcast_in_dim3A_69 = vector.broadcast %broadcast_in_dim3A_68 : f32 to vector<16xf32>
      %swap3A_70 = arith.index_cast %scan3A_27 : i32 to index
      %swap3A_71 = arith.constant 96 : index
      %swap3A_72 = tpu.vector_load %arg12[%swap3A_70, %swap3A_71] {strides = array<i32>} : memref<128x128xf32, #tpu.memory_space<vmem>>, vector<1x16xf32>,
      %swap3A_73 = vector.shape_cast %swap3A_72 : vector<1x16xf32> to vector<16xf32>
      %swap3A_74 = vector.shape_cast %broadcast_in_dim3A_69 : vector<16xf32> to vector<1x16xf32>
      tpu.vector_store %arg12[%swap3A_70, %swap3A_71], %swap3A_74 {strides = array<i32>} : memref<128x128xf32, #tpu.memory_space<vmem>>, vector<1x16xf32>,
      %broadcast_in_dim3A_75 = arith.constant 0.000000e+00 : f32
      %broadcast_in_dim3A_76 = vector.broadcast %broadcast_in_dim3A_75 : f32 to vector<16xf32>
      %swap3A_77 = arith.index_cast %scan3A_27 : i32 to index
      %swap3A_78 = arith.constant 112 : index
      %swap3A_79 = tpu.vector_load %arg12[%swap3A_77, %swap3A_78] {strides = array<i32>} : memref<128x128xf32, #tpu.memory_space<vmem>>, vector<1x16xf32>,
      %swap3A_80 = vector.shape_cast %swap3A_79 : vector<1x16xf32> to vector<16xf32>
      %swap3A_81 = vector.shape_cast %broadcast_in_dim3A_76 : vector<16xf32> to vector<1x16xf32>
      tpu.vector_store %arg12[%swap3A_77, %swap3A_78], %swap3A_81 {strides = array<i32>} : memref<128x128xf32, #tpu.memory_space<vmem>>, vector<1x16xf32>,
    }
    %scan3A_4 = arith.constant 128 : i32
    %mul3A_5 = arith.constant 632 : i32
    %mul3A_6 = arith.muli %arg1, %mul3A_5 : i32
    %add3A_7 = arith.constant 0 : i32
    %add3A_8 = arith.addi %mul3A_6, %add3A_7 : i32
    "tpu.region"() ({
      %run_scoped3A = tpu.sem_alloc : memref<!tpu.dma_semaphore, #tpu.memory_space<semaphore_mem>>
      %dma_start3A = arith.constant 0 : i32
      %dma_start3A_27 = arith.constant 0 : i32
      %dma_start3A_28 = tpu.memref_slice %arg12[%dma_start3A, %dma_start3A_27] : memref<128x128xf32, #tpu.memory_space<vmem>> -> memref<128x128xf32, #tpu.memory_space<vmem>>
      %dma_start3A_29 = arith.constant 0 : i32
      %dma_start3A_30 = tpu.memref_slice %arg15[%add3A_8, %dma_start3A_29] : memref<10112x128xf32, #tpu.memory_space<vmem_shared>> -> memref<128x128xf32, #tpu.memory_space<vmem_shared>>
      %dma_start3A_31 = arith.constant 0 : i32
      %dma_start3A_32 = tpu.memref_slice %arg15[%add3A_8, %dma_start3A_31] : memref<10112x128xf32, #tpu.memory_space<vmem_shared>> -> memref<128x128xf32, #tpu.memory_space<vmem_shared>>
      %dma_start3A_33 = arith.constant 0 : i32
      %dma_start3A_34 = arith.constant 0 : i32
      %dma_start3A_35 = tpu.memref_slice %arg12[%dma_start3A_33, %dma_start3A_34] : memref<128x128xf32, #tpu.memory_space<vmem>> -> memref<128x128xf32, #tpu.memory_space<vmem>>
      tpu.enqueue_dma source(%dma_start3A_35 : memref<128x128xf32, #tpu.memory_space<vmem>>) target(%dma_start3A_32 : memref<128x128xf32, #tpu.memory_space<vmem_shared>>) target_semaphore(%run_scoped3A : memref<!tpu.dma_semaphore, #tpu.memory_space<semaphore_mem>>)
      %dma_wait3A = arith.constant 0 : i32
      %dma_wait3A_36 = arith.constant 0 : i32
      %dma_wait3A_37 = tpu.memref_slice %arg12[%dma_wait3A, %dma_wait3A_36] : memref<128x128xf32, #tpu.memory_space<vmem>> -> memref<128x128xf32, #tpu.memory_space<vmem>>
      %dma_wait3A_38 = arith.constant 0 : i32
      %dma_wait3A_39 = tpu.memref_slice %arg15[%add3A_8, %dma_wait3A_38] : memref<10112x128xf32, #tpu.memory_space<vmem_shared>> -> memref<128x128xf32, #tpu.memory_space<vmem_shared>>
      %dma_wait3A_40 = arith.constant 0 : i32
      %dma_wait3A_41 = tpu.memref_slice %arg15[%add3A_8, %dma_wait3A_40] : memref<10112x128xf32, #tpu.memory_space<vmem_shared>> -> memref<128x128xf32, #tpu.memory_space<vmem_shared>>
      %dma_wait3A_42 = arith.constant 0 : i32
      %dma_wait3A_43 = arith.constant 0 : i32
      %dma_wait3A_44 = tpu.memref_slice %arg12[%dma_wait3A_42, %dma_wait3A_43] : memref<128x128xf32, #tpu.memory_space<vmem>> -> memref<128x128xf32, #tpu.memory_space<vmem>>
      tpu.wait_dma2 semaphore(%run_scoped3A : memref<!tpu.dma_semaphore, #tpu.memory_space<semaphore_mem>>) src(%dma_wait3A_44 : memref<128x128xf32, #tpu.memory_space<vmem>>) dst(%dma_wait3A_41 : memref<128x128xf32, #tpu.memory_space<vmem_shared>>)
      tpu.yield
    }) : () -> ()
    %add3A_9 = arith.constant 128 : i32
    %add3A_10 = arith.addi %mul3A_6, %add3A_9 : i32
    "tpu.region"() ({
      %run_scoped3A = tpu.sem_alloc : memref<!tpu.dma_semaphore, #tpu.memory_space<semaphore_mem>>
      %dma_start3A = arith.constant 0 : i32
      %dma_start3A_27 = arith.constant 0 : i32
      %dma_start3A_28 = tpu.memref_slice %arg12[%dma_start3A, %dma_start3A_27] : memref<128x128xf32, #tpu.memory_space<vmem>> -> memref<128x128xf32, #tpu.memory_space<vmem>>
      %dma_start3A_29 = arith.constant 0 : i32
      %dma_start3A_30 = tpu.memref_slice %arg15[%add3A_10, %dma_start3A_29] : memref<10112x128xf32, #tpu.memory_space<vmem_shared>> -> memref<128x128xf32, #tpu.memory_space<vmem_shared>>
      %dma_start3A_31 = arith.constant 0 : i32
      %dma_start3A_32 = tpu.memref_slice %arg15[%add3A_10, %dma_start3A_31] : memref<10112x128xf32, #tpu.memory_space<vmem_shared>> -> memref<128x128xf32, #tpu.memory_space<vmem_shared>>
      %dma_start3A_33 = arith.constant 0 : i32
      %dma_start3A_34 = arith.constant 0 : i32
      %dma_start3A_35 = tpu.memref_slice %arg12[%dma_start3A_33, %dma_start3A_34] : memref<128x128xf32, #tpu.memory_space<vmem>> -> memref<128x128xf32, #tpu.memory_space<vmem>>
      tpu.enqueue_dma source(%dma_start3A_35 : memref<128x128xf32, #tpu.memory_space<vmem>>) target(%dma_start3A_32 : memref<128x128xf32, #tpu.memory_space<vmem_shared>>) target_semaphore(%run_scoped3A : memref<!tpu.dma_semaphore, #tpu.memory_space<semaphore_mem>>)
      %dma_wait3A = arith.constant 0 : i32
      %dma_wait3A_36 = arith.constant 0 : i32
      %dma_wait3A_37 = tpu.memref_slice %arg12[%dma_wait3A, %dma_wait3A_36] : memref<128x128xf32, #tpu.memory_space<vmem>> -> memref<128x128xf32, #tpu.memory_space<vmem>>
      %dma_wait3A_38 = arith.constant 0 : i32
      %dma_wait3A_39 = tpu.memref_slice %arg15[%add3A_10, %dma_wait3A_38] : memref<10112x128xf32, #tpu.memory_space<vmem_shared>> -> memref<128x128xf32, #tpu.memory_space<vmem_shared>>
      %dma_wait3A_40 = arith.constant 0 : i32
      %dma_wait3A_41 = tpu.memref_slice %arg15[%add3A_10, %dma_wait3A_40] : memref<10112x128xf32, #tpu.memory_space<vmem_shared>> -> memref<128x128xf32, #tpu.memory_space<vmem_shared>>
      %dma_wait3A_42 = arith.constant 0 : i32
      %dma_wait3A_43 = arith.constant 0 : i32
      %dma_wait3A_44 = tpu.memref_slice %arg12[%dma_wait3A_42, %dma_wait3A_43] : memref<128x128xf32, #tpu.memory_space<vmem>> -> memref<128x128xf32, #tpu.memory_space<vmem>>
      tpu.wait_dma2 semaphore(%run_scoped3A : memref<!tpu.dma_semaphore, #tpu.memory_space<semaphore_mem>>) src(%dma_wait3A_44 : memref<128x128xf32, #tpu.memory_space<vmem>>) dst(%dma_wait3A_41 : memref<128x128xf32, #tpu.memory_space<vmem_shared>>)
      tpu.yield
    }) : () -> ()
    %add3A_11 = arith.constant 256 : i32
    %add3A_12 = arith.addi %mul3A_6, %add3A_11 : i32
    "tpu.region"() ({
      %run_scoped3A = tpu.sem_alloc : memref<!tpu.dma_semaphore, #tpu.memory_space<semaphore_mem>>
      %dma_start3A = arith.constant 0 : i32
      %dma_start3A_27 = arith.constant 0 : i32
      %dma_start3A_28 = tpu.memref_slice %arg12[%dma_start3A, %dma_start3A_27] : memref<128x128xf32, #tpu.memory_space<vmem>> -> memref<128x128xf32, #tpu.memory_space<vmem>>
      %dma_start3A_29 = arith.constant 0 : i32
      %dma_start3A_30 = tpu.memref_slice %arg15[%add3A_12, %dma_start3A_29] : memref<10112x128xf32, #tpu.memory_space<vmem_shared>> -> memref<128x128xf32, #tpu.memory_space<vmem_shared>>
      %dma_start3A_31 = arith.constant 0 : i32
      %dma_start3A_32 = tpu.memref_slice %arg15[%add3A_12, %dma_start3A_31] : memref<10112x128xf32, #tpu.memory_space<vmem_shared>> -> memref<128x128xf32, #tpu.memory_space<vmem_shared>>
      %dma_start3A_33 = arith.constant 0 : i32
      %dma_start3A_34 = arith.constant 0 : i32
      %dma_start3A_35 = tpu.memref_slice %arg12[%dma_start3A_33, %dma_start3A_34] : memref<128x128xf32, #tpu.memory_space<vmem>> -> memref<128x128xf32, #tpu.memory_space<vmem>>
      tpu.enqueue_dma source(%dma_start3A_35 : memref<128x128xf32, #tpu.memory_space<vmem>>) target(%dma_start3A_32 : memref<128x128xf32, #tpu.memory_space<vmem_shared>>) target_semaphore(%run_scoped3A : memref<!tpu.dma_semaphore, #tpu.memory_space<semaphore_mem>>)
      %dma_wait3A = arith.constant 0 : i32
      %dma_wait3A_36 = arith.constant 0 : i32
      %dma_wait3A_37 = tpu.memref_slice %arg12[%dma_wait3A, %dma_wait3A_36] : memref<128x128xf32, #tpu.memory_space<vmem>> -> memref<128x128xf32, #tpu.memory_space<vmem>>
      %dma_wait3A_38 = arith.constant 0 : i32
      %dma_wait3A_39 = tpu.memref_slice %arg15[%add3A_12, %dma_wait3A_38] : memref<10112x128xf32, #tpu.memory_space<vmem_shared>> -> memref<128x128xf32, #tpu.memory_space<vmem_shared>>
      %dma_wait3A_40 = arith.constant 0 : i32
      %dma_wait3A_41 = tpu.memref_slice %arg15[%add3A_12, %dma_wait3A_40] : memref<10112x128xf32, #tpu.memory_space<vmem_shared>> -> memref<128x128xf32, #tpu.memory_space<vmem_shared>>
      %dma_wait3A_42 = arith.constant 0 : i32
      %dma_wait3A_43 = arith.constant 0 : i32
      %dma_wait3A_44 = tpu.memref_slice %arg12[%dma_wait3A_42, %dma_wait3A_43] : memref<128x128xf32, #tpu.memory_space<vmem>> -> memref<128x128xf32, #tpu.memory_space<vmem>>
      tpu.wait_dma2 semaphore(%run_scoped3A : memref<!tpu.dma_semaphore, #tpu.memory_space<semaphore_mem>>) src(%dma_wait3A_44 : memref<128x128xf32, #tpu.memory_space<vmem>>) dst(%dma_wait3A_41 : memref<128x128xf32, #tpu.memory_space<vmem_shared>>)
      tpu.yield
    }) : () -> ()
    %add3A_13 = arith.constant 384 : i32
    %add3A_14 = arith.addi %mul3A_6, %add3A_13 : i32
    "tpu.region"() ({
      %run_scoped3A = tpu.sem_alloc : memref<!tpu.dma_semaphore, #tpu.memory_space<semaphore_mem>>
      %dma_start3A = arith.constant 0 : i32
      %dma_start3A_27 = arith.constant 0 : i32
      %dma_start3A_28 = tpu.memref_slice %arg12[%dma_start3A, %dma_start3A_27] : memref<128x128xf32, #tpu.memory_space<vmem>> -> memref<128x128xf32, #tpu.memory_space<vmem>>
      %dma_start3A_29 = arith.constant 0 : i32
      %dma_start3A_30 = tpu.memref_slice %arg15[%add3A_14, %dma_start3A_29] : memref<10112x128xf32, #tpu.memory_space<vmem_shared>> -> memref<128x128xf32, #tpu.memory_space<vmem_shared>>
      %dma_start3A_31 = arith.constant 0 : i32
      %dma_start3A_32 = tpu.memref_slice %arg15[%add3A_14, %dma_start3A_31] : memref<10112x128xf32, #tpu.memory_space<vmem_shared>> -> memref<128x128xf32, #tpu.memory_space<vmem_shared>>
      %dma_start3A_33 = arith.constant 0 : i32
      %dma_start3A_34 = arith.constant 0 : i32
      %dma_start3A_35 = tpu.memref_slice %arg12[%dma_start3A_33, %dma_start3A_34] : memref<128x128xf32, #tpu.memory_space<vmem>> -> memref<128x128xf32, #tpu.memory_space<vmem>>
      tpu.enqueue_dma source(%dma_start3A_35 : memref<128x128xf32, #tpu.memory_space<vmem>>) target(%dma_start3A_32 : memref<128x128xf32, #tpu.memory_space<vmem_shared>>) target_semaphore(%run_scoped3A : memref<!tpu.dma_semaphore, #tpu.memory_space<semaphore_mem>>)
      %dma_wait3A = arith.constant 0 : i32
      %dma_wait3A_36 = arith.constant 0 : i32
      %dma_wait3A_37 = tpu.memref_slice %arg12[%dma_wait3A, %dma_wait3A_36] : memref<128x128xf32, #tpu.memory_space<vmem>> -> memref<128x128xf32, #tpu.memory_space<vmem>>
      %dma_wait3A_38 = arith.constant 0 : i32
      %dma_wait3A_39 = tpu.memref_slice %arg15[%add3A_14, %dma_wait3A_38] : memref<10112x128xf32, #tpu.memory_space<vmem_shared>> -> memref<128x128xf32, #tpu.memory_space<vmem_shared>>
      %dma_wait3A_40 = arith.constant 0 : i32
      %dma_wait3A_41 = tpu.memref_slice %arg15[%add3A_14, %dma_wait3A_40] : memref<10112x128xf32, #tpu.memory_space<vmem_shared>> -> memref<128x128xf32, #tpu.memory_space<vmem_shared>>
      %dma_wait3A_42 = arith.constant 0 : i32
      %dma_wait3A_43 = arith.constant 0 : i32
      %dma_wait3A_44 = tpu.memref_slice %arg12[%dma_wait3A_42, %dma_wait3A_43] : memref<128x128xf32, #tpu.memory_space<vmem>> -> memref<128x128xf32, #tpu.memory_space<vmem>>
      tpu.wait_dma2 semaphore(%run_scoped3A : memref<!tpu.dma_semaphore, #tpu.memory_space<semaphore_mem>>) src(%dma_wait3A_44 : memref<128x128xf32, #tpu.memory_space<vmem>>) dst(%dma_wait3A_41 : memref<128x128xf32, #tpu.memory_space<vmem_shared>>)
      tpu.yield
    }) : () -> ()
    %add3A_15 = arith.constant 512 : i32
    %add3A_16 = arith.addi %mul3A_6, %add3A_15 : i32
    "tpu.region"() ({
      %run_scoped3A = tpu.sem_alloc : memref<!tpu.dma_semaphore, #tpu.memory_space<semaphore_mem>>
      %dma_start3A = arith.constant 0 : i32
      %dma_start3A_27 = arith.constant 0 : i32
      %dma_start3A_28 = tpu.memref_slice %arg12[%dma_start3A, %dma_start3A_27] : memref<128x128xf32, #tpu.memory_space<vmem>> -> memref<120x128xf32, #tpu.memory_space<vmem>>
      %dma_start3A_29 = arith.constant 0 : i32
      %dma_start3A_30 = tpu.memref_slice %arg15[%add3A_16, %dma_start3A_29] : memref<10112x128xf32, #tpu.memory_space<vmem_shared>> -> memref<120x128xf32, #tpu.memory_space<vmem_shared>>
      %dma_start3A_31 = arith.constant 0 : i32
      %dma_start3A_32 = tpu.memref_slice %arg15[%add3A_16, %dma_start3A_31] : memref<10112x128xf32, #tpu.memory_space<vmem_shared>> -> memref<120x128xf32, #tpu.memory_space<vmem_shared>>
      %dma_start3A_33 = arith.constant 0 : i32
      %dma_start3A_34 = arith.constant 0 : i32
      %dma_start3A_35 = tpu.memref_slice %arg12[%dma_start3A_33, %dma_start3A_34] : memref<128x128xf32, #tpu.memory_space<vmem>> -> memref<120x128xf32, #tpu.memory_space<vmem>>
      tpu.enqueue_dma source(%dma_start3A_35 : memref<120x128xf32, #tpu.memory_space<vmem>>) target(%dma_start3A_32 : memref<120x128xf32, #tpu.memory_space<vmem_shared>>) target_semaphore(%run_scoped3A : memref<!tpu.dma_semaphore, #tpu.memory_space<semaphore_mem>>)
      %dma_wait3A = arith.constant 0 : i32
      %dma_wait3A_36 = arith.constant 0 : i32
      %dma_wait3A_37 = tpu.memref_slice %arg12[%dma_wait3A, %dma_wait3A_36] : memref<128x128xf32, #tpu.memory_space<vmem>> -> memref<120x128xf32, #tpu.memory_space<vmem>>
      %dma_wait3A_38 = arith.constant 0 : i32
      %dma_wait3A_39 = tpu.memref_slice %arg15[%add3A_16, %dma_wait3A_38] : memref<10112x128xf32, #tpu.memory_space<vmem_shared>> -> memref<120x128xf32, #tpu.memory_space<vmem_shared>>
      %dma_wait3A_40 = arith.constant 0 : i32
      %dma_wait3A_41 = tpu.memref_slice %arg15[%add3A_16, %dma_wait3A_40] : memref<10112x128xf32, #tpu.memory_space<vmem_shared>> -> memref<120x128xf32, #tpu.memory_space<vmem_shared>>
      %dma_wait3A_42 = arith.constant 0 : i32
      %dma_wait3A_43 = arith.constant 0 : i32
      %dma_wait3A_44 = tpu.memref_slice %arg12[%dma_wait3A_42, %dma_wait3A_43] : memref<128x128xf32, #tpu.memory_space<vmem>> -> memref<120x128xf32, #tpu.memory_space<vmem>>
      tpu.wait_dma2 semaphore(%run_scoped3A : memref<!tpu.dma_semaphore, #tpu.memory_space<semaphore_mem>>) src(%dma_wait3A_44 : memref<120x128xf32, #tpu.memory_space<vmem>>) dst(%dma_wait3A_41 : memref<120x128xf32, #tpu.memory_space<vmem_shared>>)
      tpu.yield
    }) : () -> ()
    %barrier3A = arith.constant 0 : index
    tpu.barrier barrier_id(%barrier3A)
    %scan3A_17 = arith.constant 0 : i32
    %scan3A_18 = arith.constant 26 : i32
    %scan3A_19 = arith.addi %scan3A_17, %scan3A_18 : i32
    %scan3A_20 = arith.constant 1 : i32
    scf.for %scan3A_27 = %scan3A_17 to %scan3A_19 step %scan3A_20  : i32 {
      %mul3A_28 = arith.constant 78 : i32
      %mul3A_29 = arith.muli %add3A, %mul3A_28 : i32
      %mul3A_30 = arith.constant 3 : i32
      %mul3A_31 = arith.muli %mul3A_30, %scan3A_27 : i32
      %add3A_32 = arith.addi %mul3A_29, %mul3A_31 : i32
      %add3A_33 = arith.constant 0 : i32
      %add3A_34 = arith.addi %add3A_32, %add3A_33 : i32
      %dma_start3A = arith.constant 0 : i32
      %dma_start3A_35 = tpu.memref_slice %arg3[%add3A_34, %dma_start3A] : memref<2500x128xi32, #tpu.memory_space<hbm>> -> memref<1x128xi32, #tpu.memory_space<hbm>>
      %dma_start3A_36 = tpu.memref_squeeze %dma_start3A_35 : memref<1x128xi32, #tpu.memory_space<hbm>> -> memref<128xi32, #tpu.memory_space<hbm>>
      %dma_start3A_37 = arith.constant 0 : i32
      %dma_start3A_38 = tpu.memref_slice %arg3[%add3A_34, %dma_start3A_37] : memref<2500x128xi32, #tpu.memory_space<hbm>> -> memref<1x128xi32, #tpu.memory_space<hbm>>
      %dma_start3A_39 = tpu.memref_squeeze %dma_start3A_38 : memref<1x128xi32, #tpu.memory_space<hbm>> -> memref<128xi32, #tpu.memory_space<hbm>>
      tpu.enqueue_dma source(%dma_start3A_39 : memref<128xi32, #tpu.memory_space<hbm>>) target(%arg6 : memref<128xi32, #tpu.memory_space<vmem>>) target_semaphore(%arg16 : memref<!tpu.dma_semaphore, #tpu.memory_space<semaphore_mem>>)
      %add3A_40 = arith.constant 1 : i32
      %add3A_41 = arith.addi %add3A_32, %add3A_40 : i32
      %dma_start3A_42 = arith.constant 0 : i32
      %dma_start3A_43 = tpu.memref_slice %arg3[%add3A_41, %dma_start3A_42] : memref<2500x128xi32, #tpu.memory_space<hbm>> -> memref<1x128xi32, #tpu.memory_space<hbm>>
      %dma_start3A_44 = tpu.memref_squeeze %dma_start3A_43 : memref<1x128xi32, #tpu.memory_space<hbm>> -> memref<128xi32, #tpu.memory_space<hbm>>
      %dma_start3A_45 = arith.constant 0 : i32
      %dma_start3A_46 = tpu.memref_slice %arg3[%add3A_41, %dma_start3A_45] : memref<2500x128xi32, #tpu.memory_space<hbm>> -> memref<1x128xi32, #tpu.memory_space<hbm>>
      %dma_start3A_47 = tpu.memref_squeeze %dma_start3A_46 : memref<1x128xi32, #tpu.memory_space<hbm>> -> memref<128xi32, #tpu.memory_space<hbm>>
      tpu.enqueue_dma source(%dma_start3A_47 : memref<128xi32, #tpu.memory_space<hbm>>) target(%arg7 : memref<128xi32, #tpu.memory_space<vmem>>) target_semaphore(%arg17 : memref<!tpu.dma_semaphore, #tpu.memory_space<semaphore_mem>>)
      %add3A_48 = arith.constant 2 : i32
      %add3A_49 = arith.addi %add3A_32, %add3A_48 : i32
      %dma_start3A_50 = arith.constant 0 : i32
      %dma_start3A_51 = tpu.memref_slice %arg3[%add3A_49, %dma_start3A_50] : memref<2500x128xi32, #tpu.memory_space<hbm>> -> memref<1x128xi32, #tpu.memory_space<hbm>>
      %dma_start3A_52 = tpu.memref_squeeze %dma_start3A_51 : memref<1x128xi32, #tpu.memory_space<hbm>> -> memref<128xi32, #tpu.memory_space<hbm>>
      %dma_start3A_53 = arith.constant 0 : i32
      %dma_start3A_54 = tpu.memref_slice %arg3[%add3A_49, %dma_start3A_53] : memref<2500x128xi32, #tpu.memory_space<hbm>> -> memref<1x128xi32, #tpu.memory_space<hbm>>
      %dma_start3A_55 = tpu.memref_squeeze %dma_start3A_54 : memref<1x128xi32, #tpu.memory_space<hbm>> -> memref<128xi32, #tpu.memory_space<hbm>>
      tpu.enqueue_dma source(%dma_start3A_55 : memref<128xi32, #tpu.memory_space<hbm>>) target(%arg8 : memref<128xi32, #tpu.memory_space<vmem>>) target_semaphore(%arg18 : memref<!tpu.dma_semaphore, #tpu.memory_space<semaphore_mem>>)
      %add3A_56 = arith.constant 0 : i32
      %add3A_57 = arith.addi %add3A_32, %add3A_56 : i32
      %dma_start3A_58 = arith.constant 0 : i32
      %dma_start3A_59 = tpu.memref_slice %arg4[%add3A_57, %dma_start3A_58] : memref<2500x128xi32, #tpu.memory_space<hbm>> -> memref<1x128xi32, #tpu.memory_space<hbm>>
      %dma_start3A_60 = tpu.memref_squeeze %dma_start3A_59 : memref<1x128xi32, #tpu.memory_space<hbm>> -> memref<128xi32, #tpu.memory_space<hbm>>
      %dma_start3A_61 = arith.constant 0 : i32
      %dma_start3A_62 = tpu.memref_slice %arg4[%add3A_57, %dma_start3A_61] : memref<2500x128xi32, #tpu.memory_space<hbm>> -> memref<1x128xi32, #tpu.memory_space<hbm>>
      %dma_start3A_63 = tpu.memref_squeeze %dma_start3A_62 : memref<1x128xi32, #tpu.memory_space<hbm>> -> memref<128xi32, #tpu.memory_space<hbm>>
      tpu.enqueue_dma source(%dma_start3A_63 : memref<128xi32, #tpu.memory_space<hbm>>) target(%arg9 : memref<128xi32, #tpu.memory_space<vmem>>) target_semaphore(%arg19 : memref<!tpu.dma_semaphore, #tpu.memory_space<semaphore_mem>>)
      %add3A_64 = arith.constant 1 : i32
      %add3A_65 = arith.addi %add3A_32, %add3A_64 : i32
      %dma_start3A_66 = arith.constant 0 : i32
      %dma_start3A_67 = tpu.memref_slice %arg4[%add3A_65, %dma_start3A_66] : memref<2500x128xi32, #tpu.memory_space<hbm>> -> memref<1x128xi32, #tpu.memory_space<hbm>>
      %dma_start3A_68 = tpu.memref_squeeze %dma_start3A_67 : memref<1x128xi32, #tpu.memory_space<hbm>> -> memref<128xi32, #tpu.memory_space<hbm>>
      %dma_start3A_69 = arith.constant 0 : i32
      %dma_start3A_70 = tpu.memref_slice %arg4[%add3A_65, %dma_start3A_69] : memref<2500x128xi32, #tpu.memory_space<hbm>> -> memref<1x128xi32, #tpu.memory_space<hbm>>
      %dma_start3A_71 = tpu.memref_squeeze %dma_start3A_70 : memref<1x128xi32, #tpu.memory_space<hbm>> -> memref<128xi32, #tpu.memory_space<hbm>>
      tpu.enqueue_dma source(%dma_start3A_71 : memref<128xi32, #tpu.memory_space<hbm>>) target(%arg10 : memref<128xi32, #tpu.memory_space<vmem>>) target_semaphore(%arg20 : memref<!tpu.dma_semaphore, #tpu.memory_space<semaphore_mem>>)
      %add3A_72 = arith.constant 2 : i32
      %add3A_73 = arith.addi %add3A_32, %add3A_72 : i32
      %dma_start3A_74 = arith.constant 0 : i32
      %dma_start3A_75 = tpu.memref_slice %arg4[%add3A_73, %dma_start3A_74] : memref<2500x128xi32, #tpu.memory_space<hbm>> -> memref<1x128xi32, #tpu.memory_space<hbm>>
      %dma_start3A_76 = tpu.memref_squeeze %dma_start3A_75 : memref<1x128xi32, #tpu.memory_space<hbm>> -> memref<128xi32, #tpu.memory_space<hbm>>
      %dma_start3A_77 = arith.constant 0 : i32
      %dma_start3A_78 = tpu.memref_slice %arg4[%add3A_73, %dma_start3A_77] : memref<2500x128xi32, #tpu.memory_space<hbm>> -> memref<1x128xi32, #tpu.memory_space<hbm>>
      %dma_start3A_79 = tpu.memref_squeeze %dma_start3A_78 : memref<1x128xi32, #tpu.memory_space<hbm>> -> memref<128xi32, #tpu.memory_space<hbm>>
      tpu.enqueue_dma source(%dma_start3A_79 : memref<128xi32, #tpu.memory_space<hbm>>) target(%arg11 : memref<128xi32, #tpu.memory_space<vmem>>) target_semaphore(%arg21 : memref<!tpu.dma_semaphore, #tpu.memory_space<semaphore_mem>>)
      %dma_wait3A = arith.constant 0 : i32
      %dma_wait3A_80 = tpu.memref_slice %arg3[%add3A_34, %dma_wait3A] : memref<2500x128xi32, #tpu.memory_space<hbm>> -> memref<1x128xi32, #tpu.memory_space<hbm>>
      %dma_wait3A_81 = tpu.memref_squeeze %dma_wait3A_80 : memref<1x128xi32, #tpu.memory_space<hbm>> -> memref<128xi32, #tpu.memory_space<hbm>>
      %dma_wait3A_82 = arith.constant 0 : i32
      %dma_wait3A_83 = tpu.memref_slice %arg3[%add3A_34, %dma_wait3A_82] : memref<2500x128xi32, #tpu.memory_space<hbm>> -> memref<1x128xi32, #tpu.memory_space<hbm>>
      %dma_wait3A_84 = tpu.memref_squeeze %dma_wait3A_83 : memref<1x128xi32, #tpu.memory_space<hbm>> -> memref<128xi32, #tpu.memory_space<hbm>>
      tpu.wait_dma2 semaphore(%arg16 : memref<!tpu.dma_semaphore, #tpu.memory_space<semaphore_mem>>) src(%dma_wait3A_84 : memref<128xi32, #tpu.memory_space<hbm>>) dst(%arg6 : memref<128xi32, #tpu.memory_space<vmem>>)
      %dma_start3A_85 = arith.constant 0 : i32
      %dma_start3A_86 = arith.constant 0 : i32
      %dma_start3A_87 = tpu.memref_slice %arg2[%dma_start3A_85, %dma_start3A_86] : memref<10000x128xf32, #tpu.memory_space<hbm>> -> memref<10000x128xf32, #tpu.memory_space<hbm>>
      tpu.enqueue_indirect_dma source(%dma_start3A_87 : memref<10000x128xf32, #tpu.memory_space<hbm>>) target(%arg12 : memref<128x128xf32, #tpu.memory_space<vmem>>) offsets(%arg6 : memref<128xi32, #tpu.memory_space<vmem>>) semaphore(%arg22 : memref<!tpu.dma_semaphore, #tpu.memory_space<semaphore_mem>>)
      %dma_wait3A_88 = arith.constant 0 : i32
      %dma_wait3A_89 = tpu.memref_slice %arg3[%add3A_41, %dma_wait3A_88] : memref<2500x128xi32, #tpu.memory_space<hbm>> -> memref<1x128xi32, #tpu.memory_space<hbm>>
      %dma_wait3A_90 = tpu.memref_squeeze %dma_wait3A_89 : memref<1x128xi32, #tpu.memory_space<hbm>> -> memref<128xi32, #tpu.memory_space<hbm>>
      %dma_wait3A_91 = arith.constant 0 : i32
      %dma_wait3A_92 = tpu.memref_slice %arg3[%add3A_41, %dma_wait3A_91] : memref<2500x128xi32, #tpu.memory_space<hbm>> -> memref<1x128xi32, #tpu.memory_space<hbm>>
      %dma_wait3A_93 = tpu.memref_squeeze %dma_wait3A_92 : memref<1x128xi32, #tpu.memory_space<hbm>> -> memref<128xi32, #tpu.memory_space<hbm>>
      tpu.wait_dma2 semaphore(%arg17 : memref<!tpu.dma_semaphore, #tpu.memory_space<semaphore_mem>>) src(%dma_wait3A_93 : memref<128xi32, #tpu.memory_space<hbm>>) dst(%arg7 : memref<128xi32, #tpu.memory_space<vmem>>)
      %dma_start3A_94 = arith.constant 0 : i32
      %dma_start3A_95 = arith.constant 0 : i32
      %dma_start3A_96 = tpu.memref_slice %arg2[%dma_start3A_94, %dma_start3A_95] : memref<10000x128xf32, #tpu.memory_space<hbm>> -> memref<10000x128xf32, #tpu.memory_space<hbm>>
      tpu.enqueue_indirect_dma source(%dma_start3A_96 : memref<10000x128xf32, #tpu.memory_space<hbm>>) target(%arg13 : memref<128x128xf32, #tpu.memory_space<vmem>>) offsets(%arg7 : memref<128xi32, #tpu.memory_space<vmem>>) semaphore(%arg23 : memref<!tpu.dma_semaphore, #tpu.memory_space<semaphore_mem>>)
      %dma_wait3A_97 = arith.constant 0 : i32
      %dma_wait3A_98 = tpu.memref_slice %arg3[%add3A_49, %dma_wait3A_97] : memref<2500x128xi32, #tpu.memory_space<hbm>> -> memref<1x128xi32, #tpu.memory_space<hbm>>
      %dma_wait3A_99 = tpu.memref_squeeze %dma_wait3A_98 : memref<1x128xi32, #tpu.memory_space<hbm>> -> memref<128xi32, #tpu.memory_space<hbm>>
      %dma_wait3A_100 = arith.constant 0 : i32
      %dma_wait3A_101 = tpu.memref_slice %arg3[%add3A_49, %dma_wait3A_100] : memref<2500x128xi32, #tpu.memory_space<hbm>> -> memref<1x128xi32, #tpu.memory_space<hbm>>
      %dma_wait3A_102 = tpu.memref_squeeze %dma_wait3A_101 : memref<1x128xi32, #tpu.memory_space<hbm>> -> memref<128xi32, #tpu.memory_space<hbm>>
      tpu.wait_dma2 semaphore(%arg18 : memref<!tpu.dma_semaphore, #tpu.memory_space<semaphore_mem>>) src(%dma_wait3A_102 : memref<128xi32, #tpu.memory_space<hbm>>) dst(%arg8 : memref<128xi32, #tpu.memory_space<vmem>>)
      %dma_start3A_103 = arith.constant 0 : i32
      %dma_start3A_104 = arith.constant 0 : i32
      %dma_start3A_105 = tpu.memref_slice %arg2[%dma_start3A_103, %dma_start3A_104] : memref<10000x128xf32, #tpu.memory_space<hbm>> -> memref<10000x128xf32, #tpu.memory_space<hbm>>
      tpu.enqueue_indirect_dma source(%dma_start3A_105 : memref<10000x128xf32, #tpu.memory_space<hbm>>) target(%arg14 : memref<128x128xf32, #tpu.memory_space<vmem>>) offsets(%arg8 : memref<128xi32, #tpu.memory_space<vmem>>) semaphore(%arg24 : memref<!tpu.dma_semaphore, #tpu.memory_space<semaphore_mem>>)
      %dma_wait3A_106 = arith.constant 0 : i32
      %dma_wait3A_107 = arith.constant 0 : i32
      %dma_wait3A_108 = tpu.memref_slice %arg2[%dma_wait3A_106, %dma_wait3A_107] : memref<10000x128xf32, #tpu.memory_space<hbm>> -> memref<10000x128xf32, #tpu.memory_space<hbm>>
      tpu.wait_indirect_dma semaphore(%arg22 : memref<!tpu.dma_semaphore, #tpu.memory_space<semaphore_mem>>) src(%dma_wait3A_108 : memref<10000x128xf32, #tpu.memory_space<hbm>>) dst(%arg12 : memref<128x128xf32, #tpu.memory_space<vmem>>)
      %dma_wait3A_109 = arith.constant 0 : i32
      %dma_wait3A_110 = tpu.memref_slice %arg4[%add3A_57, %dma_wait3A_109] : memref<2500x128xi32, #tpu.memory_space<hbm>> -> memref<1x128xi32, #tpu.memory_space<hbm>>
      %dma_wait3A_111 = tpu.memref_squeeze %dma_wait3A_110 : memref<1x128xi32, #tpu.memory_space<hbm>> -> memref<128xi32, #tpu.memory_space<hbm>>
      %dma_wait3A_112 = arith.constant 0 : i32
      %dma_wait3A_113 = tpu.memref_slice %arg4[%add3A_57, %dma_wait3A_112] : memref<2500x128xi32, #tpu.memory_space<hbm>> -> memref<1x128xi32, #tpu.memory_space<hbm>>
      %dma_wait3A_114 = tpu.memref_squeeze %dma_wait3A_113 : memref<1x128xi32, #tpu.memory_space<hbm>> -> memref<128xi32, #tpu.memory_space<hbm>>
      tpu.wait_dma2 semaphore(%arg19 : memref<!tpu.dma_semaphore, #tpu.memory_space<semaphore_mem>>) src(%dma_wait3A_114 : memref<128xi32, #tpu.memory_space<hbm>>) dst(%arg9 : memref<128xi32, #tpu.memory_space<vmem>>)
      %dma_start3A_115 = arith.constant 0 : i32
      %dma_start3A_116 = arith.constant 0 : i32
      %dma_start3A_117 = tpu.memref_slice %arg15[%dma_start3A_115, %dma_start3A_116] : memref<10112x128xf32, #tpu.memory_space<vmem_shared>> -> memref<10112x128xf32, #tpu.memory_space<vmem_shared>>
      tpu.enqueue_indirect_dma source(%arg12 : memref<128x128xf32, #tpu.memory_space<vmem>>) target(%dma_start3A_117 : memref<10112x128xf32, #tpu.memory_space<vmem_shared>>) offsets(%arg9 : memref<128xi32, #tpu.memory_space<vmem>>) semaphore(%arg25 : memref<!tpu.dma_semaphore, #tpu.memory_space<semaphore_mem>>) {add = true}
      %dma_wait3A_118 = arith.constant 0 : i32
      %dma_wait3A_119 = arith.constant 0 : i32
      %dma_wait3A_120 = tpu.memref_slice %arg2[%dma_wait3A_118, %dma_wait3A_119] : memref<10000x128xf32, #tpu.memory_space<hbm>> -> memref<10000x128xf32, #tpu.memory_space<hbm>>
      tpu.wait_indirect_dma semaphore(%arg23 : memref<!tpu.dma_semaphore, #tpu.memory_space<semaphore_mem>>) src(%dma_wait3A_120 : memref<10000x128xf32, #tpu.memory_space<hbm>>) dst(%arg13 : memref<128x128xf32, #tpu.memory_space<vmem>>)
      %dma_wait3A_121 = arith.constant 0 : i32
      %dma_wait3A_122 = tpu.memref_slice %arg4[%add3A_65, %dma_wait3A_121] : memref<2500x128xi32, #tpu.memory_space<hbm>> -> memref<1x128xi32, #tpu.memory_space<hbm>>
      %dma_wait3A_123 = tpu.memref_squeeze %dma_wait3A_122 : memref<1x128xi32, #tpu.memory_space<hbm>> -> memref<128xi32, #tpu.memory_space<hbm>>
      %dma_wait3A_124 = arith.constant 0 : i32
      %dma_wait3A_125 = tpu.memref_slice %arg4[%add3A_65, %dma_wait3A_124] : memref<2500x128xi32, #tpu.memory_space<hbm>> -> memref<1x128xi32, #tpu.memory_space<hbm>>
      %dma_wait3A_126 = tpu.memref_squeeze %dma_wait3A_125 : memref<1x128xi32, #tpu.memory_space<hbm>> -> memref<128xi32, #tpu.memory_space<hbm>>
      tpu.wait_dma2 semaphore(%arg20 : memref<!tpu.dma_semaphore, #tpu.memory_space<semaphore_mem>>) src(%dma_wait3A_126 : memref<128xi32, #tpu.memory_space<hbm>>) dst(%arg10 : memref<128xi32, #tpu.memory_space<vmem>>)
      %dma_start3A_127 = arith.constant 0 : i32
      %dma_start3A_128 = arith.constant 0 : i32
      %dma_start3A_129 = tpu.memref_slice %arg15[%dma_start3A_127, %dma_start3A_128] : memref<10112x128xf32, #tpu.memory_space<vmem_shared>> -> memref<10112x128xf32, #tpu.memory_space<vmem_shared>>
      tpu.enqueue_indirect_dma source(%arg13 : memref<128x128xf32, #tpu.memory_space<vmem>>) target(%dma_start3A_129 : memref<10112x128xf32, #tpu.memory_space<vmem_shared>>) offsets(%arg10 : memref<128xi32, #tpu.memory_space<vmem>>) semaphore(%arg26 : memref<!tpu.dma_semaphore, #tpu.memory_space<semaphore_mem>>) {add = true}
      %dma_wait3A_130 = arith.constant 0 : i32
      %dma_wait3A_131 = arith.constant 0 : i32
      %dma_wait3A_132 = tpu.memref_slice %arg2[%dma_wait3A_130, %dma_wait3A_131] : memref<10000x128xf32, #tpu.memory_space<hbm>> -> memref<10000x128xf32, #tpu.memory_space<hbm>>
      tpu.wait_indirect_dma semaphore(%arg24 : memref<!tpu.dma_semaphore, #tpu.memory_space<semaphore_mem>>) src(%dma_wait3A_132 : memref<10000x128xf32, #tpu.memory_space<hbm>>) dst(%arg14 : memref<128x128xf32, #tpu.memory_space<vmem>>)
      %dma_wait3A_133 = arith.constant 0 : i32
      %dma_wait3A_134 = tpu.memref_slice %arg4[%add3A_73, %dma_wait3A_133] : memref<2500x128xi32, #tpu.memory_space<hbm>> -> memref<1x128xi32, #tpu.memory_space<hbm>>
      %dma_wait3A_135 = tpu.memref_squeeze %dma_wait3A_134 : memref<1x128xi32, #tpu.memory_space<hbm>> -> memref<128xi32, #tpu.memory_space<hbm>>
      %dma_wait3A_136 = arith.constant 0 : i32
      %dma_wait3A_137 = tpu.memref_slice %arg4[%add3A_73, %dma_wait3A_136] : memref<2500x128xi32, #tpu.memory_space<hbm>> -> memref<1x128xi32, #tpu.memory_space<hbm>>
      %dma_wait3A_138 = tpu.memref_squeeze %dma_wait3A_137 : memref<1x128xi32, #tpu.memory_space<hbm>> -> memref<128xi32, #tpu.memory_space<hbm>>
      tpu.wait_dma2 semaphore(%arg21 : memref<!tpu.dma_semaphore, #tpu.memory_space<semaphore_mem>>) src(%dma_wait3A_138 : memref<128xi32, #tpu.memory_space<hbm>>) dst(%arg11 : memref<128xi32, #tpu.memory_space<vmem>>)
      %dma_start3A_139 = arith.constant 0 : i32
      %dma_start3A_140 = arith.constant 0 : i32
      %dma_start3A_141 = tpu.memref_slice %arg15[%dma_start3A_139, %dma_start3A_140] : memref<10112x128xf32, #tpu.memory_space<vmem_shared>> -> memref<10112x128xf32, #tpu.memory_space<vmem_shared>>
      tpu.enqueue_indirect_dma source(%arg14 : memref<128x128xf32, #tpu.memory_space<vmem>>) target(%dma_start3A_141 : memref<10112x128xf32, #tpu.memory_space<vmem_shared>>) offsets(%arg11 : memref<128xi32, #tpu.memory_space<vmem>>) semaphore(%arg27 : memref<!tpu.dma_semaphore, #tpu.memory_space<semaphore_mem>>) {add = true}
      %dma_wait3A_142 = arith.constant 0 : i32
      %dma_wait3A_143 = arith.constant 0 : i32
      %dma_wait3A_144 = tpu.memref_slice %arg15[%dma_wait3A_142, %dma_wait3A_143] : memref<10112x128xf32, #tpu.memory_space<vmem_shared>> -> memref<10112x128xf32, #tpu.memory_space<vmem_shared>>
      tpu.wait_indirect_dma semaphore(%arg25 : memref<!tpu.dma_semaphore, #tpu.memory_space<semaphore_mem>>) src(%arg12 : memref<128x128xf32, #tpu.memory_space<vmem>>) dst(%dma_wait3A_144 : memref<10112x128xf32, #tpu.memory_space<vmem_shared>>)
      %dma_wait3A_145 = arith.constant 0 : i32
      %dma_wait3A_146 = arith.constant 0 : i32
      %dma_wait3A_147 = tpu.memref_slice %arg15[%dma_wait3A_145, %dma_wait3A_146] : memref<10112x128xf32, #tpu.memory_space<vmem_shared>> -> memref<10112x128xf32, #tpu.memory_space<vmem_shared>>
      tpu.wait_indirect_dma semaphore(%arg26 : memref<!tpu.dma_semaphore, #tpu.memory_space<semaphore_mem>>) src(%arg13 : memref<128x128xf32, #tpu.memory_space<vmem>>) dst(%dma_wait3A_147 : memref<10112x128xf32, #tpu.memory_space<vmem_shared>>)
      %dma_wait3A_148 = arith.constant 0 : i32
      %dma_wait3A_149 = arith.constant 0 : i32
      %dma_wait3A_150 = tpu.memref_slice %arg15[%dma_wait3A_148, %dma_wait3A_149] : memref<10112x128xf32, #tpu.memory_space<vmem_shared>> -> memref<10112x128xf32, #tpu.memory_space<vmem_shared>>
      tpu.wait_indirect_dma semaphore(%arg27 : memref<!tpu.dma_semaphore, #tpu.memory_space<semaphore_mem>>) src(%arg14 : memref<128x128xf32, #tpu.memory_space<vmem>>) dst(%dma_wait3A_150 : memref<10112x128xf32, #tpu.memory_space<vmem_shared>>)
    }
    %scan3A_21 = arith.constant 26 : i32
    %lt3A = arith.constant 4 : i32
    %lt3A_22 = arith.cmpi slt, %add3A, %lt3A : i32
    %convert_element_type3A = arith.extui %lt3A_22 : i1 to i32
    %cond3A = arith.constant 0 : i32
    %cond3A_23 = arith.cmpi ne, %convert_element_type3A, %cond3A : i32
    scf.if %cond3A_23 {
      %add3A_27 = arith.constant 2496 : i32
      %add3A_28 = arith.addi %add3A_27, %add3A : i32
      "tpu.region"() ({
        %run_scoped3A = tpu.sem_alloc : memref<!tpu.dma_semaphore, #tpu.memory_space<semaphore_mem>>
        %dma_start3A_33 = arith.constant 0 : i32
        %dma_start3A_34 = tpu.memref_slice %arg3[%add3A_28, %dma_start3A_33] : memref<2500x128xi32, #tpu.memory_space<hbm>> -> memref<1x128xi32, #tpu.memory_space<hbm>>
        %dma_start3A_35 = tpu.memref_squeeze %dma_start3A_34 : memref<1x128xi32, #tpu.memory_space<hbm>> -> memref<128xi32, #tpu.memory_space<hbm>>
        %dma_start3A_36 = arith.constant 0 : i32
        %dma_start3A_37 = tpu.memref_slice %arg3[%add3A_28, %dma_start3A_36] : memref<2500x128xi32, #tpu.memory_space<hbm>> -> memref<1x128xi32, #tpu.memory_space<hbm>>
        %dma_start3A_38 = tpu.memref_squeeze %dma_start3A_37 : memref<1x128xi32, #tpu.memory_space<hbm>> -> memref<128xi32, #tpu.memory_space<hbm>>
        tpu.enqueue_dma source(%dma_start3A_38 : memref<128xi32, #tpu.memory_space<hbm>>) target(%arg6 : memref<128xi32, #tpu.memory_space<vmem>>) target_semaphore(%run_scoped3A : memref<!tpu.dma_semaphore, #tpu.memory_space<semaphore_mem>>)
        %dma_wait3A_39 = arith.constant 0 : i32
        %dma_wait3A_40 = tpu.memref_slice %arg3[%add3A_28, %dma_wait3A_39] : memref<2500x128xi32, #tpu.memory_space<hbm>> -> memref<1x128xi32, #tpu.memory_space<hbm>>
        %dma_wait3A_41 = tpu.memref_squeeze %dma_wait3A_40 : memref<1x128xi32, #tpu.memory_space<hbm>> -> memref<128xi32, #tpu.memory_space<hbm>>
        %dma_wait3A_42 = arith.constant 0 : i32
        %dma_wait3A_43 = tpu.memref_slice %arg3[%add3A_28, %dma_wait3A_42] : memref<2500x128xi32, #tpu.memory_space<hbm>> -> memref<1x128xi32, #tpu.memory_space<hbm>>
        %dma_wait3A_44 = tpu.memref_squeeze %dma_wait3A_43 : memref<1x128xi32, #tpu.memory_space<hbm>> -> memref<128xi32, #tpu.memory_space<hbm>>
        tpu.wait_dma2 semaphore(%run_scoped3A : memref<!tpu.dma_semaphore, #tpu.memory_space<semaphore_mem>>) src(%dma_wait3A_44 : memref<128xi32, #tpu.memory_space<hbm>>) dst(%arg6 : memref<128xi32, #tpu.memory_space<vmem>>)
        tpu.yield
      }) : () -> ()
      "tpu.region"() ({
        %run_scoped3A = tpu.sem_alloc : memref<!tpu.dma_semaphore, #tpu.memory_space<semaphore_mem>>
        %dma_start3A_33 = arith.constant 0 : i32
        %dma_start3A_34 = tpu.memref_slice %arg4[%add3A_28, %dma_start3A_33] : memref<2500x128xi32, #tpu.memory_space<hbm>> -> memref<1x128xi32, #tpu.memory_space<hbm>>
        %dma_start3A_35 = tpu.memref_squeeze %dma_start3A_34 : memref<1x128xi32, #tpu.memory_space<hbm>> -> memref<128xi32, #tpu.memory_space<hbm>>
        %dma_start3A_36 = arith.constant 0 : i32
        %dma_start3A_37 = tpu.memref_slice %arg4[%add3A_28, %dma_start3A_36] : memref<2500x128xi32, #tpu.memory_space<hbm>> -> memref<1x128xi32, #tpu.memory_space<hbm>>
        %dma_start3A_38 = tpu.memref_squeeze %dma_start3A_37 : memref<1x128xi32, #tpu.memory_space<hbm>> -> memref<128xi32, #tpu.memory_space<hbm>>
        tpu.enqueue_dma source(%dma_start3A_38 : memref<128xi32, #tpu.memory_space<hbm>>) target(%arg9 : memref<128xi32, #tpu.memory_space<vmem>>) target_semaphore(%run_scoped3A : memref<!tpu.dma_semaphore, #tpu.memory_space<semaphore_mem>>)
        %dma_wait3A_39 = arith.constant 0 : i32
        %dma_wait3A_40 = tpu.memref_slice %arg4[%add3A_28, %dma_wait3A_39] : memref<2500x128xi32, #tpu.memory_space<hbm>> -> memref<1x128xi32, #tpu.memory_space<hbm>>
        %dma_wait3A_41 = tpu.memref_squeeze %dma_wait3A_40 : memref<1x128xi32, #tpu.memory_space<hbm>> -> memref<128xi32, #tpu.memory_space<hbm>>
        %dma_wait3A_42 = arith.constant 0 : i32
        %dma_wait3A_43 = tpu.memref_slice %arg4[%add3A_28, %dma_wait3A_42] : memref<2500x128xi32, #tpu.memory_space<hbm>> -> memref<1x128xi32, #tpu.memory_space<hbm>>
        %dma_wait3A_44 = tpu.memref_squeeze %dma_wait3A_43 : memref<1x128xi32, #tpu.memory_space<hbm>> -> memref<128xi32, #tpu.memory_space<hbm>>
        tpu.wait_dma2 semaphore(%run_scoped3A : memref<!tpu.dma_semaphore, #tpu.memory_space<semaphore_mem>>) src(%dma_wait3A_44 : memref<128xi32, #tpu.memory_space<hbm>>) dst(%arg9 : memref<128xi32, #tpu.memory_space<vmem>>)
        tpu.yield
      }) : () -> ()
      %dma_start3A = arith.constant 0 : i32
      %dma_start3A_29 = arith.constant 0 : i32
      %dma_start3A_30 = tpu.memref_slice %arg2[%dma_start3A, %dma_start3A_29] : memref<10000x128xf32, #tpu.memory_space<hbm>> -> memref<10000x128xf32, #tpu.memory_space<hbm>>
      tpu.enqueue_indirect_dma source(%dma_start3A_30 : memref<10000x128xf32, #tpu.memory_space<hbm>>) target(%arg12 : memref<128x128xf32, #tpu.memory_space<vmem>>) offsets(%arg6 : memref<128xi32, #tpu.memory_space<vmem>>) semaphore(%arg22 : memref<!tpu.dma_semaphore, #tpu.memory_space<semaphore_mem>>)
      %dma_wait3A = arith.constant 0 : i32
      %dma_wait3A_31 = arith.constant 0 : i32
      %dma_wait3A_32 = tpu.memref_slice %arg2[%dma_wait3A, %dma_wait3A_31] : memref<10000x128xf32, #tpu.memory_space<hbm>> -> memref<10000x128xf32, #tpu.memory_space<hbm>>
      tpu.wait_indirect_dma semaphore(%arg22 : memref<!tpu.dma_semaphore, #tpu.memory_space<semaphore_mem>>) src(%dma_wait3A_32 : memref<10000x128xf32, #tpu.memory_space<hbm>>) dst(%arg12 : memref<128x128xf32, #tpu.memory_space<vmem>>)
      "tpu.region"() ({
        %run_scoped3A = tpu.sem_alloc : memref<!tpu.dma_semaphore, #tpu.memory_space<semaphore_mem>>
        %dma_start3A_33 = arith.constant 0 : i32
        %dma_start3A_34 = arith.constant 0 : i32
        %dma_start3A_35 = tpu.memref_slice %arg15[%dma_start3A_33, %dma_start3A_34] : memref<10112x128xf32, #tpu.memory_space<vmem_shared>> -> memref<10112x128xf32, #tpu.memory_space<vmem_shared>>
        tpu.enqueue_indirect_dma source(%arg12 : memref<128x128xf32, #tpu.memory_space<vmem>>) target(%dma_start3A_35 : memref<10112x128xf32, #tpu.memory_space<vmem_shared>>) offsets(%arg9 : memref<128xi32, #tpu.memory_space<vmem>>) semaphore(%run_scoped3A : memref<!tpu.dma_semaphore, #tpu.memory_space<semaphore_mem>>) {add = true}
        %dma_wait3A_36 = arith.constant 0 : i32
        %dma_wait3A_37 = arith.constant 0 : i32
        %dma_wait3A_38 = tpu.memref_slice %arg15[%dma_wait3A_36, %dma_wait3A_37] : memref<10112x128xf32, #tpu.memory_space<vmem_shared>> -> memref<10112x128xf32, #tpu.memory_space<vmem_shared>>
        tpu.wait_indirect_dma semaphore(%run_scoped3A : memref<!tpu.dma_semaphore, #tpu.memory_space<semaphore_mem>>) src(%arg12 : memref<128x128xf32, #tpu.memory_space<vmem>>) dst(%dma_wait3A_38 : memref<10112x128xf32, #tpu.memory_space<vmem_shared>>)
        tpu.yield
      }) : () -> ()
    } else {
    }
    %barrier3A_24 = arith.constant 0 : index
    tpu.barrier barrier_id(%barrier3A_24)
    %mul3A_25 = arith.constant 632 : i32
    %mul3A_26 = arith.muli %arg1, %mul3A_25 : i32
    "tpu.region"() ({
      %run_scoped3A = tpu.sem_alloc : memref<!tpu.dma_semaphore, #tpu.memory_space<semaphore_mem>>
      %dma_start3A = arith.constant 0 : i32
      %dma_start3A_27 = tpu.memref_slice %arg5[%arg0, %mul3A_26, %dma_start3A] : memref<2x10112x128xf32, #tpu.memory_space<hbm>> -> memref<1x632x128xf32, #tpu.memory_space<hbm>>
      %dma_start3A_28 = tpu.memref_squeeze %dma_start3A_27 : memref<1x632x128xf32, #tpu.memory_space<hbm>> -> memref<632x128xf32, #tpu.memory_space<hbm>>
      %dma_start3A_29 = arith.constant 0 : i32
      %dma_start3A_30 = tpu.memref_slice %arg15[%mul3A_26, %dma_start3A_29] : memref<10112x128xf32, #tpu.memory_space<vmem_shared>> -> memref<632x128xf32, #tpu.memory_space<vmem_shared>>
      tpu.enqueue_dma source(%dma_start3A_30 : memref<632x128xf32, #tpu.memory_space<vmem_shared>>) target(%dma_start3A_28 : memref<632x128xf32, #tpu.memory_space<hbm>>) target_semaphore(%run_scoped3A : memref<!tpu.dma_semaphore, #tpu.memory_space<semaphore_mem>>)
      %dma_wait3A = arith.constant 0 : i32
      %dma_wait3A_31 = tpu.memref_slice %arg5[%arg0, %mul3A_26, %dma_wait3A] : memref<2x10112x128xf32, #tpu.memory_space<hbm>> -> memref<1x632x128xf32, #tpu.memory_space<hbm>>
      %dma_wait3A_32 = tpu.memref_squeeze %dma_wait3A_31 : memref<1x632x128xf32, #tpu.memory_space<hbm>> -> memref<632x128xf32, #tpu.memory_space<hbm>>
      %dma_wait3A_33 = arith.constant 0 : i32
      %dma_wait3A_34 = tpu.memref_slice %arg15[%mul3A_26, %dma_wait3A_33] : memref<10112x128xf32, #tpu.memory_space<vmem_shared>> -> memref<632x128xf32, #tpu.memory_space<vmem_shared>>
      tpu.wait_dma2 semaphore(%run_scoped3A : memref<!tpu.dma_semaphore, #tpu.memory_space<semaphore_mem>>) src(%dma_wait3A_34 : memref<632x128xf32, #tpu.memory_space<vmem_shared>>) dst(%dma_wait3A_32 : memref<632x128xf32, #tpu.memory_space<hbm>>)
      tpu.yield
    }) : () -> ()
    return
  }
}

#map = affine_map<(d0, d1) -> (0, 0)>
module attributes {stable_mosaic.version = 14 : i64} {
  func.func @deg_kernel(%arg0: i32, %arg1: i32, %arg2: memref<2500x128xi32, #tpu.memory_space<hbm>>, %arg3: memref<2x10240xf32, #tpu.memory_space<hbm>>, %arg4: memref<128xi32, #tpu.memory_space<vmem>>, %arg5: memref<128xi32, #tpu.memory_space<vmem>>, %arg6: memref<128xi32, #tpu.memory_space<vmem>>, %arg7: memref<128xf32, #tpu.memory_space<vmem>>, %arg8: memref<640xf32, #tpu.memory_space<vmem>>, %arg9: memref<10240xf32, #tpu.memory_space<vmem_shared>>, %arg10: memref<!tpu.dma_semaphore, #tpu.memory_space<semaphore_mem>>, %arg11: memref<!tpu.dma_semaphore, #tpu.memory_space<semaphore_mem>>, %arg12: memref<!tpu.dma_semaphore, #tpu.memory_space<semaphore_mem>>, %arg13: memref<!tpu.dma_semaphore, #tpu.memory_space<semaphore_mem>>, %arg14: memref<!tpu.dma_semaphore, #tpu.memory_space<semaphore_mem>>, %arg15: memref<!tpu.dma_semaphore, #tpu.memory_space<semaphore_mem>>) attributes {dimension_semantics = [#tpu.dimension_semantics<core_parallel>, #tpu.dimension_semantics<subcore_parallel>], iteration_bounds = array<i64: 2, 16>, scalar_prefetch = 0 : i64, scratch_operands = 12 : i64, tpu.core_type = #tpu.core_type<sc_vector_subcore>, window_params = [{transform_indices = #map}, {transform_indices = #map}]} {
    %mul3A = arith.constant 2 : i32
    %mul3A_0 = arith.muli %arg1, %mul3A : i32
    %add3A = arith.addi %mul3A_0, %arg0 : i32
    %scan3A = arith.constant 0 : i32
    %scan3A_1 = arith.constant 8 : i32
    %scan3A_2 = arith.addi %scan3A, %scan3A_1 : i32
    %scan3A_3 = arith.constant 1 : i32
    scf.for %scan3A_24 = %scan3A to %scan3A_2 step %scan3A_3  : i32 {
      %broadcast_in_dim3A = arith.constant 1.000000e+00 : f32
      %broadcast_in_dim3A_25 = vector.broadcast %broadcast_in_dim3A : f32 to vector<16xf32>
      %mul3A_26 = arith.constant 16 : i32
      %mul3A_27 = arith.muli %scan3A_24, %mul3A_26 : i32
      %swap3A = arith.index_cast %mul3A_27 : i32 to index
      %swap3A_28 = tpu.vector_load %arg7[%swap3A] {strides = array<i32>} : memref<128xf32, #tpu.memory_space<vmem>>, vector<16xf32>,
      %swap3A_29 = vector.shape_cast %swap3A_28 : vector<16xf32> to vector<16xf32>
      %swap3A_30 = vector.shape_cast %broadcast_in_dim3A_25 : vector<16xf32> to vector<16xf32>
      tpu.vector_store %arg7[%swap3A], %swap3A_30 {strides = array<i32>} : memref<128xf32, #tpu.memory_space<vmem>>, vector<16xf32>,
    }
    %scan3A_4 = arith.constant 8 : i32
    %scan3A_5 = arith.constant 0 : i32
    %scan3A_6 = arith.constant 40 : i32
    %scan3A_7 = arith.addi %scan3A_5, %scan3A_6 : i32
    %scan3A_8 = arith.constant 1 : i32
    scf.for %scan3A_24 = %scan3A_5 to %scan3A_7 step %scan3A_8  : i32 {
      %broadcast_in_dim3A = arith.constant 0.000000e+00 : f32
      %broadcast_in_dim3A_25 = vector.broadcast %broadcast_in_dim3A : f32 to vector<16xf32>
      %mul3A_26 = arith.constant 16 : i32
      %mul3A_27 = arith.muli %scan3A_24, %mul3A_26 : i32
      %swap3A = arith.index_cast %mul3A_27 : i32 to index
      %swap3A_28 = tpu.vector_load %arg8[%swap3A] {strides = array<i32>} : memref<640xf32, #tpu.memory_space<vmem>>, vector<16xf32>,
      %swap3A_29 = vector.shape_cast %swap3A_28 : vector<16xf32> to vector<16xf32>
      %swap3A_30 = vector.shape_cast %broadcast_in_dim3A_25 : vector<16xf32> to vector<16xf32>
      tpu.vector_store %arg8[%swap3A], %swap3A_30 {strides = array<i32>} : memref<640xf32, #tpu.memory_space<vmem>>, vector<16xf32>,
    }
    %scan3A_9 = arith.constant 40 : i32
    %mul3A_10 = arith.constant 640 : i32
    %mul3A_11 = arith.muli %arg1, %mul3A_10 : i32
    "tpu.region"() ({
      %run_scoped3A = tpu.sem_alloc : memref<!tpu.dma_semaphore, #tpu.memory_space<semaphore_mem>>
      %dma_start3A = tpu.memref_slice %arg9[%mul3A_11] : memref<10240xf32, #tpu.memory_space<vmem_shared>> -> memref<640xf32, #tpu.memory_space<vmem_shared>>
      %dma_start3A_24 = tpu.memref_slice %arg9[%mul3A_11] : memref<10240xf32, #tpu.memory_space<vmem_shared>> -> memref<640xf32, #tpu.memory_space<vmem_shared>>
      tpu.enqueue_dma source(%arg8 : memref<640xf32, #tpu.memory_space<vmem>>) target(%dma_start3A_24 : memref<640xf32, #tpu.memory_space<vmem_shared>>) target_semaphore(%run_scoped3A : memref<!tpu.dma_semaphore, #tpu.memory_space<semaphore_mem>>)
      %dma_wait3A = tpu.memref_slice %arg9[%mul3A_11] : memref<10240xf32, #tpu.memory_space<vmem_shared>> -> memref<640xf32, #tpu.memory_space<vmem_shared>>
      %dma_wait3A_25 = tpu.memref_slice %arg9[%mul3A_11] : memref<10240xf32, #tpu.memory_space<vmem_shared>> -> memref<640xf32, #tpu.memory_space<vmem_shared>>
      tpu.wait_dma2 semaphore(%run_scoped3A : memref<!tpu.dma_semaphore, #tpu.memory_space<semaphore_mem>>) src(%arg8 : memref<640xf32, #tpu.memory_space<vmem>>) dst(%dma_wait3A_25 : memref<640xf32, #tpu.memory_space<vmem_shared>>)
      tpu.yield
    }) : () -> ()
    %barrier3A = arith.constant 0 : index
    tpu.barrier barrier_id(%barrier3A)
    %scan3A_12 = arith.constant 0 : i32
    %scan3A_13 = arith.constant 26 : i32
    %scan3A_14 = arith.addi %scan3A_12, %scan3A_13 : i32
    %scan3A_15 = arith.constant 1 : i32
    scf.for %scan3A_24 = %scan3A_12 to %scan3A_14 step %scan3A_15  : i32 {
      %mul3A_25 = arith.constant 78 : i32
      %mul3A_26 = arith.muli %add3A, %mul3A_25 : i32
      %mul3A_27 = arith.constant 3 : i32
      %mul3A_28 = arith.muli %mul3A_27, %scan3A_24 : i32
      %add3A_29 = arith.addi %mul3A_26, %mul3A_28 : i32
      %add3A_30 = arith.constant 0 : i32
      %add3A_31 = arith.addi %add3A_29, %add3A_30 : i32
      %dma_start3A = arith.constant 0 : i32
      %dma_start3A_32 = tpu.memref_slice %arg2[%add3A_31, %dma_start3A] : memref<2500x128xi32, #tpu.memory_space<hbm>> -> memref<1x128xi32, #tpu.memory_space<hbm>>
      %dma_start3A_33 = tpu.memref_squeeze %dma_start3A_32 : memref<1x128xi32, #tpu.memory_space<hbm>> -> memref<128xi32, #tpu.memory_space<hbm>>
      %dma_start3A_34 = arith.constant 0 : i32
      %dma_start3A_35 = tpu.memref_slice %arg2[%add3A_31, %dma_start3A_34] : memref<2500x128xi32, #tpu.memory_space<hbm>> -> memref<1x128xi32, #tpu.memory_space<hbm>>
      %dma_start3A_36 = tpu.memref_squeeze %dma_start3A_35 : memref<1x128xi32, #tpu.memory_space<hbm>> -> memref<128xi32, #tpu.memory_space<hbm>>
      tpu.enqueue_dma source(%dma_start3A_36 : memref<128xi32, #tpu.memory_space<hbm>>) target(%arg4 : memref<128xi32, #tpu.memory_space<vmem>>) target_semaphore(%arg10 : memref<!tpu.dma_semaphore, #tpu.memory_space<semaphore_mem>>)
      %add3A_37 = arith.constant 1 : i32
      %add3A_38 = arith.addi %add3A_29, %add3A_37 : i32
      %dma_start3A_39 = arith.constant 0 : i32
      %dma_start3A_40 = tpu.memref_slice %arg2[%add3A_38, %dma_start3A_39] : memref<2500x128xi32, #tpu.memory_space<hbm>> -> memref<1x128xi32, #tpu.memory_space<hbm>>
      %dma_start3A_41 = tpu.memref_squeeze %dma_start3A_40 : memref<1x128xi32, #tpu.memory_space<hbm>> -> memref<128xi32, #tpu.memory_space<hbm>>
      %dma_start3A_42 = arith.constant 0 : i32
      %dma_start3A_43 = tpu.memref_slice %arg2[%add3A_38, %dma_start3A_42] : memref<2500x128xi32, #tpu.memory_space<hbm>> -> memref<1x128xi32, #tpu.memory_space<hbm>>
      %dma_start3A_44 = tpu.memref_squeeze %dma_start3A_43 : memref<1x128xi32, #tpu.memory_space<hbm>> -> memref<128xi32, #tpu.memory_space<hbm>>
      tpu.enqueue_dma source(%dma_start3A_44 : memref<128xi32, #tpu.memory_space<hbm>>) target(%arg5 : memref<128xi32, #tpu.memory_space<vmem>>) target_semaphore(%arg11 : memref<!tpu.dma_semaphore, #tpu.memory_space<semaphore_mem>>)
      %add3A_45 = arith.constant 2 : i32
      %add3A_46 = arith.addi %add3A_29, %add3A_45 : i32
      %dma_start3A_47 = arith.constant 0 : i32
      %dma_start3A_48 = tpu.memref_slice %arg2[%add3A_46, %dma_start3A_47] : memref<2500x128xi32, #tpu.memory_space<hbm>> -> memref<1x128xi32, #tpu.memory_space<hbm>>
      %dma_start3A_49 = tpu.memref_squeeze %dma_start3A_48 : memref<1x128xi32, #tpu.memory_space<hbm>> -> memref<128xi32, #tpu.memory_space<hbm>>
      %dma_start3A_50 = arith.constant 0 : i32
      %dma_start3A_51 = tpu.memref_slice %arg2[%add3A_46, %dma_start3A_50] : memref<2500x128xi32, #tpu.memory_space<hbm>> -> memref<1x128xi32, #tpu.memory_space<hbm>>
      %dma_start3A_52 = tpu.memref_squeeze %dma_start3A_51 : memref<1x128xi32, #tpu.memory_space<hbm>> -> memref<128xi32, #tpu.memory_space<hbm>>
      tpu.enqueue_dma source(%dma_start3A_52 : memref<128xi32, #tpu.memory_space<hbm>>) target(%arg6 : memref<128xi32, #tpu.memory_space<vmem>>) target_semaphore(%arg12 : memref<!tpu.dma_semaphore, #tpu.memory_space<semaphore_mem>>)
      %dma_wait3A = arith.constant 0 : i32
      %dma_wait3A_53 = tpu.memref_slice %arg2[%add3A_31, %dma_wait3A] : memref<2500x128xi32, #tpu.memory_space<hbm>> -> memref<1x128xi32, #tpu.memory_space<hbm>>
      %dma_wait3A_54 = tpu.memref_squeeze %dma_wait3A_53 : memref<1x128xi32, #tpu.memory_space<hbm>> -> memref<128xi32, #tpu.memory_space<hbm>>
      %dma_wait3A_55 = arith.constant 0 : i32
      %dma_wait3A_56 = tpu.memref_slice %arg2[%add3A_31, %dma_wait3A_55] : memref<2500x128xi32, #tpu.memory_space<hbm>> -> memref<1x128xi32, #tpu.memory_space<hbm>>
      %dma_wait3A_57 = tpu.memref_squeeze %dma_wait3A_56 : memref<1x128xi32, #tpu.memory_space<hbm>> -> memref<128xi32, #tpu.memory_space<hbm>>
      tpu.wait_dma2 semaphore(%arg10 : memref<!tpu.dma_semaphore, #tpu.memory_space<semaphore_mem>>) src(%dma_wait3A_57 : memref<128xi32, #tpu.memory_space<hbm>>) dst(%arg4 : memref<128xi32, #tpu.memory_space<vmem>>)
      %dma_start3A_58 = arith.constant 0 : i32
      %dma_start3A_59 = tpu.memref_slice %arg9[%dma_start3A_58] : memref<10240xf32, #tpu.memory_space<vmem_shared>> -> memref<10240xf32, #tpu.memory_space<vmem_shared>>
      tpu.enqueue_indirect_dma source(%arg7 : memref<128xf32, #tpu.memory_space<vmem>>) target(%dma_start3A_59 : memref<10240xf32, #tpu.memory_space<vmem_shared>>) offsets(%arg4 : memref<128xi32, #tpu.memory_space<vmem>>) semaphore(%arg13 : memref<!tpu.dma_semaphore, #tpu.memory_space<semaphore_mem>>) {add = true}
      %dma_wait3A_60 = arith.constant 0 : i32
      %dma_wait3A_61 = tpu.memref_slice %arg2[%add3A_38, %dma_wait3A_60] : memref<2500x128xi32, #tpu.memory_space<hbm>> -> memref<1x128xi32, #tpu.memory_space<hbm>>
      %dma_wait3A_62 = tpu.memref_squeeze %dma_wait3A_61 : memref<1x128xi32, #tpu.memory_space<hbm>> -> memref<128xi32, #tpu.memory_space<hbm>>
      %dma_wait3A_63 = arith.constant 0 : i32
      %dma_wait3A_64 = tpu.memref_slice %arg2[%add3A_38, %dma_wait3A_63] : memref<2500x128xi32, #tpu.memory_space<hbm>> -> memref<1x128xi32, #tpu.memory_space<hbm>>
      %dma_wait3A_65 = tpu.memref_squeeze %dma_wait3A_64 : memref<1x128xi32, #tpu.memory_space<hbm>> -> memref<128xi32, #tpu.memory_space<hbm>>
      tpu.wait_dma2 semaphore(%arg11 : memref<!tpu.dma_semaphore, #tpu.memory_space<semaphore_mem>>) src(%dma_wait3A_65 : memref<128xi32, #tpu.memory_space<hbm>>) dst(%arg5 : memref<128xi32, #tpu.memory_space<vmem>>)
      %dma_start3A_66 = arith.constant 0 : i32
      %dma_start3A_67 = tpu.memref_slice %arg9[%dma_start3A_66] : memref<10240xf32, #tpu.memory_space<vmem_shared>> -> memref<10240xf32, #tpu.memory_space<vmem_shared>>
      tpu.enqueue_indirect_dma source(%arg7 : memref<128xf32, #tpu.memory_space<vmem>>) target(%dma_start3A_67 : memref<10240xf32, #tpu.memory_space<vmem_shared>>) offsets(%arg5 : memref<128xi32, #tpu.memory_space<vmem>>) semaphore(%arg14 : memref<!tpu.dma_semaphore, #tpu.memory_space<semaphore_mem>>) {add = true}
      %dma_wait3A_68 = arith.constant 0 : i32
      %dma_wait3A_69 = tpu.memref_slice %arg2[%add3A_46, %dma_wait3A_68] : memref<2500x128xi32, #tpu.memory_space<hbm>> -> memref<1x128xi32, #tpu.memory_space<hbm>>
      %dma_wait3A_70 = tpu.memref_squeeze %dma_wait3A_69 : memref<1x128xi32, #tpu.memory_space<hbm>> -> memref<128xi32, #tpu.memory_space<hbm>>
      %dma_wait3A_71 = arith.constant 0 : i32
      %dma_wait3A_72 = tpu.memref_slice %arg2[%add3A_46, %dma_wait3A_71] : memref<2500x128xi32, #tpu.memory_space<hbm>> -> memref<1x128xi32, #tpu.memory_space<hbm>>
      %dma_wait3A_73 = tpu.memref_squeeze %dma_wait3A_72 : memref<1x128xi32, #tpu.memory_space<hbm>> -> memref<128xi32, #tpu.memory_space<hbm>>
      tpu.wait_dma2 semaphore(%arg12 : memref<!tpu.dma_semaphore, #tpu.memory_space<semaphore_mem>>) src(%dma_wait3A_73 : memref<128xi32, #tpu.memory_space<hbm>>) dst(%arg6 : memref<128xi32, #tpu.memory_space<vmem>>)
      %dma_start3A_74 = arith.constant 0 : i32
      %dma_start3A_75 = tpu.memref_slice %arg9[%dma_start3A_74] : memref<10240xf32, #tpu.memory_space<vmem_shared>> -> memref<10240xf32, #tpu.memory_space<vmem_shared>>
      tpu.enqueue_indirect_dma source(%arg7 : memref<128xf32, #tpu.memory_space<vmem>>) target(%dma_start3A_75 : memref<10240xf32, #tpu.memory_space<vmem_shared>>) offsets(%arg6 : memref<128xi32, #tpu.memory_space<vmem>>) semaphore(%arg15 : memref<!tpu.dma_semaphore, #tpu.memory_space<semaphore_mem>>) {add = true}
      %dma_wait3A_76 = arith.constant 0 : i32
      %dma_wait3A_77 = tpu.memref_slice %arg9[%dma_wait3A_76] : memref<10240xf32, #tpu.memory_space<vmem_shared>> -> memref<10240xf32, #tpu.memory_space<vmem_shared>>
      tpu.wait_indirect_dma semaphore(%arg13 : memref<!tpu.dma_semaphore, #tpu.memory_space<semaphore_mem>>) src(%arg7 : memref<128xf32, #tpu.memory_space<vmem>>) dst(%dma_wait3A_77 : memref<10240xf32, #tpu.memory_space<vmem_shared>>)
      %dma_wait3A_78 = arith.constant 0 : i32
      %dma_wait3A_79 = tpu.memref_slice %arg9[%dma_wait3A_78] : memref<10240xf32, #tpu.memory_space<vmem_shared>> -> memref<10240xf32, #tpu.memory_space<vmem_shared>>
      tpu.wait_indirect_dma semaphore(%arg14 : memref<!tpu.dma_semaphore, #tpu.memory_space<semaphore_mem>>) src(%arg7 : memref<128xf32, #tpu.memory_space<vmem>>) dst(%dma_wait3A_79 : memref<10240xf32, #tpu.memory_space<vmem_shared>>)
      %dma_wait3A_80 = arith.constant 0 : i32
      %dma_wait3A_81 = tpu.memref_slice %arg9[%dma_wait3A_80] : memref<10240xf32, #tpu.memory_space<vmem_shared>> -> memref<10240xf32, #tpu.memory_space<vmem_shared>>
      tpu.wait_indirect_dma semaphore(%arg15 : memref<!tpu.dma_semaphore, #tpu.memory_space<semaphore_mem>>) src(%arg7 : memref<128xf32, #tpu.memory_space<vmem>>) dst(%dma_wait3A_81 : memref<10240xf32, #tpu.memory_space<vmem_shared>>)
    }
    %scan3A_16 = arith.constant 26 : i32
    %lt3A = arith.constant 4 : i32
    %lt3A_17 = arith.cmpi slt, %add3A, %lt3A : i32
    %convert_element_type3A = arith.extui %lt3A_17 : i1 to i32
    %cond3A = arith.constant 0 : i32
    %cond3A_18 = arith.cmpi ne, %convert_element_type3A, %cond3A : i32
    scf.if %cond3A_18 {
      %add3A_24 = arith.constant 2496 : i32
      %add3A_25 = arith.addi %add3A_24, %add3A : i32
      "tpu.region"() ({
        %run_scoped3A = tpu.sem_alloc : memref<!tpu.dma_semaphore, #tpu.memory_space<semaphore_mem>>
        %dma_start3A = arith.constant 0 : i32
        %dma_start3A_26 = tpu.memref_slice %arg2[%add3A_25, %dma_start3A] : memref<2500x128xi32, #tpu.memory_space<hbm>> -> memref<1x128xi32, #tpu.memory_space<hbm>>
        %dma_start3A_27 = tpu.memref_squeeze %dma_start3A_26 : memref<1x128xi32, #tpu.memory_space<hbm>> -> memref<128xi32, #tpu.memory_space<hbm>>
        %dma_start3A_28 = arith.constant 0 : i32
        %dma_start3A_29 = tpu.memref_slice %arg2[%add3A_25, %dma_start3A_28] : memref<2500x128xi32, #tpu.memory_space<hbm>> -> memref<1x128xi32, #tpu.memory_space<hbm>>
        %dma_start3A_30 = tpu.memref_squeeze %dma_start3A_29 : memref<1x128xi32, #tpu.memory_space<hbm>> -> memref<128xi32, #tpu.memory_space<hbm>>
        tpu.enqueue_dma source(%dma_start3A_30 : memref<128xi32, #tpu.memory_space<hbm>>) target(%arg4 : memref<128xi32, #tpu.memory_space<vmem>>) target_semaphore(%run_scoped3A : memref<!tpu.dma_semaphore, #tpu.memory_space<semaphore_mem>>)
        %dma_wait3A = arith.constant 0 : i32
        %dma_wait3A_31 = tpu.memref_slice %arg2[%add3A_25, %dma_wait3A] : memref<2500x128xi32, #tpu.memory_space<hbm>> -> memref<1x128xi32, #tpu.memory_space<hbm>>
        %dma_wait3A_32 = tpu.memref_squeeze %dma_wait3A_31 : memref<1x128xi32, #tpu.memory_space<hbm>> -> memref<128xi32, #tpu.memory_space<hbm>>
        %dma_wait3A_33 = arith.constant 0 : i32
        %dma_wait3A_34 = tpu.memref_slice %arg2[%add3A_25, %dma_wait3A_33] : memref<2500x128xi32, #tpu.memory_space<hbm>> -> memref<1x128xi32, #tpu.memory_space<hbm>>
        %dma_wait3A_35 = tpu.memref_squeeze %dma_wait3A_34 : memref<1x128xi32, #tpu.memory_space<hbm>> -> memref<128xi32, #tpu.memory_space<hbm>>
        tpu.wait_dma2 semaphore(%run_scoped3A : memref<!tpu.dma_semaphore, #tpu.memory_space<semaphore_mem>>) src(%dma_wait3A_35 : memref<128xi32, #tpu.memory_space<hbm>>) dst(%arg4 : memref<128xi32, #tpu.memory_space<vmem>>)
        tpu.yield
      }) : () -> ()
      "tpu.region"() ({
        %run_scoped3A = tpu.sem_alloc : memref<!tpu.dma_semaphore, #tpu.memory_space<semaphore_mem>>
        %dma_start3A = arith.constant 0 : i32
        %dma_start3A_26 = tpu.memref_slice %arg9[%dma_start3A] : memref<10240xf32, #tpu.memory_space<vmem_shared>> -> memref<10240xf32, #tpu.memory_space<vmem_shared>>
        tpu.enqueue_indirect_dma source(%arg7 : memref<128xf32, #tpu.memory_space<vmem>>) target(%dma_start3A_26 : memref<10240xf32, #tpu.memory_space<vmem_shared>>) offsets(%arg4 : memref<128xi32, #tpu.memory_space<vmem>>) semaphore(%run_scoped3A : memref<!tpu.dma_semaphore, #tpu.memory_space<semaphore_mem>>) {add = true}
        %dma_wait3A = arith.constant 0 : i32
        %dma_wait3A_27 = tpu.memref_slice %arg9[%dma_wait3A] : memref<10240xf32, #tpu.memory_space<vmem_shared>> -> memref<10240xf32, #tpu.memory_space<vmem_shared>>
        tpu.wait_indirect_dma semaphore(%run_scoped3A : memref<!tpu.dma_semaphore, #tpu.memory_space<semaphore_mem>>) src(%arg7 : memref<128xf32, #tpu.memory_space<vmem>>) dst(%dma_wait3A_27 : memref<10240xf32, #tpu.memory_space<vmem_shared>>)
        tpu.yield
      }) : () -> ()
    } else {
    }
    %barrier3A_19 = arith.constant 0 : index
    tpu.barrier barrier_id(%barrier3A_19)
    %mul3A_20 = arith.constant 640 : i32
    %mul3A_21 = arith.muli %arg1, %mul3A_20 : i32
    %mul3A_22 = arith.constant 640 : i32
    %mul3A_23 = arith.muli %arg1, %mul3A_22 : i32
    "tpu.region"() ({
      %run_scoped3A = tpu.sem_alloc : memref<!tpu.dma_semaphore, #tpu.memory_space<semaphore_mem>>
      %dma_start3A = tpu.memref_slice %arg3[%arg0, %mul3A_23] : memref<2x10240xf32, #tpu.memory_space<hbm>> -> memref<1x640xf32, #tpu.memory_space<hbm>>
      %dma_start3A_24 = tpu.memref_squeeze %dma_start3A : memref<1x640xf32, #tpu.memory_space<hbm>> -> memref<640xf32, #tpu.memory_space<hbm>>
      %dma_start3A_25 = tpu.memref_slice %arg9[%mul3A_21] : memref<10240xf32, #tpu.memory_space<vmem_shared>> -> memref<640xf32, #tpu.memory_space<vmem_shared>>
      tpu.enqueue_dma source(%dma_start3A_25 : memref<640xf32, #tpu.memory_space<vmem_shared>>) target(%dma_start3A_24 : memref<640xf32, #tpu.memory_space<hbm>>) target_semaphore(%run_scoped3A : memref<!tpu.dma_semaphore, #tpu.memory_space<semaphore_mem>>)
      %dma_wait3A = tpu.memref_slice %arg3[%arg0, %mul3A_23] : memref<2x10240xf32, #tpu.memory_space<hbm>> -> memref<1x640xf32, #tpu.memory_space<hbm>>
      %dma_wait3A_26 = tpu.memref_squeeze %dma_wait3A : memref<1x640xf32, #tpu.memory_space<hbm>> -> memref<640xf32, #tpu.memory_space<hbm>>
      %dma_wait3A_27 = tpu.memref_slice %arg9[%mul3A_21] : memref<10240xf32, #tpu.memory_space<vmem_shared>> -> memref<640xf32, #tpu.memory_space<vmem_shared>>
      tpu.wait_dma2 semaphore(%run_scoped3A : memref<!tpu.dma_semaphore, #tpu.memory_space<semaphore_mem>>) src(%dma_wait3A_27 : memref<640xf32, #tpu.memory_space<vmem_shared>>) dst(%dma_wait3A_26 : memref<640xf32, #tpu.memory_space<hbm>>)
      tpu.yield
    }) : () -> ()
    return
  }
}

#map = affine_map<(d0, d1) -> (0, 0)>
#map1 = affine_map<(d0, d1) -> (0, 0, 0)>
module attributes {stable_mosaic.version = 14 : i64} {
  func.func @agg_kernel(%arg0: i32, %arg1: i32, %arg2: memref<10000x128xf32, #tpu.memory_space<hbm>>, %arg3: memref<2500x128xi32, #tpu.memory_space<hbm>>, %arg4: memref<2500x128xi32, #tpu.memory_space<hbm>>, %arg5: memref<2x10112x128xf32, #tpu.memory_space<hbm>>, %arg6: memref<128xi32, #tpu.memory_space<vmem>>, %arg7: memref<128xi32, #tpu.memory_space<vmem>>, %arg8: memref<128xi32, #tpu.memory_space<vmem>>, %arg9: memref<128xi32, #tpu.memory_space<vmem>>, %arg10: memref<128xi32, #tpu.memory_space<vmem>>, %arg11: memref<128xi32, #tpu.memory_space<vmem>>, %arg12: memref<128x128xf32, #tpu.memory_space<vmem>>, %arg13: memref<128x128xf32, #tpu.memory_space<vmem>>, %arg14: memref<128x128xf32, #tpu.memory_space<vmem>>, %arg15: memref<10112x128xf32, #tpu.memory_space<vmem_shared>>, %arg16: memref<!tpu.dma_semaphore, #tpu.memory_space<semaphore_mem>>, %arg17: memref<!tpu.dma_semaphore, #tpu.memory_space<semaphore_mem>>, %arg18: memref<!tpu.dma_semaphore, #tpu.memory_space<semaphore_mem>>, %arg19: memref<!tpu.dma_semaphore, #tpu.memory_space<semaphore_mem>>, %arg20: memref<!tpu.dma_semaphore, #tpu.memory_space<semaphore_mem>>, %arg21: memref<!tpu.dma_semaphore, #tpu.memory_space<semaphore_mem>>, %arg22: memref<!tpu.dma_semaphore, #tpu.memory_space<semaphore_mem>>, %arg23: memref<!tpu.dma_semaphore, #tpu.memory_space<semaphore_mem>>, %arg24: memref<!tpu.dma_semaphore, #tpu.memory_space<semaphore_mem>>, %arg25: memref<!tpu.dma_semaphore, #tpu.memory_space<semaphore_mem>>, %arg26: memref<!tpu.dma_semaphore, #tpu.memory_space<semaphore_mem>>, %arg27: memref<!tpu.dma_semaphore, #tpu.memory_space<semaphore_mem>>) attributes {dimension_semantics = [#tpu.dimension_semantics<core_parallel>, #tpu.dimension_semantics<subcore_parallel>], iteration_bounds = array<i64: 2, 16>, scalar_prefetch = 0 : i64, scratch_operands = 22 : i64, tpu.core_type = #tpu.core_type<sc_vector_subcore>, window_params = [{transform_indices = #map}, {transform_indices = #map}, {transform_indices = #map}, {transform_indices = #map1}]} {
    %mul3A = arith.constant 2 : i32
    %mul3A_0 = arith.muli %arg1, %mul3A : i32
    %add3A = arith.addi %mul3A_0, %arg0 : i32
    %scan3A = arith.constant 0 : i32
    %scan3A_1 = arith.constant 128 : i32
    %scan3A_2 = arith.addi %scan3A, %scan3A_1 : i32
    %scan3A_3 = arith.constant 1 : i32
    scf.for %scan3A_27 = %scan3A to %scan3A_2 step %scan3A_3  : i32 {
      %broadcast_in_dim3A = arith.constant 0.000000e+00 : f32
      %broadcast_in_dim3A_28 = vector.broadcast %broadcast_in_dim3A : f32 to vector<16xf32>
      %swap3A = arith.index_cast %scan3A_27 : i32 to index
      %swap3A_29 = arith.constant 0 : index
      %swap3A_30 = tpu.vector_load %arg12[%swap3A, %swap3A_29] {strides = array<i32>} : memref<128x128xf32, #tpu.memory_space<vmem>>, vector<1x16xf32>,
      %swap3A_31 = vector.shape_cast %swap3A_30 : vector<1x16xf32> to vector<16xf32>
      %swap3A_32 = vector.shape_cast %broadcast_in_dim3A_28 : vector<16xf32> to vector<1x16xf32>
      tpu.vector_store %arg12[%swap3A, %swap3A_29], %swap3A_32 {strides = array<i32>} : memref<128x128xf32, #tpu.memory_space<vmem>>, vector<1x16xf32>,
      %broadcast_in_dim3A_33 = arith.constant 0.000000e+00 : f32
      %broadcast_in_dim3A_34 = vector.broadcast %broadcast_in_dim3A_33 : f32 to vector<16xf32>
      %swap3A_35 = arith.index_cast %scan3A_27 : i32 to index
      %swap3A_36 = arith.constant 16 : index
      %swap3A_37 = tpu.vector_load %arg12[%swap3A_35, %swap3A_36] {strides = array<i32>} : memref<128x128xf32, #tpu.memory_space<vmem>>, vector<1x16xf32>,
      %swap3A_38 = vector.shape_cast %swap3A_37 : vector<1x16xf32> to vector<16xf32>
      %swap3A_39 = vector.shape_cast %broadcast_in_dim3A_34 : vector<16xf32> to vector<1x16xf32>
      tpu.vector_store %arg12[%swap3A_35, %swap3A_36], %swap3A_39 {strides = array<i32>} : memref<128x128xf32, #tpu.memory_space<vmem>>, vector<1x16xf32>,
      %broadcast_in_dim3A_40 = arith.constant 0.000000e+00 : f32
      %broadcast_in_dim3A_41 = vector.broadcast %broadcast_in_dim3A_40 : f32 to vector<16xf32>
      %swap3A_42 = arith.index_cast %scan3A_27 : i32 to index
      %swap3A_43 = arith.constant 32 : index
      %swap3A_44 = tpu.vector_load %arg12[%swap3A_42, %swap3A_43] {strides = array<i32>} : memref<128x128xf32, #tpu.memory_space<vmem>>, vector<1x16xf32>,
      %swap3A_45 = vector.shape_cast %swap3A_44 : vector<1x16xf32> to vector<16xf32>
      %swap3A_46 = vector.shape_cast %broadcast_in_dim3A_41 : vector<16xf32> to vector<1x16xf32>
      tpu.vector_store %arg12[%swap3A_42, %swap3A_43], %swap3A_46 {strides = array<i32>} : memref<128x128xf32, #tpu.memory_space<vmem>>, vector<1x16xf32>,
      %broadcast_in_dim3A_47 = arith.constant 0.000000e+00 : f32
      %broadcast_in_dim3A_48 = vector.broadcast %broadcast_in_dim3A_47 : f32 to vector<16xf32>
      %swap3A_49 = arith.index_cast %scan3A_27 : i32 to index
      %swap3A_50 = arith.constant 48 : index
      %swap3A_51 = tpu.vector_load %arg12[%swap3A_49, %swap3A_50] {strides = array<i32>} : memref<128x128xf32, #tpu.memory_space<vmem>>, vector<1x16xf32>,
      %swap3A_52 = vector.shape_cast %swap3A_51 : vector<1x16xf32> to vector<16xf32>
      %swap3A_53 = vector.shape_cast %broadcast_in_dim3A_48 : vector<16xf32> to vector<1x16xf32>
      tpu.vector_store %arg12[%swap3A_49, %swap3A_50], %swap3A_53 {strides = array<i32>} : memref<128x128xf32, #tpu.memory_space<vmem>>, vector<1x16xf32>,
      %broadcast_in_dim3A_54 = arith.constant 0.000000e+00 : f32
      %broadcast_in_dim3A_55 = vector.broadcast %broadcast_in_dim3A_54 : f32 to vector<16xf32>
      %swap3A_56 = arith.index_cast %scan3A_27 : i32 to index
      %swap3A_57 = arith.constant 64 : index
      %swap3A_58 = tpu.vector_load %arg12[%swap3A_56, %swap3A_57] {strides = array<i32>} : memref<128x128xf32, #tpu.memory_space<vmem>>, vector<1x16xf32>,
      %swap3A_59 = vector.shape_cast %swap3A_58 : vector<1x16xf32> to vector<16xf32>
      %swap3A_60 = vector.shape_cast %broadcast_in_dim3A_55 : vector<16xf32> to vector<1x16xf32>
      tpu.vector_store %arg12[%swap3A_56, %swap3A_57], %swap3A_60 {strides = array<i32>} : memref<128x128xf32, #tpu.memory_space<vmem>>, vector<1x16xf32>,
      %broadcast_in_dim3A_61 = arith.constant 0.000000e+00 : f32
      %broadcast_in_dim3A_62 = vector.broadcast %broadcast_in_dim3A_61 : f32 to vector<16xf32>
      %swap3A_63 = arith.index_cast %scan3A_27 : i32 to index
      %swap3A_64 = arith.constant 80 : index
      %swap3A_65 = tpu.vector_load %arg12[%swap3A_63, %swap3A_64] {strides = array<i32>} : memref<128x128xf32, #tpu.memory_space<vmem>>, vector<1x16xf32>,
      %swap3A_66 = vector.shape_cast %swap3A_65 : vector<1x16xf32> to vector<16xf32>
      %swap3A_67 = vector.shape_cast %broadcast_in_dim3A_62 : vector<16xf32> to vector<1x16xf32>
      tpu.vector_store %arg12[%swap3A_63, %swap3A_64], %swap3A_67 {strides = array<i32>} : memref<128x128xf32, #tpu.memory_space<vmem>>, vector<1x16xf32>,
      %broadcast_in_dim3A_68 = arith.constant 0.000000e+00 : f32
      %broadcast_in_dim3A_69 = vector.broadcast %broadcast_in_dim3A_68 : f32 to vector<16xf32>
      %swap3A_70 = arith.index_cast %scan3A_27 : i32 to index
      %swap3A_71 = arith.constant 96 : index
      %swap3A_72 = tpu.vector_load %arg12[%swap3A_70, %swap3A_71] {strides = array<i32>} : memref<128x128xf32, #tpu.memory_space<vmem>>, vector<1x16xf32>,
      %swap3A_73 = vector.shape_cast %swap3A_72 : vector<1x16xf32> to vector<16xf32>
      %swap3A_74 = vector.shape_cast %broadcast_in_dim3A_69 : vector<16xf32> to vector<1x16xf32>
      tpu.vector_store %arg12[%swap3A_70, %swap3A_71], %swap3A_74 {strides = array<i32>} : memref<128x128xf32, #tpu.memory_space<vmem>>, vector<1x16xf32>,
      %broadcast_in_dim3A_75 = arith.constant 0.000000e+00 : f32
      %broadcast_in_dim3A_76 = vector.broadcast %broadcast_in_dim3A_75 : f32 to vector<16xf32>
      %swap3A_77 = arith.index_cast %scan3A_27 : i32 to index
      %swap3A_78 = arith.constant 112 : index
      %swap3A_79 = tpu.vector_load %arg12[%swap3A_77, %swap3A_78] {strides = array<i32>} : memref<128x128xf32, #tpu.memory_space<vmem>>, vector<1x16xf32>,
      %swap3A_80 = vector.shape_cast %swap3A_79 : vector<1x16xf32> to vector<16xf32>
      %swap3A_81 = vector.shape_cast %broadcast_in_dim3A_76 : vector<16xf32> to vector<1x16xf32>
      tpu.vector_store %arg12[%swap3A_77, %swap3A_78], %swap3A_81 {strides = array<i32>} : memref<128x128xf32, #tpu.memory_space<vmem>>, vector<1x16xf32>,
    }
    %scan3A_4 = arith.constant 128 : i32
    %mul3A_5 = arith.constant 632 : i32
    %mul3A_6 = arith.muli %arg1, %mul3A_5 : i32
    %add3A_7 = arith.constant 0 : i32
    %add3A_8 = arith.addi %mul3A_6, %add3A_7 : i32
    "tpu.region"() ({
      %run_scoped3A = tpu.sem_alloc : memref<!tpu.dma_semaphore, #tpu.memory_space<semaphore_mem>>
      %dma_start3A = arith.constant 0 : i32
      %dma_start3A_27 = arith.constant 0 : i32
      %dma_start3A_28 = tpu.memref_slice %arg12[%dma_start3A, %dma_start3A_27] : memref<128x128xf32, #tpu.memory_space<vmem>> -> memref<128x128xf32, #tpu.memory_space<vmem>>
      %dma_start3A_29 = arith.constant 0 : i32
      %dma_start3A_30 = tpu.memref_slice %arg15[%add3A_8, %dma_start3A_29] : memref<10112x128xf32, #tpu.memory_space<vmem_shared>> -> memref<128x128xf32, #tpu.memory_space<vmem_shared>>
      %dma_start3A_31 = arith.constant 0 : i32
      %dma_start3A_32 = tpu.memref_slice %arg15[%add3A_8, %dma_start3A_31] : memref<10112x128xf32, #tpu.memory_space<vmem_shared>> -> memref<128x128xf32, #tpu.memory_space<vmem_shared>>
      %dma_start3A_33 = arith.constant 0 : i32
      %dma_start3A_34 = arith.constant 0 : i32
      %dma_start3A_35 = tpu.memref_slice %arg12[%dma_start3A_33, %dma_start3A_34] : memref<128x128xf32, #tpu.memory_space<vmem>> -> memref<128x128xf32, #tpu.memory_space<vmem>>
      tpu.enqueue_dma source(%dma_start3A_35 : memref<128x128xf32, #tpu.memory_space<vmem>>) target(%dma_start3A_32 : memref<128x128xf32, #tpu.memory_space<vmem_shared>>) target_semaphore(%run_scoped3A : memref<!tpu.dma_semaphore, #tpu.memory_space<semaphore_mem>>)
      %dma_wait3A = arith.constant 0 : i32
      %dma_wait3A_36 = arith.constant 0 : i32
      %dma_wait3A_37 = tpu.memref_slice %arg12[%dma_wait3A, %dma_wait3A_36] : memref<128x128xf32, #tpu.memory_space<vmem>> -> memref<128x128xf32, #tpu.memory_space<vmem>>
      %dma_wait3A_38 = arith.constant 0 : i32
      %dma_wait3A_39 = tpu.memref_slice %arg15[%add3A_8, %dma_wait3A_38] : memref<10112x128xf32, #tpu.memory_space<vmem_shared>> -> memref<128x128xf32, #tpu.memory_space<vmem_shared>>
      %dma_wait3A_40 = arith.constant 0 : i32
      %dma_wait3A_41 = tpu.memref_slice %arg15[%add3A_8, %dma_wait3A_40] : memref<10112x128xf32, #tpu.memory_space<vmem_shared>> -> memref<128x128xf32, #tpu.memory_space<vmem_shared>>
      %dma_wait3A_42 = arith.constant 0 : i32
      %dma_wait3A_43 = arith.constant 0 : i32
      %dma_wait3A_44 = tpu.memref_slice %arg12[%dma_wait3A_42, %dma_wait3A_43] : memref<128x128xf32, #tpu.memory_space<vmem>> -> memref<128x128xf32, #tpu.memory_space<vmem>>
      tpu.wait_dma2 semaphore(%run_scoped3A : memref<!tpu.dma_semaphore, #tpu.memory_space<semaphore_mem>>) src(%dma_wait3A_44 : memref<128x128xf32, #tpu.memory_space<vmem>>) dst(%dma_wait3A_41 : memref<128x128xf32, #tpu.memory_space<vmem_shared>>)
      tpu.yield
    }) : () -> ()
    %add3A_9 = arith.constant 128 : i32
    %add3A_10 = arith.addi %mul3A_6, %add3A_9 : i32
    "tpu.region"() ({
      %run_scoped3A = tpu.sem_alloc : memref<!tpu.dma_semaphore, #tpu.memory_space<semaphore_mem>>
      %dma_start3A = arith.constant 0 : i32
      %dma_start3A_27 = arith.constant 0 : i32
      %dma_start3A_28 = tpu.memref_slice %arg12[%dma_start3A, %dma_start3A_27] : memref<128x128xf32, #tpu.memory_space<vmem>> -> memref<128x128xf32, #tpu.memory_space<vmem>>
      %dma_start3A_29 = arith.constant 0 : i32
      %dma_start3A_30 = tpu.memref_slice %arg15[%add3A_10, %dma_start3A_29] : memref<10112x128xf32, #tpu.memory_space<vmem_shared>> -> memref<128x128xf32, #tpu.memory_space<vmem_shared>>
      %dma_start3A_31 = arith.constant 0 : i32
      %dma_start3A_32 = tpu.memref_slice %arg15[%add3A_10, %dma_start3A_31] : memref<10112x128xf32, #tpu.memory_space<vmem_shared>> -> memref<128x128xf32, #tpu.memory_space<vmem_shared>>
      %dma_start3A_33 = arith.constant 0 : i32
      %dma_start3A_34 = arith.constant 0 : i32
      %dma_start3A_35 = tpu.memref_slice %arg12[%dma_start3A_33, %dma_start3A_34] : memref<128x128xf32, #tpu.memory_space<vmem>> -> memref<128x128xf32, #tpu.memory_space<vmem>>
      tpu.enqueue_dma source(%dma_start3A_35 : memref<128x128xf32, #tpu.memory_space<vmem>>) target(%dma_start3A_32 : memref<128x128xf32, #tpu.memory_space<vmem_shared>>) target_semaphore(%run_scoped3A : memref<!tpu.dma_semaphore, #tpu.memory_space<semaphore_mem>>)
      %dma_wait3A = arith.constant 0 : i32
      %dma_wait3A_36 = arith.constant 0 : i32
      %dma_wait3A_37 = tpu.memref_slice %arg12[%dma_wait3A, %dma_wait3A_36] : memref<128x128xf32, #tpu.memory_space<vmem>> -> memref<128x128xf32, #tpu.memory_space<vmem>>
      %dma_wait3A_38 = arith.constant 0 : i32
      %dma_wait3A_39 = tpu.memref_slice %arg15[%add3A_10, %dma_wait3A_38] : memref<10112x128xf32, #tpu.memory_space<vmem_shared>> -> memref<128x128xf32, #tpu.memory_space<vmem_shared>>
      %dma_wait3A_40 = arith.constant 0 : i32
      %dma_wait3A_41 = tpu.memref_slice %arg15[%add3A_10, %dma_wait3A_40] : memref<10112x128xf32, #tpu.memory_space<vmem_shared>> -> memref<128x128xf32, #tpu.memory_space<vmem_shared>>
      %dma_wait3A_42 = arith.constant 0 : i32
      %dma_wait3A_43 = arith.constant 0 : i32
      %dma_wait3A_44 = tpu.memref_slice %arg12[%dma_wait3A_42, %dma_wait3A_43] : memref<128x128xf32, #tpu.memory_space<vmem>> -> memref<128x128xf32, #tpu.memory_space<vmem>>
      tpu.wait_dma2 semaphore(%run_scoped3A : memref<!tpu.dma_semaphore, #tpu.memory_space<semaphore_mem>>) src(%dma_wait3A_44 : memref<128x128xf32, #tpu.memory_space<vmem>>) dst(%dma_wait3A_41 : memref<128x128xf32, #tpu.memory_space<vmem_shared>>)
      tpu.yield
    }) : () -> ()
    %add3A_11 = arith.constant 256 : i32
    %add3A_12 = arith.addi %mul3A_6, %add3A_11 : i32
    "tpu.region"() ({
      %run_scoped3A = tpu.sem_alloc : memref<!tpu.dma_semaphore, #tpu.memory_space<semaphore_mem>>
      %dma_start3A = arith.constant 0 : i32
      %dma_start3A_27 = arith.constant 0 : i32
      %dma_start3A_28 = tpu.memref_slice %arg12[%dma_start3A, %dma_start3A_27] : memref<128x128xf32, #tpu.memory_space<vmem>> -> memref<128x128xf32, #tpu.memory_space<vmem>>
      %dma_start3A_29 = arith.constant 0 : i32
      %dma_start3A_30 = tpu.memref_slice %arg15[%add3A_12, %dma_start3A_29] : memref<10112x128xf32, #tpu.memory_space<vmem_shared>> -> memref<128x128xf32, #tpu.memory_space<vmem_shared>>
      %dma_start3A_31 = arith.constant 0 : i32
      %dma_start3A_32 = tpu.memref_slice %arg15[%add3A_12, %dma_start3A_31] : memref<10112x128xf32, #tpu.memory_space<vmem_shared>> -> memref<128x128xf32, #tpu.memory_space<vmem_shared>>
      %dma_start3A_33 = arith.constant 0 : i32
      %dma_start3A_34 = arith.constant 0 : i32
      %dma_start3A_35 = tpu.memref_slice %arg12[%dma_start3A_33, %dma_start3A_34] : memref<128x128xf32, #tpu.memory_space<vmem>> -> memref<128x128xf32, #tpu.memory_space<vmem>>
      tpu.enqueue_dma source(%dma_start3A_35 : memref<128x128xf32, #tpu.memory_space<vmem>>) target(%dma_start3A_32 : memref<128x128xf32, #tpu.memory_space<vmem_shared>>) target_semaphore(%run_scoped3A : memref<!tpu.dma_semaphore, #tpu.memory_space<semaphore_mem>>)
      %dma_wait3A = arith.constant 0 : i32
      %dma_wait3A_36 = arith.constant 0 : i32
      %dma_wait3A_37 = tpu.memref_slice %arg12[%dma_wait3A, %dma_wait3A_36] : memref<128x128xf32, #tpu.memory_space<vmem>> -> memref<128x128xf32, #tpu.memory_space<vmem>>
      %dma_wait3A_38 = arith.constant 0 : i32
      %dma_wait3A_39 = tpu.memref_slice %arg15[%add3A_12, %dma_wait3A_38] : memref<10112x128xf32, #tpu.memory_space<vmem_shared>> -> memref<128x128xf32, #tpu.memory_space<vmem_shared>>
      %dma_wait3A_40 = arith.constant 0 : i32
      %dma_wait3A_41 = tpu.memref_slice %arg15[%add3A_12, %dma_wait3A_40] : memref<10112x128xf32, #tpu.memory_space<vmem_shared>> -> memref<128x128xf32, #tpu.memory_space<vmem_shared>>
      %dma_wait3A_42 = arith.constant 0 : i32
      %dma_wait3A_43 = arith.constant 0 : i32
      %dma_wait3A_44 = tpu.memref_slice %arg12[%dma_wait3A_42, %dma_wait3A_43] : memref<128x128xf32, #tpu.memory_space<vmem>> -> memref<128x128xf32, #tpu.memory_space<vmem>>
      tpu.wait_dma2 semaphore(%run_scoped3A : memref<!tpu.dma_semaphore, #tpu.memory_space<semaphore_mem>>) src(%dma_wait3A_44 : memref<128x128xf32, #tpu.memory_space<vmem>>) dst(%dma_wait3A_41 : memref<128x128xf32, #tpu.memory_space<vmem_shared>>)
      tpu.yield
    }) : () -> ()
    %add3A_13 = arith.constant 384 : i32
    %add3A_14 = arith.addi %mul3A_6, %add3A_13 : i32
    "tpu.region"() ({
      %run_scoped3A = tpu.sem_alloc : memref<!tpu.dma_semaphore, #tpu.memory_space<semaphore_mem>>
      %dma_start3A = arith.constant 0 : i32
      %dma_start3A_27 = arith.constant 0 : i32
      %dma_start3A_28 = tpu.memref_slice %arg12[%dma_start3A, %dma_start3A_27] : memref<128x128xf32, #tpu.memory_space<vmem>> -> memref<128x128xf32, #tpu.memory_space<vmem>>
      %dma_start3A_29 = arith.constant 0 : i32
      %dma_start3A_30 = tpu.memref_slice %arg15[%add3A_14, %dma_start3A_29] : memref<10112x128xf32, #tpu.memory_space<vmem_shared>> -> memref<128x128xf32, #tpu.memory_space<vmem_shared>>
      %dma_start3A_31 = arith.constant 0 : i32
      %dma_start3A_32 = tpu.memref_slice %arg15[%add3A_14, %dma_start3A_31] : memref<10112x128xf32, #tpu.memory_space<vmem_shared>> -> memref<128x128xf32, #tpu.memory_space<vmem_shared>>
      %dma_start3A_33 = arith.constant 0 : i32
      %dma_start3A_34 = arith.constant 0 : i32
      %dma_start3A_35 = tpu.memref_slice %arg12[%dma_start3A_33, %dma_start3A_34] : memref<128x128xf32, #tpu.memory_space<vmem>> -> memref<128x128xf32, #tpu.memory_space<vmem>>
      tpu.enqueue_dma source(%dma_start3A_35 : memref<128x128xf32, #tpu.memory_space<vmem>>) target(%dma_start3A_32 : memref<128x128xf32, #tpu.memory_space<vmem_shared>>) target_semaphore(%run_scoped3A : memref<!tpu.dma_semaphore, #tpu.memory_space<semaphore_mem>>)
      %dma_wait3A = arith.constant 0 : i32
      %dma_wait3A_36 = arith.constant 0 : i32
      %dma_wait3A_37 = tpu.memref_slice %arg12[%dma_wait3A, %dma_wait3A_36] : memref<128x128xf32, #tpu.memory_space<vmem>> -> memref<128x128xf32, #tpu.memory_space<vmem>>
      %dma_wait3A_38 = arith.constant 0 : i32
      %dma_wait3A_39 = tpu.memref_slice %arg15[%add3A_14, %dma_wait3A_38] : memref<10112x128xf32, #tpu.memory_space<vmem_shared>> -> memref<128x128xf32, #tpu.memory_space<vmem_shared>>
      %dma_wait3A_40 = arith.constant 0 : i32
      %dma_wait3A_41 = tpu.memref_slice %arg15[%add3A_14, %dma_wait3A_40] : memref<10112x128xf32, #tpu.memory_space<vmem_shared>> -> memref<128x128xf32, #tpu.memory_space<vmem_shared>>
      %dma_wait3A_42 = arith.constant 0 : i32
      %dma_wait3A_43 = arith.constant 0 : i32
      %dma_wait3A_44 = tpu.memref_slice %arg12[%dma_wait3A_42, %dma_wait3A_43] : memref<128x128xf32, #tpu.memory_space<vmem>> -> memref<128x128xf32, #tpu.memory_space<vmem>>
      tpu.wait_dma2 semaphore(%run_scoped3A : memref<!tpu.dma_semaphore, #tpu.memory_space<semaphore_mem>>) src(%dma_wait3A_44 : memref<128x128xf32, #tpu.memory_space<vmem>>) dst(%dma_wait3A_41 : memref<128x128xf32, #tpu.memory_space<vmem_shared>>)
      tpu.yield
    }) : () -> ()
    %add3A_15 = arith.constant 512 : i32
    %add3A_16 = arith.addi %mul3A_6, %add3A_15 : i32
    "tpu.region"() ({
      %run_scoped3A = tpu.sem_alloc : memref<!tpu.dma_semaphore, #tpu.memory_space<semaphore_mem>>
      %dma_start3A = arith.constant 0 : i32
      %dma_start3A_27 = arith.constant 0 : i32
      %dma_start3A_28 = tpu.memref_slice %arg12[%dma_start3A, %dma_start3A_27] : memref<128x128xf32, #tpu.memory_space<vmem>> -> memref<120x128xf32, #tpu.memory_space<vmem>>
      %dma_start3A_29 = arith.constant 0 : i32
      %dma_start3A_30 = tpu.memref_slice %arg15[%add3A_16, %dma_start3A_29] : memref<10112x128xf32, #tpu.memory_space<vmem_shared>> -> memref<120x128xf32, #tpu.memory_space<vmem_shared>>
      %dma_start3A_31 = arith.constant 0 : i32
      %dma_start3A_32 = tpu.memref_slice %arg15[%add3A_16, %dma_start3A_31] : memref<10112x128xf32, #tpu.memory_space<vmem_shared>> -> memref<120x128xf32, #tpu.memory_space<vmem_shared>>
      %dma_start3A_33 = arith.constant 0 : i32
      %dma_start3A_34 = arith.constant 0 : i32
      %dma_start3A_35 = tpu.memref_slice %arg12[%dma_start3A_33, %dma_start3A_34] : memref<128x128xf32, #tpu.memory_space<vmem>> -> memref<120x128xf32, #tpu.memory_space<vmem>>
      tpu.enqueue_dma source(%dma_start3A_35 : memref<120x128xf32, #tpu.memory_space<vmem>>) target(%dma_start3A_32 : memref<120x128xf32, #tpu.memory_space<vmem_shared>>) target_semaphore(%run_scoped3A : memref<!tpu.dma_semaphore, #tpu.memory_space<semaphore_mem>>)
      %dma_wait3A = arith.constant 0 : i32
      %dma_wait3A_36 = arith.constant 0 : i32
      %dma_wait3A_37 = tpu.memref_slice %arg12[%dma_wait3A, %dma_wait3A_36] : memref<128x128xf32, #tpu.memory_space<vmem>> -> memref<120x128xf32, #tpu.memory_space<vmem>>
      %dma_wait3A_38 = arith.constant 0 : i32
      %dma_wait3A_39 = tpu.memref_slice %arg15[%add3A_16, %dma_wait3A_38] : memref<10112x128xf32, #tpu.memory_space<vmem_shared>> -> memref<120x128xf32, #tpu.memory_space<vmem_shared>>
      %dma_wait3A_40 = arith.constant 0 : i32
      %dma_wait3A_41 = tpu.memref_slice %arg15[%add3A_16, %dma_wait3A_40] : memref<10112x128xf32, #tpu.memory_space<vmem_shared>> -> memref<120x128xf32, #tpu.memory_space<vmem_shared>>
      %dma_wait3A_42 = arith.constant 0 : i32
      %dma_wait3A_43 = arith.constant 0 : i32
      %dma_wait3A_44 = tpu.memref_slice %arg12[%dma_wait3A_42, %dma_wait3A_43] : memref<128x128xf32, #tpu.memory_space<vmem>> -> memref<120x128xf32, #tpu.memory_space<vmem>>
      tpu.wait_dma2 semaphore(%run_scoped3A : memref<!tpu.dma_semaphore, #tpu.memory_space<semaphore_mem>>) src(%dma_wait3A_44 : memref<120x128xf32, #tpu.memory_space<vmem>>) dst(%dma_wait3A_41 : memref<120x128xf32, #tpu.memory_space<vmem_shared>>)
      tpu.yield
    }) : () -> ()
    %barrier3A = arith.constant 0 : index
    tpu.barrier barrier_id(%barrier3A)
    %scan3A_17 = arith.constant 0 : i32
    %scan3A_18 = arith.constant 26 : i32
    %scan3A_19 = arith.addi %scan3A_17, %scan3A_18 : i32
    %scan3A_20 = arith.constant 1 : i32
    scf.for %scan3A_27 = %scan3A_17 to %scan3A_19 step %scan3A_20  : i32 {
      %mul3A_28 = arith.constant 78 : i32
      %mul3A_29 = arith.muli %add3A, %mul3A_28 : i32
      %mul3A_30 = arith.constant 3 : i32
      %mul3A_31 = arith.muli %mul3A_30, %scan3A_27 : i32
      %add3A_32 = arith.addi %mul3A_29, %mul3A_31 : i32
      %add3A_33 = arith.constant 0 : i32
      %add3A_34 = arith.addi %add3A_32, %add3A_33 : i32
      %dma_start3A = arith.constant 0 : i32
      %dma_start3A_35 = tpu.memref_slice %arg3[%add3A_34, %dma_start3A] : memref<2500x128xi32, #tpu.memory_space<hbm>> -> memref<1x128xi32, #tpu.memory_space<hbm>>
      %dma_start3A_36 = tpu.memref_squeeze %dma_start3A_35 : memref<1x128xi32, #tpu.memory_space<hbm>> -> memref<128xi32, #tpu.memory_space<hbm>>
      %dma_start3A_37 = arith.constant 0 : i32
      %dma_start3A_38 = tpu.memref_slice %arg3[%add3A_34, %dma_start3A_37] : memref<2500x128xi32, #tpu.memory_space<hbm>> -> memref<1x128xi32, #tpu.memory_space<hbm>>
      %dma_start3A_39 = tpu.memref_squeeze %dma_start3A_38 : memref<1x128xi32, #tpu.memory_space<hbm>> -> memref<128xi32, #tpu.memory_space<hbm>>
      tpu.enqueue_dma source(%dma_start3A_39 : memref<128xi32, #tpu.memory_space<hbm>>) target(%arg6 : memref<128xi32, #tpu.memory_space<vmem>>) target_semaphore(%arg16 : memref<!tpu.dma_semaphore, #tpu.memory_space<semaphore_mem>>)
      %add3A_40 = arith.constant 1 : i32
      %add3A_41 = arith.addi %add3A_32, %add3A_40 : i32
      %dma_start3A_42 = arith.constant 0 : i32
      %dma_start3A_43 = tpu.memref_slice %arg3[%add3A_41, %dma_start3A_42] : memref<2500x128xi32, #tpu.memory_space<hbm>> -> memref<1x128xi32, #tpu.memory_space<hbm>>
      %dma_start3A_44 = tpu.memref_squeeze %dma_start3A_43 : memref<1x128xi32, #tpu.memory_space<hbm>> -> memref<128xi32, #tpu.memory_space<hbm>>
      %dma_start3A_45 = arith.constant 0 : i32
      %dma_start3A_46 = tpu.memref_slice %arg3[%add3A_41, %dma_start3A_45] : memref<2500x128xi32, #tpu.memory_space<hbm>> -> memref<1x128xi32, #tpu.memory_space<hbm>>
      %dma_start3A_47 = tpu.memref_squeeze %dma_start3A_46 : memref<1x128xi32, #tpu.memory_space<hbm>> -> memref<128xi32, #tpu.memory_space<hbm>>
      tpu.enqueue_dma source(%dma_start3A_47 : memref<128xi32, #tpu.memory_space<hbm>>) target(%arg7 : memref<128xi32, #tpu.memory_space<vmem>>) target_semaphore(%arg17 : memref<!tpu.dma_semaphore, #tpu.memory_space<semaphore_mem>>)
      %add3A_48 = arith.constant 2 : i32
      %add3A_49 = arith.addi %add3A_32, %add3A_48 : i32
      %dma_start3A_50 = arith.constant 0 : i32
      %dma_start3A_51 = tpu.memref_slice %arg3[%add3A_49, %dma_start3A_50] : memref<2500x128xi32, #tpu.memory_space<hbm>> -> memref<1x128xi32, #tpu.memory_space<hbm>>
      %dma_start3A_52 = tpu.memref_squeeze %dma_start3A_51 : memref<1x128xi32, #tpu.memory_space<hbm>> -> memref<128xi32, #tpu.memory_space<hbm>>
      %dma_start3A_53 = arith.constant 0 : i32
      %dma_start3A_54 = tpu.memref_slice %arg3[%add3A_49, %dma_start3A_53] : memref<2500x128xi32, #tpu.memory_space<hbm>> -> memref<1x128xi32, #tpu.memory_space<hbm>>
      %dma_start3A_55 = tpu.memref_squeeze %dma_start3A_54 : memref<1x128xi32, #tpu.memory_space<hbm>> -> memref<128xi32, #tpu.memory_space<hbm>>
      tpu.enqueue_dma source(%dma_start3A_55 : memref<128xi32, #tpu.memory_space<hbm>>) target(%arg8 : memref<128xi32, #tpu.memory_space<vmem>>) target_semaphore(%arg18 : memref<!tpu.dma_semaphore, #tpu.memory_space<semaphore_mem>>)
      %add3A_56 = arith.constant 0 : i32
      %add3A_57 = arith.addi %add3A_32, %add3A_56 : i32
      %dma_start3A_58 = arith.constant 0 : i32
      %dma_start3A_59 = tpu.memref_slice %arg4[%add3A_57, %dma_start3A_58] : memref<2500x128xi32, #tpu.memory_space<hbm>> -> memref<1x128xi32, #tpu.memory_space<hbm>>
      %dma_start3A_60 = tpu.memref_squeeze %dma_start3A_59 : memref<1x128xi32, #tpu.memory_space<hbm>> -> memref<128xi32, #tpu.memory_space<hbm>>
      %dma_start3A_61 = arith.constant 0 : i32
      %dma_start3A_62 = tpu.memref_slice %arg4[%add3A_57, %dma_start3A_61] : memref<2500x128xi32, #tpu.memory_space<hbm>> -> memref<1x128xi32, #tpu.memory_space<hbm>>
      %dma_start3A_63 = tpu.memref_squeeze %dma_start3A_62 : memref<1x128xi32, #tpu.memory_space<hbm>> -> memref<128xi32, #tpu.memory_space<hbm>>
      tpu.enqueue_dma source(%dma_start3A_63 : memref<128xi32, #tpu.memory_space<hbm>>) target(%arg9 : memref<128xi32, #tpu.memory_space<vmem>>) target_semaphore(%arg19 : memref<!tpu.dma_semaphore, #tpu.memory_space<semaphore_mem>>)
      %add3A_64 = arith.constant 1 : i32
      %add3A_65 = arith.addi %add3A_32, %add3A_64 : i32
      %dma_start3A_66 = arith.constant 0 : i32
      %dma_start3A_67 = tpu.memref_slice %arg4[%add3A_65, %dma_start3A_66] : memref<2500x128xi32, #tpu.memory_space<hbm>> -> memref<1x128xi32, #tpu.memory_space<hbm>>
      %dma_start3A_68 = tpu.memref_squeeze %dma_start3A_67 : memref<1x128xi32, #tpu.memory_space<hbm>> -> memref<128xi32, #tpu.memory_space<hbm>>
      %dma_start3A_69 = arith.constant 0 : i32
      %dma_start3A_70 = tpu.memref_slice %arg4[%add3A_65, %dma_start3A_69] : memref<2500x128xi32, #tpu.memory_space<hbm>> -> memref<1x128xi32, #tpu.memory_space<hbm>>
      %dma_start3A_71 = tpu.memref_squeeze %dma_start3A_70 : memref<1x128xi32, #tpu.memory_space<hbm>> -> memref<128xi32, #tpu.memory_space<hbm>>
      tpu.enqueue_dma source(%dma_start3A_71 : memref<128xi32, #tpu.memory_space<hbm>>) target(%arg10 : memref<128xi32, #tpu.memory_space<vmem>>) target_semaphore(%arg20 : memref<!tpu.dma_semaphore, #tpu.memory_space<semaphore_mem>>)
      %add3A_72 = arith.constant 2 : i32
      %add3A_73 = arith.addi %add3A_32, %add3A_72 : i32
      %dma_start3A_74 = arith.constant 0 : i32
      %dma_start3A_75 = tpu.memref_slice %arg4[%add3A_73, %dma_start3A_74] : memref<2500x128xi32, #tpu.memory_space<hbm>> -> memref<1x128xi32, #tpu.memory_space<hbm>>
      %dma_start3A_76 = tpu.memref_squeeze %dma_start3A_75 : memref<1x128xi32, #tpu.memory_space<hbm>> -> memref<128xi32, #tpu.memory_space<hbm>>
      %dma_start3A_77 = arith.constant 0 : i32
      %dma_start3A_78 = tpu.memref_slice %arg4[%add3A_73, %dma_start3A_77] : memref<2500x128xi32, #tpu.memory_space<hbm>> -> memref<1x128xi32, #tpu.memory_space<hbm>>
      %dma_start3A_79 = tpu.memref_squeeze %dma_start3A_78 : memref<1x128xi32, #tpu.memory_space<hbm>> -> memref<128xi32, #tpu.memory_space<hbm>>
      tpu.enqueue_dma source(%dma_start3A_79 : memref<128xi32, #tpu.memory_space<hbm>>) target(%arg11 : memref<128xi32, #tpu.memory_space<vmem>>) target_semaphore(%arg21 : memref<!tpu.dma_semaphore, #tpu.memory_space<semaphore_mem>>)
      %dma_wait3A = arith.constant 0 : i32
      %dma_wait3A_80 = tpu.memref_slice %arg3[%add3A_34, %dma_wait3A] : memref<2500x128xi32, #tpu.memory_space<hbm>> -> memref<1x128xi32, #tpu.memory_space<hbm>>
      %dma_wait3A_81 = tpu.memref_squeeze %dma_wait3A_80 : memref<1x128xi32, #tpu.memory_space<hbm>> -> memref<128xi32, #tpu.memory_space<hbm>>
      %dma_wait3A_82 = arith.constant 0 : i32
      %dma_wait3A_83 = tpu.memref_slice %arg3[%add3A_34, %dma_wait3A_82] : memref<2500x128xi32, #tpu.memory_space<hbm>> -> memref<1x128xi32, #tpu.memory_space<hbm>>
      %dma_wait3A_84 = tpu.memref_squeeze %dma_wait3A_83 : memref<1x128xi32, #tpu.memory_space<hbm>> -> memref<128xi32, #tpu.memory_space<hbm>>
      tpu.wait_dma2 semaphore(%arg16 : memref<!tpu.dma_semaphore, #tpu.memory_space<semaphore_mem>>) src(%dma_wait3A_84 : memref<128xi32, #tpu.memory_space<hbm>>) dst(%arg6 : memref<128xi32, #tpu.memory_space<vmem>>)
      %dma_start3A_85 = arith.constant 0 : i32
      %dma_start3A_86 = arith.constant 0 : i32
      %dma_start3A_87 = tpu.memref_slice %arg2[%dma_start3A_85, %dma_start3A_86] : memref<10000x128xf32, #tpu.memory_space<hbm>> -> memref<10000x128xf32, #tpu.memory_space<hbm>>
      tpu.enqueue_indirect_dma source(%dma_start3A_87 : memref<10000x128xf32, #tpu.memory_space<hbm>>) target(%arg12 : memref<128x128xf32, #tpu.memory_space<vmem>>) offsets(%arg6 : memref<128xi32, #tpu.memory_space<vmem>>) semaphore(%arg22 : memref<!tpu.dma_semaphore, #tpu.memory_space<semaphore_mem>>)
      %dma_wait3A_88 = arith.constant 0 : i32
      %dma_wait3A_89 = tpu.memref_slice %arg3[%add3A_41, %dma_wait3A_88] : memref<2500x128xi32, #tpu.memory_space<hbm>> -> memref<1x128xi32, #tpu.memory_space<hbm>>
      %dma_wait3A_90 = tpu.memref_squeeze %dma_wait3A_89 : memref<1x128xi32, #tpu.memory_space<hbm>> -> memref<128xi32, #tpu.memory_space<hbm>>
      %dma_wait3A_91 = arith.constant 0 : i32
      %dma_wait3A_92 = tpu.memref_slice %arg3[%add3A_41, %dma_wait3A_91] : memref<2500x128xi32, #tpu.memory_space<hbm>> -> memref<1x128xi32, #tpu.memory_space<hbm>>
      %dma_wait3A_93 = tpu.memref_squeeze %dma_wait3A_92 : memref<1x128xi32, #tpu.memory_space<hbm>> -> memref<128xi32, #tpu.memory_space<hbm>>
      tpu.wait_dma2 semaphore(%arg17 : memref<!tpu.dma_semaphore, #tpu.memory_space<semaphore_mem>>) src(%dma_wait3A_93 : memref<128xi32, #tpu.memory_space<hbm>>) dst(%arg7 : memref<128xi32, #tpu.memory_space<vmem>>)
      %dma_start3A_94 = arith.constant 0 : i32
      %dma_start3A_95 = arith.constant 0 : i32
      %dma_start3A_96 = tpu.memref_slice %arg2[%dma_start3A_94, %dma_start3A_95] : memref<10000x128xf32, #tpu.memory_space<hbm>> -> memref<10000x128xf32, #tpu.memory_space<hbm>>
      tpu.enqueue_indirect_dma source(%dma_start3A_96 : memref<10000x128xf32, #tpu.memory_space<hbm>>) target(%arg13 : memref<128x128xf32, #tpu.memory_space<vmem>>) offsets(%arg7 : memref<128xi32, #tpu.memory_space<vmem>>) semaphore(%arg23 : memref<!tpu.dma_semaphore, #tpu.memory_space<semaphore_mem>>)
      %dma_wait3A_97 = arith.constant 0 : i32
      %dma_wait3A_98 = tpu.memref_slice %arg3[%add3A_49, %dma_wait3A_97] : memref<2500x128xi32, #tpu.memory_space<hbm>> -> memref<1x128xi32, #tpu.memory_space<hbm>>
      %dma_wait3A_99 = tpu.memref_squeeze %dma_wait3A_98 : memref<1x128xi32, #tpu.memory_space<hbm>> -> memref<128xi32, #tpu.memory_space<hbm>>
      %dma_wait3A_100 = arith.constant 0 : i32
      %dma_wait3A_101 = tpu.memref_slice %arg3[%add3A_49, %dma_wait3A_100] : memref<2500x128xi32, #tpu.memory_space<hbm>> -> memref<1x128xi32, #tpu.memory_space<hbm>>
      %dma_wait3A_102 = tpu.memref_squeeze %dma_wait3A_101 : memref<1x128xi32, #tpu.memory_space<hbm>> -> memref<128xi32, #tpu.memory_space<hbm>>
      tpu.wait_dma2 semaphore(%arg18 : memref<!tpu.dma_semaphore, #tpu.memory_space<semaphore_mem>>) src(%dma_wait3A_102 : memref<128xi32, #tpu.memory_space<hbm>>) dst(%arg8 : memref<128xi32, #tpu.memory_space<vmem>>)
      %dma_start3A_103 = arith.constant 0 : i32
      %dma_start3A_104 = arith.constant 0 : i32
      %dma_start3A_105 = tpu.memref_slice %arg2[%dma_start3A_103, %dma_start3A_104] : memref<10000x128xf32, #tpu.memory_space<hbm>> -> memref<10000x128xf32, #tpu.memory_space<hbm>>
      tpu.enqueue_indirect_dma source(%dma_start3A_105 : memref<10000x128xf32, #tpu.memory_space<hbm>>) target(%arg14 : memref<128x128xf32, #tpu.memory_space<vmem>>) offsets(%arg8 : memref<128xi32, #tpu.memory_space<vmem>>) semaphore(%arg24 : memref<!tpu.dma_semaphore, #tpu.memory_space<semaphore_mem>>)
      %dma_wait3A_106 = arith.constant 0 : i32
      %dma_wait3A_107 = arith.constant 0 : i32
      %dma_wait3A_108 = tpu.memref_slice %arg2[%dma_wait3A_106, %dma_wait3A_107] : memref<10000x128xf32, #tpu.memory_space<hbm>> -> memref<10000x128xf32, #tpu.memory_space<hbm>>
      tpu.wait_indirect_dma semaphore(%arg22 : memref<!tpu.dma_semaphore, #tpu.memory_space<semaphore_mem>>) src(%dma_wait3A_108 : memref<10000x128xf32, #tpu.memory_space<hbm>>) dst(%arg12 : memref<128x128xf32, #tpu.memory_space<vmem>>)
      %dma_wait3A_109 = arith.constant 0 : i32
      %dma_wait3A_110 = tpu.memref_slice %arg4[%add3A_57, %dma_wait3A_109] : memref<2500x128xi32, #tpu.memory_space<hbm>> -> memref<1x128xi32, #tpu.memory_space<hbm>>
      %dma_wait3A_111 = tpu.memref_squeeze %dma_wait3A_110 : memref<1x128xi32, #tpu.memory_space<hbm>> -> memref<128xi32, #tpu.memory_space<hbm>>
      %dma_wait3A_112 = arith.constant 0 : i32
      %dma_wait3A_113 = tpu.memref_slice %arg4[%add3A_57, %dma_wait3A_112] : memref<2500x128xi32, #tpu.memory_space<hbm>> -> memref<1x128xi32, #tpu.memory_space<hbm>>
      %dma_wait3A_114 = tpu.memref_squeeze %dma_wait3A_113 : memref<1x128xi32, #tpu.memory_space<hbm>> -> memref<128xi32, #tpu.memory_space<hbm>>
      tpu.wait_dma2 semaphore(%arg19 : memref<!tpu.dma_semaphore, #tpu.memory_space<semaphore_mem>>) src(%dma_wait3A_114 : memref<128xi32, #tpu.memory_space<hbm>>) dst(%arg9 : memref<128xi32, #tpu.memory_space<vmem>>)
      %dma_start3A_115 = arith.constant 0 : i32
      %dma_start3A_116 = arith.constant 0 : i32
      %dma_start3A_117 = tpu.memref_slice %arg15[%dma_start3A_115, %dma_start3A_116] : memref<10112x128xf32, #tpu.memory_space<vmem_shared>> -> memref<10112x128xf32, #tpu.memory_space<vmem_shared>>
      tpu.enqueue_indirect_dma source(%arg12 : memref<128x128xf32, #tpu.memory_space<vmem>>) target(%dma_start3A_117 : memref<10112x128xf32, #tpu.memory_space<vmem_shared>>) offsets(%arg9 : memref<128xi32, #tpu.memory_space<vmem>>) semaphore(%arg25 : memref<!tpu.dma_semaphore, #tpu.memory_space<semaphore_mem>>) {add = true}
      %dma_wait3A_118 = arith.constant 0 : i32
      %dma_wait3A_119 = arith.constant 0 : i32
      %dma_wait3A_120 = tpu.memref_slice %arg2[%dma_wait3A_118, %dma_wait3A_119] : memref<10000x128xf32, #tpu.memory_space<hbm>> -> memref<10000x128xf32, #tpu.memory_space<hbm>>
      tpu.wait_indirect_dma semaphore(%arg23 : memref<!tpu.dma_semaphore, #tpu.memory_space<semaphore_mem>>) src(%dma_wait3A_120 : memref<10000x128xf32, #tpu.memory_space<hbm>>) dst(%arg13 : memref<128x128xf32, #tpu.memory_space<vmem>>)
      %dma_wait3A_121 = arith.constant 0 : i32
      %dma_wait3A_122 = tpu.memref_slice %arg4[%add3A_65, %dma_wait3A_121] : memref<2500x128xi32, #tpu.memory_space<hbm>> -> memref<1x128xi32, #tpu.memory_space<hbm>>
      %dma_wait3A_123 = tpu.memref_squeeze %dma_wait3A_122 : memref<1x128xi32, #tpu.memory_space<hbm>> -> memref<128xi32, #tpu.memory_space<hbm>>
      %dma_wait3A_124 = arith.constant 0 : i32
      %dma_wait3A_125 = tpu.memref_slice %arg4[%add3A_65, %dma_wait3A_124] : memref<2500x128xi32, #tpu.memory_space<hbm>> -> memref<1x128xi32, #tpu.memory_space<hbm>>
      %dma_wait3A_126 = tpu.memref_squeeze %dma_wait3A_125 : memref<1x128xi32, #tpu.memory_space<hbm>> -> memref<128xi32, #tpu.memory_space<hbm>>
      tpu.wait_dma2 semaphore(%arg20 : memref<!tpu.dma_semaphore, #tpu.memory_space<semaphore_mem>>) src(%dma_wait3A_126 : memref<128xi32, #tpu.memory_space<hbm>>) dst(%arg10 : memref<128xi32, #tpu.memory_space<vmem>>)
      %dma_start3A_127 = arith.constant 0 : i32
      %dma_start3A_128 = arith.constant 0 : i32
      %dma_start3A_129 = tpu.memref_slice %arg15[%dma_start3A_127, %dma_start3A_128] : memref<10112x128xf32, #tpu.memory_space<vmem_shared>> -> memref<10112x128xf32, #tpu.memory_space<vmem_shared>>
      tpu.enqueue_indirect_dma source(%arg13 : memref<128x128xf32, #tpu.memory_space<vmem>>) target(%dma_start3A_129 : memref<10112x128xf32, #tpu.memory_space<vmem_shared>>) offsets(%arg10 : memref<128xi32, #tpu.memory_space<vmem>>) semaphore(%arg26 : memref<!tpu.dma_semaphore, #tpu.memory_space<semaphore_mem>>) {add = true}
      %dma_wait3A_130 = arith.constant 0 : i32
      %dma_wait3A_131 = arith.constant 0 : i32
      %dma_wait3A_132 = tpu.memref_slice %arg2[%dma_wait3A_130, %dma_wait3A_131] : memref<10000x128xf32, #tpu.memory_space<hbm>> -> memref<10000x128xf32, #tpu.memory_space<hbm>>
      tpu.wait_indirect_dma semaphore(%arg24 : memref<!tpu.dma_semaphore, #tpu.memory_space<semaphore_mem>>) src(%dma_wait3A_132 : memref<10000x128xf32, #tpu.memory_space<hbm>>) dst(%arg14 : memref<128x128xf32, #tpu.memory_space<vmem>>)
      %dma_wait3A_133 = arith.constant 0 : i32
      %dma_wait3A_134 = tpu.memref_slice %arg4[%add3A_73, %dma_wait3A_133] : memref<2500x128xi32, #tpu.memory_space<hbm>> -> memref<1x128xi32, #tpu.memory_space<hbm>>
      %dma_wait3A_135 = tpu.memref_squeeze %dma_wait3A_134 : memref<1x128xi32, #tpu.memory_space<hbm>> -> memref<128xi32, #tpu.memory_space<hbm>>
      %dma_wait3A_136 = arith.constant 0 : i32
      %dma_wait3A_137 = tpu.memref_slice %arg4[%add3A_73, %dma_wait3A_136] : memref<2500x128xi32, #tpu.memory_space<hbm>> -> memref<1x128xi32, #tpu.memory_space<hbm>>
      %dma_wait3A_138 = tpu.memref_squeeze %dma_wait3A_137 : memref<1x128xi32, #tpu.memory_space<hbm>> -> memref<128xi32, #tpu.memory_space<hbm>>
      tpu.wait_dma2 semaphore(%arg21 : memref<!tpu.dma_semaphore, #tpu.memory_space<semaphore_mem>>) src(%dma_wait3A_138 : memref<128xi32, #tpu.memory_space<hbm>>) dst(%arg11 : memref<128xi32, #tpu.memory_space<vmem>>)
      %dma_start3A_139 = arith.constant 0 : i32
      %dma_start3A_140 = arith.constant 0 : i32
      %dma_start3A_141 = tpu.memref_slice %arg15[%dma_start3A_139, %dma_start3A_140] : memref<10112x128xf32, #tpu.memory_space<vmem_shared>> -> memref<10112x128xf32, #tpu.memory_space<vmem_shared>>
      tpu.enqueue_indirect_dma source(%arg14 : memref<128x128xf32, #tpu.memory_space<vmem>>) target(%dma_start3A_141 : memref<10112x128xf32, #tpu.memory_space<vmem_shared>>) offsets(%arg11 : memref<128xi32, #tpu.memory_space<vmem>>) semaphore(%arg27 : memref<!tpu.dma_semaphore, #tpu.memory_space<semaphore_mem>>) {add = true}
      %dma_wait3A_142 = arith.constant 0 : i32
      %dma_wait3A_143 = arith.constant 0 : i32
      %dma_wait3A_144 = tpu.memref_slice %arg15[%dma_wait3A_142, %dma_wait3A_143] : memref<10112x128xf32, #tpu.memory_space<vmem_shared>> -> memref<10112x128xf32, #tpu.memory_space<vmem_shared>>
      tpu.wait_indirect_dma semaphore(%arg25 : memref<!tpu.dma_semaphore, #tpu.memory_space<semaphore_mem>>) src(%arg12 : memref<128x128xf32, #tpu.memory_space<vmem>>) dst(%dma_wait3A_144 : memref<10112x128xf32, #tpu.memory_space<vmem_shared>>)
      %dma_wait3A_145 = arith.constant 0 : i32
      %dma_wait3A_146 = arith.constant 0 : i32
      %dma_wait3A_147 = tpu.memref_slice %arg15[%dma_wait3A_145, %dma_wait3A_146] : memref<10112x128xf32, #tpu.memory_space<vmem_shared>> -> memref<10112x128xf32, #tpu.memory_space<vmem_shared>>
      tpu.wait_indirect_dma semaphore(%arg26 : memref<!tpu.dma_semaphore, #tpu.memory_space<semaphore_mem>>) src(%arg13 : memref<128x128xf32, #tpu.memory_space<vmem>>) dst(%dma_wait3A_147 : memref<10112x128xf32, #tpu.memory_space<vmem_shared>>)
      %dma_wait3A_148 = arith.constant 0 : i32
      %dma_wait3A_149 = arith.constant 0 : i32
      %dma_wait3A_150 = tpu.memref_slice %arg15[%dma_wait3A_148, %dma_wait3A_149] : memref<10112x128xf32, #tpu.memory_space<vmem_shared>> -> memref<10112x128xf32, #tpu.memory_space<vmem_shared>>
      tpu.wait_indirect_dma semaphore(%arg27 : memref<!tpu.dma_semaphore, #tpu.memory_space<semaphore_mem>>) src(%arg14 : memref<128x128xf32, #tpu.memory_space<vmem>>) dst(%dma_wait3A_150 : memref<10112x128xf32, #tpu.memory_space<vmem_shared>>)
    }
    %scan3A_21 = arith.constant 26 : i32
    %lt3A = arith.constant 4 : i32
    %lt3A_22 = arith.cmpi slt, %add3A, %lt3A : i32
    %convert_element_type3A = arith.extui %lt3A_22 : i1 to i32
    %cond3A = arith.constant 0 : i32
    %cond3A_23 = arith.cmpi ne, %convert_element_type3A, %cond3A : i32
    scf.if %cond3A_23 {
      %add3A_27 = arith.constant 2496 : i32
      %add3A_28 = arith.addi %add3A_27, %add3A : i32
      "tpu.region"() ({
        %run_scoped3A = tpu.sem_alloc : memref<!tpu.dma_semaphore, #tpu.memory_space<semaphore_mem>>
        %dma_start3A_33 = arith.constant 0 : i32
        %dma_start3A_34 = tpu.memref_slice %arg3[%add3A_28, %dma_start3A_33] : memref<2500x128xi32, #tpu.memory_space<hbm>> -> memref<1x128xi32, #tpu.memory_space<hbm>>
        %dma_start3A_35 = tpu.memref_squeeze %dma_start3A_34 : memref<1x128xi32, #tpu.memory_space<hbm>> -> memref<128xi32, #tpu.memory_space<hbm>>
        %dma_start3A_36 = arith.constant 0 : i32
        %dma_start3A_37 = tpu.memref_slice %arg3[%add3A_28, %dma_start3A_36] : memref<2500x128xi32, #tpu.memory_space<hbm>> -> memref<1x128xi32, #tpu.memory_space<hbm>>
        %dma_start3A_38 = tpu.memref_squeeze %dma_start3A_37 : memref<1x128xi32, #tpu.memory_space<hbm>> -> memref<128xi32, #tpu.memory_space<hbm>>
        tpu.enqueue_dma source(%dma_start3A_38 : memref<128xi32, #tpu.memory_space<hbm>>) target(%arg6 : memref<128xi32, #tpu.memory_space<vmem>>) target_semaphore(%run_scoped3A : memref<!tpu.dma_semaphore, #tpu.memory_space<semaphore_mem>>)
        %dma_wait3A_39 = arith.constant 0 : i32
        %dma_wait3A_40 = tpu.memref_slice %arg3[%add3A_28, %dma_wait3A_39] : memref<2500x128xi32, #tpu.memory_space<hbm>> -> memref<1x128xi32, #tpu.memory_space<hbm>>
        %dma_wait3A_41 = tpu.memref_squeeze %dma_wait3A_40 : memref<1x128xi32, #tpu.memory_space<hbm>> -> memref<128xi32, #tpu.memory_space<hbm>>
        %dma_wait3A_42 = arith.constant 0 : i32
        %dma_wait3A_43 = tpu.memref_slice %arg3[%add3A_28, %dma_wait3A_42] : memref<2500x128xi32, #tpu.memory_space<hbm>> -> memref<1x128xi32, #tpu.memory_space<hbm>>
        %dma_wait3A_44 = tpu.memref_squeeze %dma_wait3A_43 : memref<1x128xi32, #tpu.memory_space<hbm>> -> memref<128xi32, #tpu.memory_space<hbm>>
        tpu.wait_dma2 semaphore(%run_scoped3A : memref<!tpu.dma_semaphore, #tpu.memory_space<semaphore_mem>>) src(%dma_wait3A_44 : memref<128xi32, #tpu.memory_space<hbm>>) dst(%arg6 : memref<128xi32, #tpu.memory_space<vmem>>)
        tpu.yield
      }) : () -> ()
      "tpu.region"() ({
        %run_scoped3A = tpu.sem_alloc : memref<!tpu.dma_semaphore, #tpu.memory_space<semaphore_mem>>
        %dma_start3A_33 = arith.constant 0 : i32
        %dma_start3A_34 = tpu.memref_slice %arg4[%add3A_28, %dma_start3A_33] : memref<2500x128xi32, #tpu.memory_space<hbm>> -> memref<1x128xi32, #tpu.memory_space<hbm>>
        %dma_start3A_35 = tpu.memref_squeeze %dma_start3A_34 : memref<1x128xi32, #tpu.memory_space<hbm>> -> memref<128xi32, #tpu.memory_space<hbm>>
        %dma_start3A_36 = arith.constant 0 : i32
        %dma_start3A_37 = tpu.memref_slice %arg4[%add3A_28, %dma_start3A_36] : memref<2500x128xi32, #tpu.memory_space<hbm>> -> memref<1x128xi32, #tpu.memory_space<hbm>>
        %dma_start3A_38 = tpu.memref_squeeze %dma_start3A_37 : memref<1x128xi32, #tpu.memory_space<hbm>> -> memref<128xi32, #tpu.memory_space<hbm>>
        tpu.enqueue_dma source(%dma_start3A_38 : memref<128xi32, #tpu.memory_space<hbm>>) target(%arg9 : memref<128xi32, #tpu.memory_space<vmem>>) target_semaphore(%run_scoped3A : memref<!tpu.dma_semaphore, #tpu.memory_space<semaphore_mem>>)
        %dma_wait3A_39 = arith.constant 0 : i32
        %dma_wait3A_40 = tpu.memref_slice %arg4[%add3A_28, %dma_wait3A_39] : memref<2500x128xi32, #tpu.memory_space<hbm>> -> memref<1x128xi32, #tpu.memory_space<hbm>>
        %dma_wait3A_41 = tpu.memref_squeeze %dma_wait3A_40 : memref<1x128xi32, #tpu.memory_space<hbm>> -> memref<128xi32, #tpu.memory_space<hbm>>
        %dma_wait3A_42 = arith.constant 0 : i32
        %dma_wait3A_43 = tpu.memref_slice %arg4[%add3A_28, %dma_wait3A_42] : memref<2500x128xi32, #tpu.memory_space<hbm>> -> memref<1x128xi32, #tpu.memory_space<hbm>>
        %dma_wait3A_44 = tpu.memref_squeeze %dma_wait3A_43 : memref<1x128xi32, #tpu.memory_space<hbm>> -> memref<128xi32, #tpu.memory_space<hbm>>
        tpu.wait_dma2 semaphore(%run_scoped3A : memref<!tpu.dma_semaphore, #tpu.memory_space<semaphore_mem>>) src(%dma_wait3A_44 : memref<128xi32, #tpu.memory_space<hbm>>) dst(%arg9 : memref<128xi32, #tpu.memory_space<vmem>>)
        tpu.yield
      }) : () -> ()
      %dma_start3A = arith.constant 0 : i32
      %dma_start3A_29 = arith.constant 0 : i32
      %dma_start3A_30 = tpu.memref_slice %arg2[%dma_start3A, %dma_start3A_29] : memref<10000x128xf32, #tpu.memory_space<hbm>> -> memref<10000x128xf32, #tpu.memory_space<hbm>>
      tpu.enqueue_indirect_dma source(%dma_start3A_30 : memref<10000x128xf32, #tpu.memory_space<hbm>>) target(%arg12 : memref<128x128xf32, #tpu.memory_space<vmem>>) offsets(%arg6 : memref<128xi32, #tpu.memory_space<vmem>>) semaphore(%arg22 : memref<!tpu.dma_semaphore, #tpu.memory_space<semaphore_mem>>)
      %dma_wait3A = arith.constant 0 : i32
      %dma_wait3A_31 = arith.constant 0 : i32
      %dma_wait3A_32 = tpu.memref_slice %arg2[%dma_wait3A, %dma_wait3A_31] : memref<10000x128xf32, #tpu.memory_space<hbm>> -> memref<10000x128xf32, #tpu.memory_space<hbm>>
      tpu.wait_indirect_dma semaphore(%arg22 : memref<!tpu.dma_semaphore, #tpu.memory_space<semaphore_mem>>) src(%dma_wait3A_32 : memref<10000x128xf32, #tpu.memory_space<hbm>>) dst(%arg12 : memref<128x128xf32, #tpu.memory_space<vmem>>)
      "tpu.region"() ({
        %run_scoped3A = tpu.sem_alloc : memref<!tpu.dma_semaphore, #tpu.memory_space<semaphore_mem>>
        %dma_start3A_33 = arith.constant 0 : i32
        %dma_start3A_34 = arith.constant 0 : i32
        %dma_start3A_35 = tpu.memref_slice %arg15[%dma_start3A_33, %dma_start3A_34] : memref<10112x128xf32, #tpu.memory_space<vmem_shared>> -> memref<10112x128xf32, #tpu.memory_space<vmem_shared>>
        tpu.enqueue_indirect_dma source(%arg12 : memref<128x128xf32, #tpu.memory_space<vmem>>) target(%dma_start3A_35 : memref<10112x128xf32, #tpu.memory_space<vmem_shared>>) offsets(%arg9 : memref<128xi32, #tpu.memory_space<vmem>>) semaphore(%run_scoped3A : memref<!tpu.dma_semaphore, #tpu.memory_space<semaphore_mem>>) {add = true}
        %dma_wait3A_36 = arith.constant 0 : i32
        %dma_wait3A_37 = arith.constant 0 : i32
        %dma_wait3A_38 = tpu.memref_slice %arg15[%dma_wait3A_36, %dma_wait3A_37] : memref<10112x128xf32, #tpu.memory_space<vmem_shared>> -> memref<10112x128xf32, #tpu.memory_space<vmem_shared>>
        tpu.wait_indirect_dma semaphore(%run_scoped3A : memref<!tpu.dma_semaphore, #tpu.memory_space<semaphore_mem>>) src(%arg12 : memref<128x128xf32, #tpu.memory_space<vmem>>) dst(%dma_wait3A_38 : memref<10112x128xf32, #tpu.memory_space<vmem_shared>>)
        tpu.yield
      }) : () -> ()
    } else {
    }
    %barrier3A_24 = arith.constant 0 : index
    tpu.barrier barrier_id(%barrier3A_24)
    %mul3A_25 = arith.constant 632 : i32
    %mul3A_26 = arith.muli %arg1, %mul3A_25 : i32
    "tpu.region"() ({
      %run_scoped3A = tpu.sem_alloc : memref<!tpu.dma_semaphore, #tpu.memory_space<semaphore_mem>>
      %dma_start3A = arith.constant 0 : i32
      %dma_start3A_27 = tpu.memref_slice %arg5[%arg0, %mul3A_26, %dma_start3A] : memref<2x10112x128xf32, #tpu.memory_space<hbm>> -> memref<1x632x128xf32, #tpu.memory_space<hbm>>
      %dma_start3A_28 = tpu.memref_squeeze %dma_start3A_27 : memref<1x632x128xf32, #tpu.memory_space<hbm>> -> memref<632x128xf32, #tpu.memory_space<hbm>>
      %dma_start3A_29 = arith.constant 0 : i32
      %dma_start3A_30 = tpu.memref_slice %arg15[%mul3A_26, %dma_start3A_29] : memref<10112x128xf32, #tpu.memory_space<vmem_shared>> -> memref<632x128xf32, #tpu.memory_space<vmem_shared>>
      tpu.enqueue_dma source(%dma_start3A_30 : memref<632x128xf32, #tpu.memory_space<vmem_shared>>) target(%dma_start3A_28 : memref<632x128xf32, #tpu.memory_space<hbm>>) target_semaphore(%run_scoped3A : memref<!tpu.dma_semaphore, #tpu.memory_space<semaphore_mem>>)
      %dma_wait3A = arith.constant 0 : i32
      %dma_wait3A_31 = tpu.memref_slice %arg5[%arg0, %mul3A_26, %dma_wait3A] : memref<2x10112x128xf32, #tpu.memory_space<hbm>> -> memref<1x632x128xf32, #tpu.memory_space<hbm>>
      %dma_wait3A_32 = tpu.memref_squeeze %dma_wait3A_31 : memref<1x632x128xf32, #tpu.memory_space<hbm>> -> memref<632x128xf32, #tpu.memory_space<hbm>>
      %dma_wait3A_33 = arith.constant 0 : i32
      %dma_wait3A_34 = tpu.memref_slice %arg15[%mul3A_26, %dma_wait3A_33] : memref<10112x128xf32, #tpu.memory_space<vmem_shared>> -> memref<632x128xf32, #tpu.memory_space<vmem_shared>>
      tpu.wait_dma2 semaphore(%run_scoped3A : memref<!tpu.dma_semaphore, #tpu.memory_space<semaphore_mem>>) src(%dma_wait3A_34 : memref<632x128xf32, #tpu.memory_space<vmem_shared>>) dst(%dma_wait3A_32 : memref<632x128xf32, #tpu.memory_space<hbm>>)
      tpu.yield
    }) : () -> ()
    return
  }
}

module attributes {stable_mosaic.version = 14 : i64} {
  func.func @_scale_mm(%arg0: i32, %arg1: memref<1000x2xf32, #tpu.memory_space<vmem>>, %arg2: memref<1000x128xf32, #tpu.memory_space<vmem>>, %arg3: memref<128x128xf32, #tpu.memory_space<vmem>>, %arg4: memref<1000x128xf32, #tpu.memory_space<vmem>>, %arg5: memref<1000x1xf32, #tpu.memory_space<vmem>>) attributes {dimension_semantics = [#tpu.dimension_semantics<arbitrary>], iteration_bounds = array<i64: 10>, scalar_prefetch = 0 : i64, scratch_operands = 0 : i64, tpu.core_type = #tpu.core_type<tc>, window_params = [{transform_indices = @transform_0, window_bounds = array<i64: 1000, 2>}, {transform_indices = @transform_1, window_bounds = array<i64: 1000, 128>}, {pipeline_mode = #tpu.pipeline_mode<synchronous>, transform_indices = @transform_2, window_bounds = array<i64: 128, 128>}, {transform_indices = @transform_3, window_bounds = array<i64: 1000, 128>}, {transform_indices = @transform_4, window_bounds = array<i64: 1000, 1>}]} {
    %get3A = arith.constant 0 : index
    %get3A_0 = arith.constant 0 : index
    %get3A_1 = vector.load %arg1[%get3A, %get3A_0] : memref<1000x2xf32, #tpu.memory_space<vmem>>, vector<1000x1xf32>
    %add3A = arith.constant 1.000000e+00 : f32
    %add3A_2 = vector.broadcast %add3A : f32 to vector<1000x1xf32>
    %add3A_3 = arith.addf %add3A_2, %get3A_1 : vector<1000x1xf32>
    %get3A_4 = arith.constant 0 : index
    %get3A_5 = arith.constant 1 : index
    %get3A_6 = vector.load %arg1[%get3A_4, %get3A_5] : memref<1000x2xf32, #tpu.memory_space<vmem>>, vector<1000x1xf32>
    %add3A_7 = arith.addf %add3A_3, %get3A_6 : vector<1000x1xf32>
    %rsqrt3A = math.rsqrt %add3A_7 : vector<1000x1xf32>
    %get3A_8 = arith.constant 0 : index
    %get3A_9 = arith.constant 0 : index
    %get3A_10 = vector.load %arg2[%get3A_8, %get3A_9] : memref<1000x128xf32, #tpu.memory_space<vmem>>, vector<1000x128xf32>
    %get3A_11 = arith.constant 0 : index
    %get3A_12 = arith.constant 0 : index
    %get3A_13 = vector.load %arg3[%get3A_11, %get3A_12] : memref<128x128xf32, #tpu.memory_space<vmem>>, vector<128x128xf32>
    %dot_general3A = arith.constant dense<0.000000e+00> : vector<1000x128xf32>
    %dot_general3A_14 = tpu.matmul %get3A_10, %get3A_13, %dot_general3A {dimension_numbers = #tpu.dot_dimension_numbers<[1], [0], [0], [1], [0, 0, 1, 1], [], []>, transpose_lhs_hint = false} : vector<1000x128xf32>, vector<128x128xf32>, vector<1000x128xf32> -> vector<1000x128xf32>
    %mul3A = vector.broadcast %rsqrt3A : vector<1000x1xf32> to vector<1000x128xf32>
    %mul3A_15 = arith.mulf %mul3A, %dot_general3A_14 : vector<1000x128xf32>
    %swap3A = arith.constant 0 : index
    %swap3A_16 = arith.constant 0 : index
    %swap3A_17 = vector.load %arg4[%swap3A, %swap3A_16] : memref<1000x128xf32, #tpu.memory_space<vmem>>, vector<1000x128xf32>
    tpu.vector_store %arg4[%swap3A, %swap3A_16], %mul3A_15 {strides = array<i32>} : memref<1000x128xf32, #tpu.memory_space<vmem>>, vector<1000x128xf32>,
    %swap3A_18 = arith.constant 0 : index
    %swap3A_19 = arith.constant 0 : index
    %swap3A_20 = vector.load %arg5[%swap3A_18, %swap3A_19] : memref<1000x1xf32, #tpu.memory_space<vmem>>, vector<1000x1xf32>
    tpu.vector_store %arg5[%swap3A_18, %swap3A_19], %rsqrt3A {strides = array<i32>} : memref<1000x1xf32, #tpu.memory_space<vmem>>, vector<1000x1xf32>,
    return
  }
  func.func @transform_0(%arg0: i32) -> (i32, i32) {
    %c0_i32 = arith.constant 0 : i32
    %c0_i32_0 = arith.constant 0 : i32
    return %arg0, %c0_i32 : i32, i32
  }
  func.func @transform_1(%arg0: i32) -> (i32, i32) {
    %c0_i32 = arith.constant 0 : i32
    %c0_i32_0 = arith.constant 0 : i32
    return %arg0, %c0_i32 : i32, i32
  }
  func.func @transform_2(%arg0: i32) -> (i32, i32) {
    %c0_i32 = arith.constant 0 : i32
    %c0_i32_0 = arith.constant 0 : i32
    %c0_i32_1 = arith.constant 0 : i32
    return %c0_i32, %c0_i32_0 : i32, i32
  }
  func.func @transform_3(%arg0: i32) -> (i32, i32) {
    %c0_i32 = arith.constant 0 : i32
    %c0_i32_0 = arith.constant 0 : i32
    return %arg0, %c0_i32 : i32, i32
  }
  func.func @transform_4(%arg0: i32) -> (i32, i32) {
    %c0_i32 = arith.constant 0 : i32
    %c0_i32_0 = arith.constant 0 : i32
    return %arg0, %c0_i32 : i32, i32
  }
}

module attributes {stable_mosaic.version = 14 : i64} {
  func.func @_mid_layer(%arg0: i32, %arg1: memref<2x1000x128xf32, #tpu.memory_space<vmem>>, %arg2: memref<1000x128xf32, #tpu.memory_space<vmem>>, %arg3: memref<1000x1xf32, #tpu.memory_space<vmem>>, %arg4: memref<128xf32, #tpu.memory_space<vmem>>, %arg5: memref<128x128xf32, #tpu.memory_space<vmem>>, %arg6: memref<1000x128xf32, #tpu.memory_space<vmem>>) attributes {dimension_semantics = [#tpu.dimension_semantics<arbitrary>], iteration_bounds = array<i64: 10>, scalar_prefetch = 0 : i64, scratch_operands = 0 : i64, tpu.core_type = #tpu.core_type<tc>, window_params = [{transform_indices = @transform_0, window_bounds = array<i64: 2, 1000, 128>}, {transform_indices = @transform_1, window_bounds = array<i64: 1000, 128>}, {transform_indices = @transform_2, window_bounds = array<i64: 1000, 1>}, {pipeline_mode = #tpu.pipeline_mode<synchronous>, transform_indices = @transform_3, window_bounds = array<i64: 128>}, {pipeline_mode = #tpu.pipeline_mode<synchronous>, transform_indices = @transform_4, window_bounds = array<i64: 128, 128>}, {transform_indices = @transform_5, window_bounds = array<i64: 1000, 128>}]} {
    %get3A = arith.constant 0 : index
    %get3A_0 = arith.constant 0 : index
    %get3A_1 = arith.constant 0 : index
    %get3A_2 = vector.load %arg1[%get3A, %get3A_0, %get3A_1] : memref<2x1000x128xf32, #tpu.memory_space<vmem>>, vector<1x1000x128xf32>
    %get3A_3 = vector.shape_cast %get3A_2 : vector<1x1000x128xf32> to vector<1000x128xf32>
    %get3A_4 = arith.constant 1 : index
    %get3A_5 = arith.constant 0 : index
    %get3A_6 = arith.constant 0 : index
    %get3A_7 = vector.load %arg1[%get3A_4, %get3A_5, %get3A_6] : memref<2x1000x128xf32, #tpu.memory_space<vmem>>, vector<1x1000x128xf32>
    %get3A_8 = vector.shape_cast %get3A_7 : vector<1x1000x128xf32> to vector<1000x128xf32>
    %add3A = arith.addf %get3A_3, %get3A_8 : vector<1000x128xf32>
    %get3A_9 = arith.constant 0 : index
    %get3A_10 = arith.constant 0 : index
    %get3A_11 = vector.load %arg2[%get3A_9, %get3A_10] : memref<1000x128xf32, #tpu.memory_space<vmem>>, vector<1000x128xf32>
    %add3A_12 = arith.addf %add3A, %get3A_11 : vector<1000x128xf32>
    %get3A_13 = arith.constant 0 : index
    %get3A_14 = arith.constant 0 : index
    %get3A_15 = vector.load %arg3[%get3A_13, %get3A_14] : memref<1000x1xf32, #tpu.memory_space<vmem>>, vector<1000x1xf32>
    %mul3A = vector.broadcast %get3A_15 : vector<1000x1xf32> to vector<1000x128xf32>
    %mul3A_16 = arith.mulf %mul3A, %add3A_12 : vector<1000x128xf32>
    %get3A_17 = arith.constant 0 : index
    %get3A_18 = vector.load %arg4[%get3A_17] : memref<128xf32, #tpu.memory_space<vmem>>, vector<128xf32>
    %broadcast_in_dim3A = vector.shape_cast %get3A_18 : vector<128xf32> to vector<1x128xf32>
    %add3A_19 = vector.broadcast %broadcast_in_dim3A : vector<1x128xf32> to vector<1000x128xf32>
    %add3A_20 = arith.addf %mul3A_16, %add3A_19 : vector<1000x128xf32>
    %tanh3A = math.tanh %add3A_20 : vector<1000x128xf32>
    %get3A_21 = arith.constant 0 : index
    %get3A_22 = arith.constant 0 : index
    %get3A_23 = vector.load %arg3[%get3A_21, %get3A_22] : memref<1000x1xf32, #tpu.memory_space<vmem>>, vector<1000x1xf32>
    %get3A_24 = arith.constant 0 : index
    %get3A_25 = arith.constant 0 : index
    %get3A_26 = vector.load %arg5[%get3A_24, %get3A_25] : memref<128x128xf32, #tpu.memory_space<vmem>>, vector<128x128xf32>
    %dot_general3A = arith.constant dense<0.000000e+00> : vector<1000x128xf32>
    %dot_general3A_27 = tpu.matmul %tanh3A, %get3A_26, %dot_general3A {dimension_numbers = #tpu.dot_dimension_numbers<[1], [0], [0], [1], [0, 0, 1, 1], [], []>, transpose_lhs_hint = false} : vector<1000x128xf32>, vector<128x128xf32>, vector<1000x128xf32> -> vector<1000x128xf32>
    %mul3A_28 = vector.broadcast %get3A_23 : vector<1000x1xf32> to vector<1000x128xf32>
    %mul3A_29 = arith.mulf %mul3A_28, %dot_general3A_27 : vector<1000x128xf32>
    %swap3A = arith.constant 0 : index
    %swap3A_30 = arith.constant 0 : index
    %swap3A_31 = vector.load %arg6[%swap3A, %swap3A_30] : memref<1000x128xf32, #tpu.memory_space<vmem>>, vector<1000x128xf32>
    tpu.vector_store %arg6[%swap3A, %swap3A_30], %mul3A_29 {strides = array<i32>} : memref<1000x128xf32, #tpu.memory_space<vmem>>, vector<1000x128xf32>,
    return
  }
  func.func @transform_0(%arg0: i32) -> (i32, i32, i32) {
    %c0_i32 = arith.constant 0 : i32
    %c0_i32_0 = arith.constant 0 : i32
    %c0_i32_1 = arith.constant 0 : i32
    return %c0_i32, %arg0, %c0_i32_0 : i32, i32, i32
  }
  func.func @transform_1(%arg0: i32) -> (i32, i32) {
    %c0_i32 = arith.constant 0 : i32
    %c0_i32_0 = arith.constant 0 : i32
    return %arg0, %c0_i32 : i32, i32
  }
  func.func @transform_2(%arg0: i32) -> (i32, i32) {
    %c0_i32 = arith.constant 0 : i32
    %c0_i32_0 = arith.constant 0 : i32
    return %arg0, %c0_i32 : i32, i32
  }
  func.func @transform_3(%arg0: i32) -> i32 {
    %c0_i32 = arith.constant 0 : i32
    %c0_i32_0 = arith.constant 0 : i32
    return %c0_i32 : i32
  }
  func.func @transform_4(%arg0: i32) -> (i32, i32) {
    %c0_i32 = arith.constant 0 : i32
    %c0_i32_0 = arith.constant 0 : i32
    %c0_i32_1 = arith.constant 0 : i32
    return %c0_i32, %c0_i32_0 : i32, i32
  }
  func.func @transform_5(%arg0: i32) -> (i32, i32) {
    %c0_i32 = arith.constant 0 : i32
    %c0_i32_0 = arith.constant 0 : i32
    return %arg0, %c0_i32 : i32, i32
  }
}

module attributes {stable_mosaic.version = 14 : i64} {
  func.func @_final_head(%arg0: i32, %arg1: memref<2x1000x128xf32, #tpu.memory_space<vmem>>, %arg2: memref<1000x128xf32, #tpu.memory_space<vmem>>, %arg3: memref<1000x1xf32, #tpu.memory_space<vmem>>, %arg4: memref<128xf32, #tpu.memory_space<vmem>>, %arg5: memref<128x64xf32, #tpu.memory_space<vmem>>, %arg6: memref<64xf32, #tpu.memory_space<vmem>>, %arg7: memref<64x1xf32, #tpu.memory_space<vmem>>, %arg8: memref<1xf32, #tpu.memory_space<vmem>>, %arg9: memref<1000x1xf32, #tpu.memory_space<vmem>>) attributes {dimension_semantics = [#tpu.dimension_semantics<arbitrary>], iteration_bounds = array<i64: 10>, scalar_prefetch = 0 : i64, scratch_operands = 0 : i64, tpu.core_type = #tpu.core_type<tc>, window_params = [{transform_indices = @transform_0, window_bounds = array<i64: 2, 1000, 128>}, {transform_indices = @transform_1, window_bounds = array<i64: 1000, 128>}, {transform_indices = @transform_2, window_bounds = array<i64: 1000, 1>}, {pipeline_mode = #tpu.pipeline_mode<synchronous>, transform_indices = @transform_3, window_bounds = array<i64: 128>}, {pipeline_mode = #tpu.pipeline_mode<synchronous>, transform_indices = @transform_4, window_bounds = array<i64: 128, 64>}, {pipeline_mode = #tpu.pipeline_mode<synchronous>, transform_indices = @transform_5, window_bounds = array<i64: 64>}, {pipeline_mode = #tpu.pipeline_mode<synchronous>, transform_indices = @transform_6, window_bounds = array<i64: 64, 1>}, {pipeline_mode = #tpu.pipeline_mode<synchronous>, transform_indices = @transform_7, window_bounds = array<i64: 1>}, {transform_indices = @transform_8, window_bounds = array<i64: 1000, 1>}]} {
    %get3A = arith.constant 0 : index
    %get3A_0 = arith.constant 0 : index
    %get3A_1 = arith.constant 0 : index
    %get3A_2 = vector.load %arg1[%get3A, %get3A_0, %get3A_1] : memref<2x1000x128xf32, #tpu.memory_space<vmem>>, vector<1x1000x128xf32>
    %get3A_3 = vector.shape_cast %get3A_2 : vector<1x1000x128xf32> to vector<1000x128xf32>
    %get3A_4 = arith.constant 1 : index
    %get3A_5 = arith.constant 0 : index
    %get3A_6 = arith.constant 0 : index
    %get3A_7 = vector.load %arg1[%get3A_4, %get3A_5, %get3A_6] : memref<2x1000x128xf32, #tpu.memory_space<vmem>>, vector<1x1000x128xf32>
    %get3A_8 = vector.shape_cast %get3A_7 : vector<1x1000x128xf32> to vector<1000x128xf32>
    %add3A = arith.addf %get3A_3, %get3A_8 : vector<1000x128xf32>
    %get3A_9 = arith.constant 0 : index
    %get3A_10 = arith.constant 0 : index
    %get3A_11 = vector.load %arg2[%get3A_9, %get3A_10] : memref<1000x128xf32, #tpu.memory_space<vmem>>, vector<1000x128xf32>
    %add3A_12 = arith.addf %add3A, %get3A_11 : vector<1000x128xf32>
    %get3A_13 = arith.constant 0 : index
    %get3A_14 = arith.constant 0 : index
    %get3A_15 = vector.load %arg3[%get3A_13, %get3A_14] : memref<1000x1xf32, #tpu.memory_space<vmem>>, vector<1000x1xf32>
    %mul3A = vector.broadcast %get3A_15 : vector<1000x1xf32> to vector<1000x128xf32>
    %mul3A_16 = arith.mulf %mul3A, %add3A_12 : vector<1000x128xf32>
    %get3A_17 = arith.constant 0 : index
    %get3A_18 = vector.load %arg4[%get3A_17] : memref<128xf32, #tpu.memory_space<vmem>>, vector<128xf32>
    %broadcast_in_dim3A = vector.shape_cast %get3A_18 : vector<128xf32> to vector<1x128xf32>
    %add3A_19 = vector.broadcast %broadcast_in_dim3A : vector<1x128xf32> to vector<1000x128xf32>
    %add3A_20 = arith.addf %mul3A_16, %add3A_19 : vector<1000x128xf32>
    %tanh3A = math.tanh %add3A_20 : vector<1000x128xf32>
    %get3A_21 = arith.constant 0 : index
    %get3A_22 = arith.constant 0 : index
    %get3A_23 = vector.load %arg5[%get3A_21, %get3A_22] : memref<128x64xf32, #tpu.memory_space<vmem>>, vector<128x64xf32>
    %dot_general3A = arith.constant dense<0.000000e+00> : vector<1000x64xf32>
    %dot_general3A_24 = tpu.matmul %tanh3A, %get3A_23, %dot_general3A {dimension_numbers = #tpu.dot_dimension_numbers<[1], [0], [0], [1], [0, 0, 1, 1], [], []>, transpose_lhs_hint = false} : vector<1000x128xf32>, vector<128x64xf32>, vector<1000x64xf32> -> vector<1000x64xf32>
    %get3A_25 = arith.constant 0 : index
    %get3A_26 = vector.load %arg6[%get3A_25] : memref<64xf32, #tpu.memory_space<vmem>>, vector<64xf32>
    %broadcast_in_dim3A_27 = vector.shape_cast %get3A_26 : vector<64xf32> to vector<1x64xf32>
    %add3A_28 = vector.broadcast %broadcast_in_dim3A_27 : vector<1x64xf32> to vector<1000x64xf32>
    %add3A_29 = arith.addf %dot_general3A_24, %add3A_28 : vector<1000x64xf32>
    %tanh3A_30 = math.tanh %add3A_29 : vector<1000x64xf32>
    %get3A_31 = arith.constant 0 : index
    %get3A_32 = arith.constant 0 : index
    %get3A_33 = vector.load %arg7[%get3A_31, %get3A_32] : memref<64x1xf32, #tpu.memory_space<vmem>>, vector<64x1xf32>
    %dot_general3A_34 = arith.constant dense<0.000000e+00> : vector<1000x1xf32>
    %dot_general3A_35 = tpu.matmul %tanh3A_30, %get3A_33, %dot_general3A_34 {dimension_numbers = #tpu.dot_dimension_numbers<[1], [0], [0], [1], [0, 0, 1, 1], [], []>, transpose_lhs_hint = false} : vector<1000x64xf32>, vector<64x1xf32>, vector<1000x1xf32> -> vector<1000x1xf32>
    %get3A_36 = arith.constant 0 : index
    %get3A_37 = vector.load %arg8[%get3A_36] : memref<1xf32, #tpu.memory_space<vmem>>, vector<1xf32>
    %broadcast_in_dim3A_38 = vector.shape_cast %get3A_37 : vector<1xf32> to vector<1x1xf32>
    %add3A_39 = vector.broadcast %broadcast_in_dim3A_38 : vector<1x1xf32> to vector<1000x1xf32>
    %add3A_40 = arith.addf %dot_general3A_35, %add3A_39 : vector<1000x1xf32>
    %swap3A = arith.constant 0 : index
    %swap3A_41 = arith.constant 0 : index
    %swap3A_42 = vector.load %arg9[%swap3A, %swap3A_41] : memref<1000x1xf32, #tpu.memory_space<vmem>>, vector<1000x1xf32>
    tpu.vector_store %arg9[%swap3A, %swap3A_41], %add3A_40 {strides = array<i32>} : memref<1000x1xf32, #tpu.memory_space<vmem>>, vector<1000x1xf32>,
    return
  }
  func.func @transform_0(%arg0: i32) -> (i32, i32, i32) {
    %c0_i32 = arith.constant 0 : i32
    %c0_i32_0 = arith.constant 0 : i32
    %c0_i32_1 = arith.constant 0 : i32
    return %c0_i32, %arg0, %c0_i32_0 : i32, i32, i32
  }
  func.func @transform_1(%arg0: i32) -> (i32, i32) {
    %c0_i32 = arith.constant 0 : i32
    %c0_i32_0 = arith.constant 0 : i32
    return %arg0, %c0_i32 : i32, i32
  }
  func.func @transform_2(%arg0: i32) -> (i32, i32) {
    %c0_i32 = arith.constant 0 : i32
    %c0_i32_0 = arith.constant 0 : i32
    return %arg0, %c0_i32 : i32, i32
  }
  func.func @transform_3(%arg0: i32) -> i32 {
    %c0_i32 = arith.constant 0 : i32
    %c0_i32_0 = arith.constant 0 : i32
    return %c0_i32 : i32
  }
  func.func @transform_4(%arg0: i32) -> (i32, i32) {
    %c0_i32 = arith.constant 0 : i32
    %c0_i32_0 = arith.constant 0 : i32
    %c0_i32_1 = arith.constant 0 : i32
    return %c0_i32, %c0_i32_0 : i32, i32
  }
  func.func @transform_5(%arg0: i32) -> i32 {
    %c0_i32 = arith.constant 0 : i32
    %c0_i32_0 = arith.constant 0 : i32
    return %c0_i32 : i32
  }
  func.func @transform_6(%arg0: i32) -> (i32, i32) {
    %c0_i32 = arith.constant 0 : i32
    %c0_i32_0 = arith.constant 0 : i32
    %c0_i32_1 = arith.constant 0 : i32
    return %c0_i32, %c0_i32_0 : i32, i32
  }
  func.func @transform_7(%arg0: i32) -> i32 {
    %c0_i32 = arith.constant 0 : i32
    %c0_i32_0 = arith.constant 0 : i32
    return %c0_i32 : i32
  }
  func.func @transform_8(%arg0: i32) -> (i32, i32) {
    %c0_i32 = arith.constant 0 : i32
    %c0_i32_0 = arith.constant 0 : i32
    return %arg0, %c0_i32 : i32, i32
  }
}

</mosaic_0001>

<sc_bundles>
// kernel: kernel.11.cloned.1.call-start
scs
__scs_entry_jumppad:
0x0: {  	(pc) =	sbr.rel $0x88, $3  }
0x1: {  	(tag) =	ssettag $0x0;
	lr =	simm.s32 $0x1  }
0x2: {  	[smem:$0x3F97] =	sst lr;
	_ =	strace $0xD0000000  }
0x3: {  	_ = 	snop  }
0x4: {  	_ = 	snop  }
0x5: {  	_ = 	snop  }
0x6: {  	_ = 	snop  }
0x7: {  	_ = 	snop  }
__scs_overlays_trampoline_lowered:
0x8: {  	[smem:$0x3FA6] =	sst s0  }
0x9: {  	[smem:$0x3FA7] =	sst s1  }
0xa: {  	[smem:$0x3FA8] =	sst s2  }
0xb: {  	[smem:$0x3FA9] =	sst s3  }
0xc: {  	[smem:$0x3FAA] =	sst s4  }
0xd: {  	[smem:$0x3FAB] =	sst s5  }
0xe: {  	[smem:$0x3FAC] =	sst s6  }
0xf: {  	[smem:$0x3FAD] =	sst s7  }
0x10: {  	[smem:$0x3FAE] =	sst s8  }
0x11: {  	[smem:$0x3FAF] =	sst s9;
	s0 =	simm.s32 @!p0 $0x0  }
0x12: {  	s1 =	sld [smem:$0x3F95];
	s0 =	simm.s32 @p0 $0x1  }
0x13: {  	[smem:$0x3FB0] =	sst s0;
	s0 =	simm.s32 @!p1 $0x0  }
0x14: {  	s2 =	sld [smem:$0x3F94];
	s0 =	simm.s32 @p1 $0x1  }
0x15: {  	[smem:$0x3FB1] =	sst s0;
	s0 =	simm.s32 @!p2 $0x0  }
0x16: {  	s3 =	sld [smem:$0x3FDB];
	s0 =	simm.s32 @p2 $0x1  }
0x17: {  	s4 =	simm.s32 $0x1BF5;
	[smem:$0x3FB3] =	sst s0  }
0x18: {  	s0 =	sld [smem:$0x3F96];
	_ =	swait.ge [sflag:s4], $0x0  }
0x19: {  	s7 =	sld [smem:$0x3F97]  }
0x1a: {  	s8 =	sadd.s32 $0xFFFFE003, lr  }
0x1b: {  	s9 =	sadd.s32 $0xFFFFFEF7, lr;
	s5 =	simm.s32 $0xFFFFFFFF;
	p2 =	slt.u32 s8, $0xFFFFF086  }
0x1c: {  	p1 =	slt.u32 s9, $0xF7A;
	s5 =	simm.s32 @!p2 $0x0  }
0x1d: {  	s5 =	simm.s32 @p1 $0x1;
	p0 =	seq.s32 s7, s2  }
0x1e: {  	s7 =	smul.u32 @!p0 $0xF7A, s2;
	p2 =	seq.s32 @!p0 s5, $0x0  }
0x1f: {  	s9 =	smul.u32 $0xF7A, s1;
	s8 =	simm.s32 @!p0 $0x1BF5;
	p2 =	por !p2, p0  }
0x20: {  	[sflag:s8] =	ssyncset.s32 @!p0 $0xFFFFF086;
	s6 =	sadd.s32 @!p0 s3, s7;
	s7 =	simm.s32 @!p0 $0x108  }
0x21: {  	s3 =	sadd.s32 s3, s9;
	s6 =	sadd.s32 @!p0 $0x88, s6;
	s7 =	simm.s32 @p2 $0x1082  }
0x22: {  	[simem:s7], [sflag:s8] =	dma.local @!p0 [hbm:s6], $0xF7A  }
0x23: {  	s9 =	sor.u32 $0xD0000000, s2;
	s6 =	simm.s32 $0x108;
	_ =	swait.ge @!p0 [sflag:s8], $0x0  }
0x24: {  	s3 =	sadd.s32 $0x88, s3;
	s6 =	simm.s32 @!p1 $0x1082;
	[sflag:s4] =	ssyncset.s32 $0xFFFFF086  }
0x25: {  	[simem:s6], [sflag:s4] =	dma.local [hbm:s3], $0xF7A  }
0x26: {  	[smem:$0x3F97] =	sst s1;
	(tag) =	ssettag s2;
	_ =	strace s9  }
0x27: {  	s1 =	sld [smem:$0x3FA7]  }
0x28: {  	s2 =	sld [smem:$0x3FA8]  }
0x29: {  	s4 =	sld [smem:$0x3FAA]  }
0x2a: {  	p0 =	seq.s32 s5, $0x0;
	s5 =	sld [smem:$0x3FAB]  }
0x2b: {  	s6 =	sld [smem:$0x3FAC]  }
0x2c: {  	s7 =	sld [smem:$0x3FAD]  }
0x2d: {  	s3 =	simm.s32 $0x108;
	s8 =	sld [smem:$0x3FAE]  }
0x2e: {  	s3 =	simm.s32 @!p0 $0x1082;
	s9 =	sld [smem:$0x3FAF]  }
0x2f: {  	lr =	sadd.s32 s0, s3;
	s0 =	sld [smem:$0x3FA6]  }
0x30: {  	s3 =	sld [smem:$0x3FA9]  }
0x31: {  	[smem:$0x3FB2] =	sst s10  }
0x32: {  	s10 =	sld [smem:$0x3FB0];
	_ =	sdelay $0x3  }
0x33: {  	p0 =	seq.s32 s10, $0x1;
	s10 =	sld [smem:$0x3FB2];
	_ =	sdelay $0x3  }
0x34: {  	[smem:$0x3FB2] =	sst s10  }
0x35: {  	s10 =	sld [smem:$0x3FB1];
	_ =	sdelay $0x3  }
0x36: {  	p1 =	seq.s32 s10, $0x1;
	s10 =	sld [smem:$0x3FB2];
	_ =	sdelay $0x3  }
0x37: {  	[smem:$0x3FB2] =	sst s10  }
0x38: {  	s10 =	sld [smem:$0x3FB3]  }
0x39: {  	_ = 	snop;
	(pc) =	sbr.ind lr, $3  }
0x3a: {  	_ = 	snop  }
0x3b: {  	_ = 	snop  }
0x3c: {  	p2 =	seq.s32 s10, $0x1;
	s10 =	sld [smem:$0x3FB2]  }
0x3d: {  	_ =	shalt  }
0x3e: {  	_ =	shalt  }
0x3f: {  	_ =	shalt  }
0x40: {  	_ =	shalt  }
0x41: {  	_ =	shalt  }
0x42: {  	_ =	shalt  }
0x43: {  	_ =	shalt  }
0x44: {  	_ =	shalt  }
0x45: {  	_ =	shalt  }
0x46: {  	_ =	shalt  }
0x47: {  	_ =	shalt  }
0x48: {  	_ =	shalt  }
0x49: {  	_ =	shalt  }
0x4a: {  	_ =	shalt  }
0x4b: {  	_ =	shalt  }
0x4c: {  	_ =	shalt  }
0x4d: {  	_ =	shalt  }
0x4e: {  	_ =	shalt  }
0x4f: {  	_ =	shalt  }
0x50: {  	_ =	shalt  }
0x51: {  	_ =	shalt  }
0x52: {  	_ =	shalt  }
0x53: {  	_ =	shalt  }
0x54: {  	_ =	shalt  }
0x55: {  	_ =	shalt  }
0x56: {  	_ =	shalt  }
0x57: {  	_ =	shalt  }
0x58: {  	_ =	shalt  }
0x59: {  	_ =	shalt  }
0x5a: {  	_ =	shalt  }
0x5b: {  	_ =	shalt  }
0x5c: {  	_ =	shalt  }
0x5d: {  	_ =	shalt  }
0x5e: {  	_ =	shalt  }
0x5f: {  	_ =	shalt  }
0x60: {  	_ =	shalt  }
0x61: {  	_ =	shalt  }
0x62: {  	_ =	shalt  }
0x63: {  	_ =	shalt  }
0x64: {  	_ =	shalt  }
0x65: {  	_ =	shalt  }
0x66: {  	_ =	shalt  }
0x67: {  	_ =	shalt  }
0x68: {  	_ =	shalt  }
0x69: {  	_ =	shalt  }
0x6a: {  	_ =	shalt  }
0x6b: {  	_ =	shalt  }
0x6c: {  	_ =	shalt  }
0x6d: {  	_ =	shalt  }
0x6e: {  	_ =	shalt  }
0x6f: {  	_ =	shalt  }
0x70: {  	_ =	shalt  }
0x71: {  	_ =	shalt  }
0x72: {  	_ =	shalt  }
0x73: {  	_ =	shalt  }
0x74: {  	_ =	shalt  }
0x75: {  	_ =	shalt  }
0x76: {  	_ =	shalt  }
0x77: {  	_ =	shalt  }
0x78: {  	_ =	shalt  }
0x79: {  	_ =	shalt  }
0x7a: {  	_ =	shalt  }
0x7b: {  	_ =	shalt  }
0x7c: {  	_ =	shalt  }
0x7d: {  	_ =	shalt  }
0x7e: {  	_ =	shalt  }
0x7f: {  	_ =	shalt  }
0x80: {  	_ =	shalt  }
0x81: {  	_ =	shalt  }
0x82: {  	_ =	shalt  }
0x83: {  	_ =	shalt  }
0x84: {  	_ =	shalt  }
0x85: {  	_ =	shalt  }
0x86: {  	_ =	shalt  }
0x87: {  	_ =	shalt  }
.Lfunc_end0:
.L_simem_size_0:
called_computation.1_lowered:
.L_overlay_start_0:
0x88: {  	s2 =	sld [smem:$0x3FD9]  }
0x89: {  	s3 =	sld [smem:$0x3FFE];
	_ =	sdelay $0x1  }
0x8a: {  	s1 =	srdreg.scid  }
0x8b: {  	s0 =	sand.u32 $0x1, s1  }
0x8c: {  	s16 =	sshll.u32 s0, $0xA;
	s2 =	sadd.s32 s3, s2  }
0x8d: {  	s2 =	sadd.s32 s2, s16  }
0x8e: {  	[smem:$0x3FBE] =	sst s2  }
0x8f: {  	_ = 	snop  }
0x90: {  	(tm) =	ssettm $0x1  }
0x91: {  	s17 =	sld [smem:$0x3FFB];
	_ =	sdelay $0x3  }
0x92: {  	_ =	strace s17  }
0x93: {  	s2 =	sld [smem:$0x3FFC];
	_ =	sdelay $0x3  }
0x94: {  	_ =	strace s2  }
0x95: {  	s2 =	sld [smem:$0x3FFD];
	_ =	sdelay $0x3  }
0x96: {  	_ =	strace s2  }
0x97: {  	_ =	strace $0x8FFFFFFF  }
0x98: {  	s18 =	sld [smem:$0x3FDB];
	_ =	sdelay $0x1  }
0x99: {  	s19 =	simm.s32 $_scs_section_size  }
0x9a: {  	s4 =	simm.s32 $_size__tile_overlayer_lowered;
	s5 =	simm.s32 $_tile_overlayer_lowered  }
0x9b: {  	s22 =	simm.s32 $0x1BFF;
	s21 =	sshll.u32 s5, $0x1;
	s2 =	sadd.s32 s19, s18  }
0x9c: {  	s6 =	simm.s32 $0x0;
	s20 =	sshll.u32 s4, $0x1;
	s4 =	sadd.s32 s21, s2  }
0x9d: {  	[timem:s6], [sflag:s22] =	dma.local [hbm:s4], s20  }
0x9e: {  	_ =	swait.ge [sflag:s22], s20  }
0x9f: {  	s3 =	ssub.s32 $0x0, s20;
	[sflag:s22] =	ssyncset.done $0x0  }
0xa0: {  	[sflag:s22] =	ssyncadd.s32 s3;
	_ =	sdelay $0x1  }
0xa1: {  	s23 =	simm.s32 $0x1B8B  }
0xa2: {  	_ =	swait.ge [sflag:s23], $0x1  }
0xa3: {  	[sflag:s23] =	ssyncset.done $0x0  }
0xa4: {  	s25 =	simm.s32 $0x1B8E;
	s24 =	sld [smem:$0x3FFE];
	[sflag:s23] =	ssyncadd.s32 $0xFFFFFFFF  }
0xa5: {  	s26 =	simm.s32 $execute0_lowered;
	[smem:$0x3FD2] =	sst s25  }
0xa6: {  	s4 =	sshll.u32 s26, $0x1;
	_ =	strace $0x80000049;
	[dreg:$0x1] =	wrdreg $0xFFFFFFFF  }
0xa7: {  	s28 =	simm.s32 $_size_execute0_lowered;
	s2 =	sadd.s32 s2, s4;
	[dreg:$0x0] =	wrdreg $0x0  }
0xa8: {  	s4 =	sshll.u32 s28, $0x1;
	[dreg:$0x2] =	wrdreg s2  }
0xa9: {  	[dreg:$0x3] =	wrdreg s4  }
0xaa: {  	[dreg:$0x4] =	wrdreg $0xC0  }
0xab: {  	_ =	task [dreg:s6], $0x5FFFF  }
0xac: {  	[dreg:$0x1] =	wrdreg $0xFFFFFFFF  }
0xad: {  	[dreg:$0x0] =	wrdreg $0x60  }
0xae: {  	[dreg:$0x2] =	wrdreg s24  }
0xaf: {  	[dreg:$0x3] =	wrdreg $0xC3000  }
0xb0: {  	[dreg:$0x4] =	wrdreg $0x9  }
0xb1: {  	_ =	task.clear_ibuf [dreg:s6], $0x5FFFF;
	_ =	strace $0x90000049  }
0xb2: {  	s29 =	simm.s32 $0x9;
	_ =	strace $0x8000004B  }
0xb3: {  	_ =	swait.ge [sflag:s29], $0x1  }
0xb4: {  	[sflag:s29] =	ssyncadd.s32 $0xFFFFFFFF  }
0xb5: {  	_ =	strace $0x9000004B  }
0xb6: {  	_ =	sfence  }
0xb7: {  	s30 =	sld [smem:$0x0];
	_ =	sdelay $0x2  }
0xb8: {  	s31 =	sshll.u32 s1, $0xD;
	s1 =	sshrl.u32 s1, $0x2  }
0xb9: {  	s3 =	sand.u32 $0x4000, s31;
	s1 =	sadd.s32 s1, s30  }
0xba: {  	s0 =	sor.u32 s3, s0;
	s1 =	sshll.u32 s1, $0x11  }
0xbb: {  	s0 =	sor.u32 s1, s0  }
0xbc: {  	s0 =	sadd.s32 $0x8F2B, s0  }
0xbd: {  	[sflag:s0] =	ssyncadd.remote.s32 $0x1  }
0xbe: {  	_ =	sfence.sel $0xFFFF  }
0xbf: {  	[dreg:$0x0] =	wrdreg $0xFFFFFFFF;
	(pc) =	sbr.abs _section_cstart, $3  }
0xc0: {  	[dreg:$0x1] =	wrdreg $0xFFFFFFFF  }
0xc1: {  	_ =	task.clear_ibuf [dreg:s6], $0x2FFFF;
	_ =	strace $0x9FFFFFFF  }
0xc2: {  	(tm) =	ssettm $0x7FFFFFFF  }
0xc3: {  	_ =	shalt  }
tec
execute0_lowered:
.L_overlay_start_1:
0x0: {  	(tag) =	ssettag $0x1  }
0x1: {  	s0 =	rddreg [dreg:$0x0]  }
0x2: {  	s1 =	rddreg [dreg:$0x1];
	s3 =	simm.s32 $0x0;
	s2 =	srdreg.scid  }
0x3: {  	s11 =	stileid.u32;
	s28 =	simm.s32 $0x7;
	s29 =	simm.s32 $0x4  }
0x4: {  	s30 =	simm.s32 $0x8;
	s31 =	simm.s32 $0x5;
	[smem:$0x7FF] =	sst s3  }
0x5: {  	s2 =	sand.u32 $0x1, s2;
	s6 =	smul.u32 $0x13C00, s11;
	s4 =	sadd.s32 $0x16000, s0  }
0x6: {  	s7 =	sadd.s32 $0x2400, s0;
	s8 =	smul.u32 $0x4F000, s11;
	s9 =	sadd.s32 $0xC200, s0  }
0x7: {  	s16 =	sshll.u32 s11, $0x5;
	s19 =	smul.u32 $0x9C0, s11;
	p0 =	sgt.u32 s11, $0x1  }
0x8: {  	s5 =	smul.u32 $0x13C000, s2;
	_ =	strace $0x8000004A;
	s14 =	ssub.s32 $0x2, s2  }
0x9: {  	s17 =	sshll.u32 s2, $0x4;
	s2 =	smul.u32 $0x4E0, s2;
	s10 =	sshrl.u32 s14, $0x1  }
0xa: {  	s8 =	sshrl.u32 s8, $0x2;
	s26 =	sadd.s32 s19, s9;
	s5 =	sadd.s32 s6, s5  }
0xb: {  	s6 =	ssub.s32 s14, s10;
	s12 =	sadd.s32 s8, s1;
	s8 =	sor.u32 s17, s16  }
0xc: {  	s14 =	sadd.s32 s2, s26;
	s16 =	simm.s32 $0xD;
	s17 =	simm.s32 $0x80  }
0xd: {  	s26 =	simm.s32 $0x8300;
	s15 =	sadd.s32 $0x4000, s12;
	[dreg:$0x4] =	wrdreg s12  }
0xe: {  	s5 =	sshrl.u32 s5, $0x3;
	s18 =	sadd.s32 $0x8000, s12;
	[dreg:$0x5] =	wrdreg s15  }
0xf: {  	s20 =	sadd.s32 $0xC000, s12;
	s8 =	sor.u32 $0x9C00, s8;
	[dreg:$0x6] =	wrdreg s18  }
0x10: {  	s21 =	sadd.s32 $0x10000, s12;
	s25 =	smax.u32 s6, $0x1;
	[dreg:$0x7] =	wrdreg s20  }
0x11: {  	s6 =	simm.s32 $0xA;
	s0 =	sadd.s32 s5, s0;
	[dreg:$0x8] =	wrdreg s21  }
0x12: {  	s22 =	sadd.s32 s7, s8;
	s7 =	sadd.s32 s19, s7;
	s23 =	sadd.s32 s9, s8  }
0x13: {  	[dreg:$0xc] =	wrdreg s25;
	s15 =	simm.s32 $0x300;
	s18 =	simm.s32 $0x100  }
0x14: {  	s19 =	simm.s32 $0x180;
	s20 =	simm.s32 $0x200;
	s21 =	simm.s32 $0x280  }
0x15: {  	s25 =	simm.s32 $0x3;
	s8 =	simm.s32 $0xC;
	[dreg:$0x9] =	wrdreg s22  }
0x16: {  	s9 =	simm.s32 $0x0;
	[dreg:$0xa] =	wrdreg s23;
	s0 =	sadd.s32 $0x3D200, s0  }
0x17: {  	s24 =	sadd.s32 s2, s7;
	s22 =	simm.s32 $0x1;
	s23 =	simm.s32 $0x2  }
0x18: {  	s2 =	simm.s32 $0x6;
	s7 =	simm.s32 $0xB;
	[dreg:$0xb] =	wrdreg s0  }
0x19: {  	v0 =	vimm.f32 $0.0e+00;
	[dreg:$0x3] =	wrdreg s24;
	s24 =	simm.s32 $0x4300;
	s0 =	simm.s32 $0x9  }
.LBB2_1:
0x1a: {  	s10 =	simm.s32 $0x0;
	s11 =	simm.s32 $0x200  }
.LBB2_2:
0x1b: {  	p1 =	sne.s32 s11, $0xFE00;
	[tilespmem:s10+$0x370] =	vst v0  }
0x1c: {  	[tilespmem:s10+$0x300] =	vst v0  }
0x1d: {  	[tilespmem:s10+$0x310] =	vst v0  }
.Ltmp0:
0x1e: {  	[tilespmem:s10+$0x320] =	vst v0;
	(pc) =	sbr.rel @p1 .LBB2_2-.Ltmp0, $4  }
0x1f: {  	[tilespmem:s10+$0x330] =	vst v0  }
0x20: {  	[tilespmem:s10+$0x340] =	vst v0  }
0x21: {  	[tilespmem:s10+$0x350] =	vst v0  }
0x22: {  	[tilespmem:s10+$0x360] =	vst v0;
	s10 =	sshra.s32 s11, $0x2;
	s11 =	sadd.s32 $0x200, s11  }
0x23: {  	[tilespmem:s10+$0x370] =	vst v0  }
0x24: {  	[tilespmem:s10+$0x300] =	vst v0  }
0x25: {  	[tilespmem:s10+$0x310] =	vst v0  }
0x26: {  	[tilespmem:s10+$0x320] =	vst v0  }
0x27: {  	[tilespmem:s10+$0x330] =	vst v0  }
0x28: {  	[tilespmem:s10+$0x340] =	vst v0  }
0x29: {  	[tilespmem:s10+$0x350] =	vst v0  }
0x2a: {  	[tilespmem:s10+$0x360] =	vst v0  }
0x2b: {  	[spmem:s12] =	stream.linear.scatter [tilespmem:s15], [sflag:$0xD], $0x4000, $0x38;
	[tilespmem:$0x1FF00] =	vst v63  }
0x2c: {  	_ =	swait.ge [sflag:s16], $0x4000  }
0x2d: {  	[sflag:s16] =	ssyncset.done $0x0  }
0x2e: {  	s5 =	rddreg [dreg:$0x5];
	[sflag:s16] =	ssyncadd.s32 $0xFFFFC000  }
0x2f: {  	[spmem:s5] =	stream.linear.scatter [tilespmem:s15], [sflag:$0xD], $0x4000, $0x38;
	[tilespmem:$0x1FF00] =	vst v63  }
0x30: {  	_ =	swait.ge [sflag:s16], $0x4000  }
0x31: {  	[sflag:s16] =	ssyncset.done $0x0  }
0x32: {  	s12 =	rddreg [dreg:$0x6];
	[sflag:s16] =	ssyncadd.s32 $0xFFFFC000  }
0x33: {  	[spmem:s12] =	stream.linear.scatter [tilespmem:s15], [sflag:$0xD], $0x4000, $0x38;
	[tilespmem:$0x1FF00] =	vst v63  }
0x34: {  	_ =	swait.ge [sflag:s16], $0x4000  }
0x35: {  	[sflag:s16] =	ssyncset.done $0x0  }
0x36: {  	s13 =	rddreg [dreg:$0x7];
	[sflag:s16] =	ssyncadd.s32 $0xFFFFC000  }
0x37: {  	[spmem:s13] =	stream.linear.scatter [tilespmem:s15], [sflag:$0xD], $0x4000, $0x38;
	[tilespmem:$0x1FF00] =	vst v63  }
0x38: {  	_ =	swait.ge [sflag:s16], $0x4000  }
0x39: {  	[sflag:s16] =	ssyncset.done $0x0  }
0x3a: {  	s10 =	rddreg [dreg:$0x8];
	[sflag:s16] =	ssyncadd.s32 $0xFFFFC000  }
0x3b: {  	[spmem:s10] =	stream.linear.scatter [tilespmem:s15], [sflag:$0xD], $0x3C00, $0x38;
	[tilespmem:$0x1FF00] =	vst v63  }
0x3c: {  	_ =	swait.ge [sflag:s16], $0x3C00  }
0x3d: {  	[sflag:s16] =	ssyncset.done $0x0  }
0x3e: {  	[sflag:s16] =	ssyncadd.s32 $0xFFFFC400  }
0x3f: {  	[bflag:$0x0] =	sbarrier.arrive $0xFFFF  }
0x40: {  	s11 =	rddreg [dreg:$0x3]  }
0x41: {  	s10 =	sadd.s32 $0x0, s11  }
0x42: {  	[tilespmem:s3], [sflag:$0x1] =	stream.linear.gather [hbm4b:s10+s3], $0x80, $0x38;
	[tilespmem:$0x1FF00] =	vst v63  }
0x43: {  	s11 =	sadd.s32 $0x10, s10  }
0x44: {  	[tilespmem:s17], [sflag:$0x2] =	stream.linear.gather [hbm4b:s11+s3], $0x80, $0x38;
	[tilespmem:$0x1FF00] =	vst v63  }
0x45: {  	s10 =	sadd.s32 $0x20, s10  }
0x46: {  	[tilespmem:s18], [sflag:$0x3] =	stream.linear.gather [hbm4b:s10+s3], $0x80, $0x38;
	[tilespmem:$0x1FF00] =	vst v63  }
0x47: {  	s12 =	sadd.s32 $0x0, s14  }
0x48: {  	[tilespmem:s19], [sflag:$0x4] =	stream.linear.gather [hbm4b:s12+s3], $0x80, $0x38;
	[tilespmem:$0x1FF00] =	vst v63  }
0x49: {  	s13 =	sadd.s32 $0x10, s12  }
0x4a: {  	[tilespmem:s20], [sflag:$0x5] =	stream.linear.gather [hbm4b:s13+s3], $0x80, $0x38;
	[tilespmem:$0x1FF00] =	vst v63  }
0x4b: {  	s10 =	sadd.s32 $0x20, s12  }
0x4c: {  	[tilespmem:s21], [sflag:$0x6] =	stream.linear.gather [hbm4b:s10+s3], $0x80, $0x38;
	[tilespmem:$0x1FF00] =	vst v63  }
0x4d: {  	_ =	swait.ge [sflag:s22], $0x80  }
0x4e: {  	[sflag:s22] =	ssyncset.done $0x0  }
0x4f: {  	[sflag:s22] =	ssyncadd.s32 $0xFFFFFF80  }
0x50: {  	[tilespmem:s15], [sflag:$0x7] =	stream.indirect.gather [hbm4b:s4+s17], $0x80, s3, s17, $0xb8;
	[tilespmem:$0x1FF00] =	vst v63  }
0x51: {  	_ =	swait.ge [sflag:s23], $0x80  }
0x52: {  	[sflag:s23] =	ssyncset.done $0x0  }
0x53: {  	[sflag:s23] =	ssyncadd.s32 $0xFFFFFF80  }
0x54: {  	[tilespmem:s24], [sflag:$0x8] =	stream.indirect.gather [hbm4b:s4+s17], $0x80, s17, s17, $0xb8;
	[tilespmem:$0x1FF00] =	vst v63  }
0x55: {  	_ =	swait.ge [sflag:s25], $0x80  }
0x56: {  	[sflag:s25] =	ssyncset.done $0x0  }
0x57: {  	[sflag:s25] =	ssyncadd.s32 $0xFFFFFF80  }
0x58: {  	[tilespmem:s26], [sflag:$0x9] =	stream.indirect.gather [hbm4b:s4+s17], $0x80, s18, s17, $0xb8;
	[tilespmem:$0x1FF00] =	vst v63  }
0x59: {  	_ =	swait.ge [sflag:s28], $0x4000  }
0x5a: {  	[sflag:s28] =	ssyncset.done $0x0  }
0x5b: {  	[sflag:s28] =	ssyncadd.s32 $0xFFFFC000  }
0x5c: {  	_ =	swait.ge [sflag:s29], $0x80  }
0x5d: {  	[sflag:s29] =	ssyncset.done $0x0  }
0x5e: {  	[sflag:s29] =	ssyncadd.s32 $0xFFFFFF80  }
0x5f: {  	[spmem:s1] =	stream.indirect.scatter.add.f32 [tilespmem:s15], [sflag:$0xA], $0x80, s19, s17, $0xb8;
	[tilespmem:$0x1FF00] =	vst v63  }
0x60: {  	_ =	swait.ge [sflag:s30], $0x4000  }
0x61: {  	[sflag:s30] =	ssyncset.done $0x0  }
0x62: {  	[sflag:s30] =	ssyncadd.s32 $0xFFFFC000  }
0x63: {  	_ =	swait.ge [sflag:s31], $0x80  }
0x64: {  	[sflag:s31] =	ssyncset.done $0x0  }
0x65: {  	[sflag:s31] =	ssyncadd.s32 $0xFFFFFF80  }
0x66: {  	[spmem:s1] =	stream.indirect.scatter.add.f32 [tilespmem:s24], [sflag:$0xB], $0x80, s20, s17, $0xb8;
	[tilespmem:$0x1FF00] =	vst v63  }
0x67: {  	_ =	swait.ge [sflag:s0], $0x4000  }
0x68: {  	[sflag:s0] =	ssyncset.done $0x0  }
0x69: {  	[sflag:s0] =	ssyncadd.s32 $0xFFFFC000  }
0x6a: {  	_ =	swait.ge [sflag:s2], $0x80  }
0x6b: {  	[sflag:s2] =	ssyncset.done $0x0  }
0x6c: {  	[sflag:s2] =	ssyncadd.s32 $0xFFFFFF80  }
0x6d: {  	[spmem:s1] =	stream.indirect.scatter.add.f32 [tilespmem:s26], [sflag:$0xC], $0x80, s21, s17, $0xb8;
	[tilespmem:$0x1FF00] =	vst v63  }
0x6e: {  	_ =	swait.ge [sflag:s6], $0x4000  }
0x6f: {  	[sflag:s6] =	ssyncset.done $0x0  }
0x70: {  	[sflag:s6] =	ssyncadd.s32 $0xFFFFC000  }
0x71: {  	_ =	swait.ge [sflag:s7], $0x4000  }
0x72: {  	[sflag:s7] =	ssyncset.done $0x0  }
0x73: {  	[sflag:s7] =	ssyncadd.s32 $0xFFFFC000  }
0x74: {  	s11 =	simm.s32 $0x60;
	_ =	swait.ge [sflag:s8], $0x4000  }
0x75: {  	s10 =	simm.s32 $0x30;
	s12 =	rddreg [dreg:$0x3];
	[sflag:s8] =	ssyncset.done $0x0  }
.LBB2_4:
0x76: {  	[sflag:s8] =	ssyncadd.s32 $0xFFFFC000;
	s12 =	sadd.s32 s10, s12  }
0x77: {  	[tilespmem:s3], [sflag:$0x1] =	stream.linear.gather [hbm4b:s12+s3], $0x80, $0x38;
	[tilespmem:$0x1FF00] =	vst v63  }
0x78: {  	s5 =	sadd.s32 $0x10, s12  }
0x79: {  	[tilespmem:s17], [sflag:$0x2] =	stream.linear.gather [hbm4b:s5+s3], $0x80, $0x38;
	[tilespmem:$0x1FF00] =	vst v63  }
0x7a: {  	s12 =	sadd.s32 $0x20, s12  }
0x7b: {  	[tilespmem:s18], [sflag:$0x3] =	stream.linear.gather [hbm4b:s12+s3], $0x80, $0x38;
	[tilespmem:$0x1FF00] =	vst v63  }
0x7c: {  	s13 =	smov.u32 s11;
	s5 =	sadd.s32 s10, s14  }
0x7d: {  	[tilespmem:s19], [sflag:$0x4] =	stream.linear.gather [hbm4b:s5+s3], $0x80, $0x38;
	[tilespmem:$0x1FF00] =	vst v63  }
0x7e: {  	s10 =	smov.u32 s13;
	s13 =	sadd.s32 $0x10, s5  }
0x7f: {  	[tilespmem:s20], [sflag:$0x5] =	stream.linear.gather [hbm4b:s13+s3], $0x80, $0x38;
	[tilespmem:$0x1FF00] =	vst v63  }
0x80: {  	s5 =	sadd.s32 $0x20, s5  }
0x81: {  	[tilespmem:s21], [sflag:$0x6] =	stream.linear.gather [hbm4b:s5+s3], $0x80, $0x38;
	[tilespmem:$0x1FF00] =	vst v63  }
0x82: {  	_ =	swait.ge [sflag:s22], $0x80  }
0x83: {  	[sflag:s22] =	ssyncset.done $0x0  }
0x84: {  	[sflag:s22] =	ssyncadd.s32 $0xFFFFFF80  }
0x85: {  	[tilespmem:s15], [sflag:$0x7] =	stream.indirect.gather [hbm4b:s4+s17], $0x80, s3, s17, $0xb8;
	[tilespmem:$0x1FF00] =	vst v63  }
0x86: {  	_ =	swait.ge [sflag:s23], $0x80  }
0x87: {  	[sflag:s23] =	ssyncset.done $0x0  }
0x88: {  	[sflag:s23] =	ssyncadd.s32 $0xFFFFFF80  }
0x89: {  	[tilespmem:s24], [sflag:$0x8] =	stream.indirect.gather [hbm4b:s4+s17], $0x80, s17, s17, $0xb8;
	[tilespmem:$0x1FF00] =	vst v63  }
0x8a: {  	_ =	swait.ge [sflag:s25], $0x80  }
0x8b: {  	[sflag:s25] =	ssyncset.done $0x0  }
0x8c: {  	[sflag:s25] =	ssyncadd.s32 $0xFFFFFF80  }
0x8d: {  	[tilespmem:s26], [sflag:$0x9] =	stream.indirect.gather [hbm4b:s4+s17], $0x80, s18, s17, $0xb8;
	[tilespmem:$0x1FF00] =	vst v63  }
0x8e: {  	_ =	swait.ge [sflag:s28], $0x4000  }
0x8f: {  	[sflag:s28] =	ssyncset.done $0x0  }
0x90: {  	[sflag:s28] =	ssyncadd.s32 $0xFFFFC000  }
0x91: {  	_ =	swait.ge [sflag:s29], $0x80  }
0x92: {  	[sflag:s29] =	ssyncset.done $0x0  }
0x93: {  	[sflag:s29] =	ssyncadd.s32 $0xFFFFFF80  }
0x94: {  	[spmem:s1] =	stream.indirect.scatter.add.f32 [tilespmem:s15], [sflag:$0xA], $0x80, s19, s17, $0xb8;
	[tilespmem:$0x1FF00] =	vst v63  }
0x95: {  	_ =	swait.ge [sflag:s30], $0x4000  }
0x96: {  	[sflag:s30] =	ssyncset.done $0x0  }
0x97: {  	[sflag:s30] =	ssyncadd.s32 $0xFFFFC000  }
0x98: {  	_ =	swait.ge [sflag:s31], $0x80  }
0x99: {  	[sflag:s31] =	ssyncset.done $0x0  }
0x9a: {  	[sflag:s31] =	ssyncadd.s32 $0xFFFFFF80  }
0x9b: {  	[spmem:s1] =	stream.indirect.scatter.add.f32 [tilespmem:s24], [sflag:$0xB], $0x80, s20, s17, $0xb8;
	[tilespmem:$0x1FF00] =	vst v63  }
0x9c: {  	_ =	swait.ge [sflag:s0], $0x4000  }
0x9d: {  	[sflag:s0] =	ssyncset.done $0x0  }
0x9e: {  	[sflag:s0] =	ssyncadd.s32 $0xFFFFC000  }
0x9f: {  	_ =	swait.ge [sflag:s2], $0x80  }
0xa0: {  	[sflag:s2] =	ssyncset.done $0x0  }
0xa1: {  	[sflag:s2] =	ssyncadd.s32 $0xFFFFFF80  }
0xa2: {  	[spmem:s1] =	stream.indirect.scatter.add.f32 [tilespmem:s26], [sflag:$0xC], $0x80, s21, s17, $0xb8;
	[tilespmem:$0x1FF00] =	vst v63  }
0xa3: {  	_ =	swait.ge [sflag:s6], $0x4000  }
0xa4: {  	[sflag:s6] =	ssyncset.done $0x0  }
0xa5: {  	p1 =	sne.s32 s11, $0x4B0;
	[sflag:s6] =	ssyncadd.s32 $0xFFFFC000  }
.Ltmp1:
0xa6: {  	_ =	swait.ge [sflag:s7], $0x4000;
	(pc) =	sbr.rel @p1 .LBB2_4-.Ltmp1, $4  }
0xa7: {  	[sflag:s7] =	ssyncset.done $0x0  }
0xa8: {  	[sflag:s7] =	ssyncadd.s32 $0xFFFFC000  }
0xa9: {  	_ =	swait.ge [sflag:s8], $0x4000  }
0xaa: {  	s11 =	sadd.s32 $0x30, s11;
	s12 =	rddreg [dreg:$0x3];
	[sflag:s8] =	ssyncset.done $0x0  }
0xab: {  	[sflag:s8] =	ssyncadd.s32 $0xFFFFC000;
	s5 =	sadd.s32 s10, s12  }
0xac: {  	[tilespmem:s3], [sflag:$0x1] =	stream.linear.gather [hbm4b:s5+s3], $0x80, $0x38;
	[tilespmem:$0x1FF00] =	vst v63  }
0xad: {  	s11 =	sadd.s32 $0x10, s5  }
0xae: {  	[tilespmem:s17], [sflag:$0x2] =	stream.linear.gather [hbm4b:s11+s3], $0x80, $0x38;
	[tilespmem:$0x1FF00] =	vst v63  }
0xaf: {  	s5 =	sadd.s32 $0x20, s5  }
0xb0: {  	[tilespmem:s18], [sflag:$0x3] =	stream.linear.gather [hbm4b:s5+s3], $0x80, $0x38;
	[tilespmem:$0x1FF00] =	vst v63  }
0xb1: {  	s13 =	sadd.s32 s10, s14  }
0xb2: {  	[tilespmem:s19], [sflag:$0x4] =	stream.linear.gather [hbm4b:s13+s3], $0x80, $0x38;
	[tilespmem:$0x1FF00] =	vst v63  }
0xb3: {  	s10 =	sadd.s32 $0x10, s13  }
0xb4: {  	[tilespmem:s20], [sflag:$0x5] =	stream.linear.gather [hbm4b:s10+s3], $0x80, $0x38;
	[tilespmem:$0x1FF00] =	vst v63  }
0xb5: {  	s5 =	sadd.s32 $0x20, s13  }
0xb6: {  	[tilespmem:s21], [sflag:$0x6] =	stream.linear.gather [hbm4b:s5+s3], $0x80, $0x38;
	[tilespmem:$0x1FF00] =	vst v63  }
0xb7: {  	_ =	swait.ge [sflag:s22], $0x80  }
0xb8: {  	[sflag:s22] =	ssyncset.done $0x0  }
0xb9: {  	[sflag:s22] =	ssyncadd.s32 $0xFFFFFF80  }
0xba: {  	[tilespmem:s15], [sflag:$0x7] =	stream.indirect.gather [hbm4b:s4+s17], $0x80, s3, s17, $0xb8;
	[tilespmem:$0x1FF00] =	vst v63  }
0xbb: {  	_ =	swait.ge [sflag:s23], $0x80  }
0xbc: {  	[sflag:s23] =	ssyncset.done $0x0  }
0xbd: {  	[sflag:s23] =	ssyncadd.s32 $0xFFFFFF80  }
0xbe: {  	[tilespmem:s24], [sflag:$0x8] =	stream.indirect.gather [hbm4b:s4+s17], $0x80, s17, s17, $0xb8;
	[tilespmem:$0x1FF00] =	vst v63  }
0xbf: {  	_ =	swait.ge [sflag:s25], $0x80  }
0xc0: {  	[sflag:s25] =	ssyncset.done $0x0  }
0xc1: {  	[sflag:s25] =	ssyncadd.s32 $0xFFFFFF80  }
0xc2: {  	[tilespmem:s26], [sflag:$0x9] =	stream.indirect.gather [hbm4b:s4+s17], $0x80, s18, s17, $0xb8;
	[tilespmem:$0x1FF00] =	vst v63  }
0xc3: {  	_ =	swait.ge [sflag:s28], $0x4000  }
0xc4: {  	[sflag:s28] =	ssyncset.done $0x0  }
0xc5: {  	[sflag:s28] =	ssyncadd.s32 $0xFFFFC000  }
0xc6: {  	_ =	swait.ge [sflag:s29], $0x80  }
0xc7: {  	[sflag:s29] =	ssyncset.done $0x0  }
0xc8: {  	[sflag:s29] =	ssyncadd.s32 $0xFFFFFF80  }
0xc9: {  	[spmem:s1] =	stream.indirect.scatter.add.f32 [tilespmem:s15], [sflag:$0xA], $0x80, s19, s17, $0xb8;
	[tilespmem:$0x1FF00] =	vst v63  }
0xca: {  	_ =	swait.ge [sflag:s30], $0x4000  }
0xcb: {  	[sflag:s30] =	ssyncset.done $0x0  }
0xcc: {  	[sflag:s30] =	ssyncadd.s32 $0xFFFFC000  }
0xcd: {  	_ =	swait.ge [sflag:s31], $0x80  }
0xce: {  	[sflag:s31] =	ssyncset.done $0x0  }
0xcf: {  	[sflag:s31] =	ssyncadd.s32 $0xFFFFFF80  }
0xd0: {  	[spmem:s1] =	stream.indirect.scatter.add.f32 [tilespmem:s24], [sflag:$0xB], $0x80, s20, s17, $0xb8;
	[tilespmem:$0x1FF00] =	vst v63  }
0xd1: {  	_ =	swait.ge [sflag:s0], $0x4000  }
0xd2: {  	[sflag:s0] =	ssyncset.done $0x0  }
0xd3: {  	[sflag:s0] =	ssyncadd.s32 $0xFFFFC000  }
0xd4: {  	_ =	swait.ge [sflag:s2], $0x80  }
0xd5: {  	[sflag:s2] =	ssyncset.done $0x0  }
0xd6: {  	[sflag:s2] =	ssyncadd.s32 $0xFFFFFF80  }
0xd7: {  	[spmem:s1] =	stream.indirect.scatter.add.f32 [tilespmem:s26], [sflag:$0xC], $0x80, s21, s17, $0xb8;
	[tilespmem:$0x1FF00] =	vst v63  }
0xd8: {  	_ =	swait.ge [sflag:s6], $0x4000  }
0xd9: {  	[sflag:s6] =	ssyncset.done $0x0  }
0xda: {  	[sflag:s6] =	ssyncadd.s32 $0xFFFFC000  }
0xdb: {  	_ =	swait.ge [sflag:s7], $0x4000  }
0xdc: {  	[sflag:s7] =	ssyncset.done $0x0  }
0xdd: {  	[sflag:s7] =	ssyncadd.s32 $0xFFFFC000  }
0xde: {  	_ =	swait.ge [sflag:s8], $0x4000  }
0xdf: {  	[sflag:s8] =	ssyncset.done $0x0  }
0xe0: {  	s5 =	simm.s32 @!p0 $0x0;
	s10 =	rddreg [dreg:$0x9];
	[sflag:s8] =	ssyncadd.s32 $0xFFFFC000  }
0xe1: {  	[tilespmem:s5], [sflag:$0xD] =	stream.linear.gather @!p0 [hbm4b:s10+s5], $0x80, $0x38;
	[tilespmem:$0x1FF00] =	vst v63  }
0xe2: {  	s10 =	simm.s32 @!p0 $0xD  }
0xe3: {  	_ =	swait.ge @!p0 [sflag:s10], $0x80  }
0xe4: {  	[sflag:s10] =	ssyncset.done @!p0 $0x0  }
0xe5: {  	s11 =	simm.s32 @!p0 $0x180;
	s12 =	rddreg [dreg:$0xa];
	[sflag:s10] =	ssyncadd.s32 @!p0 $0xFFFFFF80  }
0xe6: {  	[tilespmem:s11], [sflag:$0xD] =	stream.linear.gather @!p0 [hbm4b:s12+s5], $0x80, $0x38;
	[tilespmem:$0x1FF00] =	vst v63  }
0xe7: {  	_ =	swait.ge @!p0 [sflag:s10], $0x80  }
0xe8: {  	[sflag:s10] =	ssyncset.done @!p0 $0x0  }
0xe9: {  	s13 =	simm.s32 @!p0 $0x300;
	s12 =	simm.s32 @!p0 $0x80;
	[sflag:s10] =	ssyncadd.s32 @!p0 $0xFFFFFF80  }
0xea: {  	[tilespmem:s13], [sflag:$0x7] =	stream.indirect.gather @!p0 [hbm4b:s4+s12], $0x80, s5, s12, $0xb8;
	[tilespmem:$0x1FF00] =	vst v63  }
0xeb: {  	s5 =	simm.s32 @!p0 $0x7  }
0xec: {  	_ =	swait.ge @!p0 [sflag:s5], $0x4000  }
0xed: {  	[sflag:s5] =	ssyncset.done @!p0 $0x0  }
0xee: {  	[sflag:s5] =	ssyncadd.s32 @!p0 $0xFFFFC000  }
0xef: {  	[spmem:s1] =	stream.indirect.scatter.add.f32 @!p0 [tilespmem:s13], [sflag:$0xD], $0x80, s11, s12, $0xb8;
	[tilespmem:$0x1FF00] =	vst v63  }
0xf0: {  	_ =	swait.ge @!p0 [sflag:s10], $0x4000  }
0xf1: {  	[sflag:s10] =	ssyncset.done @!p0 $0x0  }
0xf2: {  	[sflag:s10] =	ssyncadd.s32 @!p0 $0xFFFFC000  }
0xf3: {  	s10 =	stileid.u32;
	[bflag:$0x0] =	sbarrier.arrive $0xFFFF  }
0xf4: {  	s5 =	sshll.u32 s10, $0x6;
	s12 =	rddreg [dreg:$0x4]  }
0xf5: {  	s5 =	sor.u32 $0x1C0D, s5;
	s13 =	rddreg [dreg:$0xb];
	s11 =	sshrl.u32 s12, $0x3  }
0xf6: {  	[hbm:s13], [sflag:s5] =	dma.local [spmem:s11], $0x2780  }
0xf7: {  	_ =	swait.ge [sflag:s16], $0x2780  }
0xf8: {  	s9 =	sadd.s32 $0x1, s9;
	s13 =	rddreg [dreg:$0xc]  }
0xf9: {  	p1 =	sne.s32 s9, s13  }
.Ltmp2:
0xfa: {  	_ = 	snop;
	(pc) =	sbr.rel @p1 .LBB2_1-.Ltmp2, $3  }
0xfb: {  	_ =	sdelay $0x1  }
0xfc: {  	[sflag:s16] =	ssyncset.done $0x0  }
0xfd: {  	[sflag:s16] =	ssyncadd.s32 $0xFFFFD880  }
0xfe: {  	_ =	sfence.sel $0x180000  }
0xff: {  	[bflag:$0x0] =	sbarrier.arrive $0xFFFF  }
0x100: {  	_ =	strace $0x9000004A  }
0x101: {  	s0 =	stileid.u32;
	[bflag:$0x2] =	sbarrier.arrive $0xFFFF  }
0x102: {  	p0 =	sne.s32 s0, $0x0;
	s0 =	rddreg [dreg:$0x2]  }
0x103: {  	s0 =	sadd.s32 @!p0 $0x100000, s0  }
0x104: {  	[sflag:s0] =	ssyncadd.tile.s32 @!p0 $0x1;
	_ =	shalt  }
.Lfunc_end2:
_tile_overlayer_lowered:
.L_overlay_start_2:
0x105: {  	(tag) =	ssettag $0x2  }
0x106: {  	s0 =	rddreg [dreg:$0x0];
	s2 =	stileid.u32  }
0x107: {  	s1 =	rddreg [dreg:$0x1];
	p0 =	sne.s32 s2, $0x0  }
0x108: {  	s3 =	rddreg [dreg:$0x2];
	[bflag:$0x3] =	sbarrier.arrive $0xFFFF;
	s2 =	simm.s32 @!p0 $0x1C0D  }
0x109: {  	[timem:s3], [sflag:s2] =	dma.local @!p0 [hbm:s0], s1  }
0x10a: {  	s0 =	simm.s32 @!p0 $0xD  }
0x10b: {  	_ =	swait.ge @!p0 [sflag:s0], s1  }
0x10c: {  	s1 =	ssub.s32 @!p0 $0x0, s1;
	[sflag:s0] =	ssyncset.done @!p0 $0x0  }
0x10d: {  	[sflag:s0] =	ssyncadd.s32 @!p0 s1  }
0x10e: {  	[bflag:$0x3] =	sbarrier.arrive $0xFFFF  }
0x10f: {  	_ =	shalt  }

// kernel: kernel.14.cloned.1.call-start
scs
__scs_entry_jumppad:
0x0: {  	(pc) =	sbr.rel $0x88, $3  }
0x1: {  	(tag) =	ssettag $0x0;
	lr =	simm.s32 $0x1  }
0x2: {  	[smem:$0x3F97] =	sst lr;
	_ =	strace $0xD0000000  }
0x3: {  	_ = 	snop  }
0x4: {  	_ = 	snop  }
0x5: {  	_ = 	snop  }
0x6: {  	_ = 	snop  }
0x7: {  	_ = 	snop  }
__scs_overlays_trampoline_lowered:
0x8: {  	[smem:$0x3FA6] =	sst s0  }
0x9: {  	[smem:$0x3FA7] =	sst s1  }
0xa: {  	[smem:$0x3FA8] =	sst s2  }
0xb: {  	[smem:$0x3FA9] =	sst s3  }
0xc: {  	[smem:$0x3FAA] =	sst s4  }
0xd: {  	[smem:$0x3FAB] =	sst s5  }
0xe: {  	[smem:$0x3FAC] =	sst s6  }
0xf: {  	[smem:$0x3FAD] =	sst s7  }
0x10: {  	[smem:$0x3FAE] =	sst s8  }
0x11: {  	[smem:$0x3FAF] =	sst s9;
	s0 =	simm.s32 @!p0 $0x0  }
0x12: {  	s1 =	sld [smem:$0x3F95];
	s0 =	simm.s32 @p0 $0x1  }
0x13: {  	[smem:$0x3FB0] =	sst s0;
	s0 =	simm.s32 @!p1 $0x0  }
0x14: {  	s2 =	sld [smem:$0x3F94];
	s0 =	simm.s32 @p1 $0x1  }
0x15: {  	[smem:$0x3FB1] =	sst s0;
	s0 =	simm.s32 @!p2 $0x0  }
0x16: {  	s3 =	sld [smem:$0x3FDB];
	s0 =	simm.s32 @p2 $0x1  }
0x17: {  	s4 =	simm.s32 $0x1BF5;
	[smem:$0x3FB3] =	sst s0  }
0x18: {  	s0 =	sld [smem:$0x3F96];
	_ =	swait.ge [sflag:s4], $0x0  }
0x19: {  	s7 =	sld [smem:$0x3F97]  }
0x1a: {  	s8 =	sadd.s32 $0xFFFFE003, lr  }
0x1b: {  	s9 =	sadd.s32 $0xFFFFFEF7, lr;
	s5 =	simm.s32 $0xFFFFFFFF;
	p2 =	slt.u32 s8, $0xFFFFF086  }
0x1c: {  	p1 =	slt.u32 s9, $0xF7A;
	s5 =	simm.s32 @!p2 $0x0  }
0x1d: {  	s5 =	simm.s32 @p1 $0x1;
	p0 =	seq.s32 s7, s2  }
0x1e: {  	s7 =	smul.u32 @!p0 $0xF7A, s2;
	p2 =	seq.s32 @!p0 s5, $0x0  }
0x1f: {  	s9 =	smul.u32 $0xF7A, s1;
	s8 =	simm.s32 @!p0 $0x1BF5;
	p2 =	por !p2, p0  }
0x20: {  	[sflag:s8] =	ssyncset.s32 @!p0 $0xFFFFF086;
	s6 =	sadd.s32 @!p0 s3, s7;
	s7 =	simm.s32 @!p0 $0x108  }
0x21: {  	s3 =	sadd.s32 s3, s9;
	s6 =	sadd.s32 @!p0 $0x88, s6;
	s7 =	simm.s32 @p2 $0x1082  }
0x22: {  	[simem:s7], [sflag:s8] =	dma.local @!p0 [hbm:s6], $0xF7A  }
0x23: {  	s9 =	sor.u32 $0xD0000000, s2;
	s6 =	simm.s32 $0x108;
	_ =	swait.ge @!p0 [sflag:s8], $0x0  }
0x24: {  	s3 =	sadd.s32 $0x88, s3;
	s6 =	simm.s32 @!p1 $0x1082;
	[sflag:s4] =	ssyncset.s32 $0xFFFFF086  }
0x25: {  	[simem:s6], [sflag:s4] =	dma.local [hbm:s3], $0xF7A  }
0x26: {  	[smem:$0x3F97] =	sst s1;
	(tag) =	ssettag s2;
	_ =	strace s9  }
0x27: {  	s1 =	sld [smem:$0x3FA7]  }
0x28: {  	s2 =	sld [smem:$0x3FA8]  }
0x29: {  	s4 =	sld [smem:$0x3FAA]  }
0x2a: {  	p0 =	seq.s32 s5, $0x0;
	s5 =	sld [smem:$0x3FAB]  }
0x2b: {  	s6 =	sld [smem:$0x3FAC]  }
0x2c: {  	s7 =	sld [smem:$0x3FAD]  }
0x2d: {  	s3 =	simm.s32 $0x108;
	s8 =	sld [smem:$0x3FAE]  }
0x2e: {  	s3 =	simm.s32 @!p0 $0x1082;
	s9 =	sld [smem:$0x3FAF]  }
0x2f: {  	lr =	sadd.s32 s0, s3;
	s0 =	sld [smem:$0x3FA6]  }
0x30: {  	s3 =	sld [smem:$0x3FA9]  }
0x31: {  	[smem:$0x3FB2] =	sst s10  }
0x32: {  	s10 =	sld [smem:$0x3FB0];
	_ =	sdelay $0x3  }
0x33: {  	p0 =	seq.s32 s10, $0x1;
	s10 =	sld [smem:$0x3FB2];
	_ =	sdelay $0x3  }
0x34: {  	[smem:$0x3FB2] =	sst s10  }
0x35: {  	s10 =	sld [smem:$0x3FB1];
	_ =	sdelay $0x3  }
0x36: {  	p1 =	seq.s32 s10, $0x1;
	s10 =	sld [smem:$0x3FB2];
	_ =	sdelay $0x3  }
0x37: {  	[smem:$0x3FB2] =	sst s10  }
0x38: {  	s10 =	sld [smem:$0x3FB3]  }
0x39: {  	_ = 	snop;
	(pc) =	sbr.ind lr, $3  }
0x3a: {  	_ = 	snop  }
0x3b: {  	_ = 	snop  }
0x3c: {  	p2 =	seq.s32 s10, $0x1;
	s10 =	sld [smem:$0x3FB2]  }
0x3d: {  	_ =	shalt  }
0x3e: {  	_ =	shalt  }
0x3f: {  	_ =	shalt  }
0x40: {  	_ =	shalt  }
0x41: {  	_ =	shalt  }
0x42: {  	_ =	shalt  }
0x43: {  	_ =	shalt  }
0x44: {  	_ =	shalt  }
0x45: {  	_ =	shalt  }
0x46: {  	_ =	shalt  }
0x47: {  	_ =	shalt  }
0x48: {  	_ =	shalt  }
0x49: {  	_ =	shalt  }
0x4a: {  	_ =	shalt  }
0x4b: {  	_ =	shalt  }
0x4c: {  	_ =	shalt  }
0x4d: {  	_ =	shalt  }
0x4e: {  	_ =	shalt  }
0x4f: {  	_ =	shalt  }
0x50: {  	_ =	shalt  }
0x51: {  	_ =	shalt  }
0x52: {  	_ =	shalt  }
0x53: {  	_ =	shalt  }
0x54: {  	_ =	shalt  }
0x55: {  	_ =	shalt  }
0x56: {  	_ =	shalt  }
0x57: {  	_ =	shalt  }
0x58: {  	_ =	shalt  }
0x59: {  	_ =	shalt  }
0x5a: {  	_ =	shalt  }
0x5b: {  	_ =	shalt  }
0x5c: {  	_ =	shalt  }
0x5d: {  	_ =	shalt  }
0x5e: {  	_ =	shalt  }
0x5f: {  	_ =	shalt  }
0x60: {  	_ =	shalt  }
0x61: {  	_ =	shalt  }
0x62: {  	_ =	shalt  }
0x63: {  	_ =	shalt  }
0x64: {  	_ =	shalt  }
0x65: {  	_ =	shalt  }
0x66: {  	_ =	shalt  }
0x67: {  	_ =	shalt  }
0x68: {  	_ =	shalt  }
0x69: {  	_ =	shalt  }
0x6a: {  	_ =	shalt  }
0x6b: {  	_ =	shalt  }
0x6c: {  	_ =	shalt  }
0x6d: {  	_ =	shalt  }
0x6e: {  	_ =	shalt  }
0x6f: {  	_ =	shalt  }
0x70: {  	_ =	shalt  }
0x71: {  	_ =	shalt  }
0x72: {  	_ =	shalt  }
0x73: {  	_ =	shalt  }
0x74: {  	_ =	shalt  }
0x75: {  	_ =	shalt  }
0x76: {  	_ =	shalt  }
0x77: {  	_ =	shalt  }
0x78: {  	_ =	shalt  }
0x79: {  	_ =	shalt  }
0x7a: {  	_ =	shalt  }
0x7b: {  	_ =	shalt  }
0x7c: {  	_ =	shalt  }
0x7d: {  	_ =	shalt  }
0x7e: {  	_ =	shalt  }
0x7f: {  	_ =	shalt  }
0x80: {  	_ =	shalt  }
0x81: {  	_ =	shalt  }
0x82: {  	_ =	shalt  }
0x83: {  	_ =	shalt  }
0x84: {  	_ =	shalt  }
0x85: {  	_ =	shalt  }
0x86: {  	_ =	shalt  }
0x87: {  	_ =	shalt  }
.Lfunc_end0:
.L_simem_size_0:
called_computation.2_lowered:
.L_overlay_start_0:
0x88: {  	s2 =	sld [smem:$0x3FD9]  }
0x89: {  	s3 =	sld [smem:$0x3FFE];
	_ =	sdelay $0x1  }
0x8a: {  	s1 =	srdreg.scid  }
0x8b: {  	s0 =	sand.u32 $0x1, s1  }
0x8c: {  	s16 =	sshll.u32 s0, $0xA;
	s2 =	sadd.s32 s3, s2  }
0x8d: {  	s2 =	sadd.s32 s2, s16  }
0x8e: {  	[smem:$0x3FBE] =	sst s2  }
0x8f: {  	_ = 	snop  }
0x90: {  	(tm) =	ssettm $0x1  }
0x91: {  	s17 =	sld [smem:$0x3FFB];
	_ =	sdelay $0x3  }
0x92: {  	_ =	strace s17  }
0x93: {  	s2 =	sld [smem:$0x3FFC];
	_ =	sdelay $0x3  }
0x94: {  	_ =	strace s2  }
0x95: {  	s2 =	sld [smem:$0x3FFD];
	_ =	sdelay $0x3  }
0x96: {  	_ =	strace s2  }
0x97: {  	_ =	strace $0x8FFFFFFF  }
0x98: {  	s18 =	sld [smem:$0x3FDB];
	_ =	sdelay $0x1  }
0x99: {  	s19 =	simm.s32 $_scs_section_size  }
0x9a: {  	s4 =	simm.s32 $_size__tile_overlayer_lowered;
	s5 =	simm.s32 $_tile_overlayer_lowered  }
0x9b: {  	s22 =	simm.s32 $0x1BFF;
	s21 =	sshll.u32 s5, $0x1;
	s2 =	sadd.s32 s19, s18  }
0x9c: {  	s6 =	simm.s32 $0x0;
	s20 =	sshll.u32 s4, $0x1;
	s4 =	sadd.s32 s21, s2  }
0x9d: {  	[timem:s6], [sflag:s22] =	dma.local [hbm:s4], s20  }
0x9e: {  	_ =	swait.ge [sflag:s22], s20  }
0x9f: {  	s3 =	ssub.s32 $0x0, s20;
	[sflag:s22] =	ssyncset.done $0x0  }
0xa0: {  	[sflag:s22] =	ssyncadd.s32 s3;
	_ =	sdelay $0x1  }
0xa1: {  	s23 =	simm.s32 $0x1B8B  }
0xa2: {  	_ =	swait.ge [sflag:s23], $0x1  }
0xa3: {  	[sflag:s23] =	ssyncset.done $0x0  }
0xa4: {  	s25 =	simm.s32 $0x1B8E;
	s24 =	sld [smem:$0x3FFE];
	[sflag:s23] =	ssyncadd.s32 $0xFFFFFFFF  }
0xa5: {  	s26 =	simm.s32 $execute0_lowered;
	[smem:$0x3FD2] =	sst s25  }
0xa6: {  	s4 =	sshll.u32 s26, $0x1;
	_ =	strace $0x8000004C;
	[dreg:$0x1] =	wrdreg $0xFFFFFFFF  }
0xa7: {  	s28 =	simm.s32 $_size_execute0_lowered;
	s2 =	sadd.s32 s2, s4;
	[dreg:$0x0] =	wrdreg $0x0  }
0xa8: {  	s4 =	sshll.u32 s28, $0x1;
	[dreg:$0x2] =	wrdreg s2  }
0xa9: {  	[dreg:$0x3] =	wrdreg s4  }
0xaa: {  	[dreg:$0x4] =	wrdreg $0xC0  }
0xab: {  	_ =	task [dreg:s6], $0x5FFFF  }
0xac: {  	[dreg:$0x1] =	wrdreg $0xFFFFFFFF  }
0xad: {  	[dreg:$0x0] =	wrdreg $0x60  }
0xae: {  	[dreg:$0x2] =	wrdreg s24  }
0xaf: {  	[dreg:$0x3] =	wrdreg $0xC3000  }
0xb0: {  	[dreg:$0x4] =	wrdreg $0x9  }
0xb1: {  	_ =	task.clear_ibuf [dreg:s6], $0x5FFFF;
	_ =	strace $0x9000004C  }
0xb2: {  	s29 =	simm.s32 $0x9;
	_ =	strace $0x8000004E  }
0xb3: {  	_ =	swait.ge [sflag:s29], $0x1  }
0xb4: {  	[sflag:s29] =	ssyncadd.s32 $0xFFFFFFFF  }
0xb5: {  	_ =	strace $0x9000004E  }
0xb6: {  	_ =	sfence  }
0xb7: {  	s30 =	sld [smem:$0x0];
	_ =	sdelay $0x2  }
0xb8: {  	s31 =	sshll.u32 s1, $0xD;
	s1 =	sshrl.u32 s1, $0x2  }
0xb9: {  	s3 =	sand.u32 $0x4000, s31;
	s1 =	sadd.s32 s1, s30  }
0xba: {  	s0 =	sor.u32 s3, s0;
	s1 =	sshll.u32 s1, $0x11  }
0xbb: {  	s0 =	sor.u32 s1, s0  }
0xbc: {  	s0 =	sadd.s32 $0x8F2B, s0  }
0xbd: {  	[sflag:s0] =	ssyncadd.remote.s32 $0x1  }
0xbe: {  	_ =	sfence.sel $0xFFFF  }
0xbf: {  	[dreg:$0x0] =	wrdreg $0xFFFFFFFF;
	(pc) =	sbr.abs _section_cstart, $3  }
0xc0: {  	[dreg:$0x1] =	wrdreg $0xFFFFFFFF  }
0xc1: {  	_ =	task.clear_ibuf [dreg:s6], $0x2FFFF;
	_ =	strace $0x9FFFFFFF  }
0xc2: {  	(tm) =	ssettm $0x7FFFFFFF  }
0xc3: {  	_ =	shalt  }
tec
execute0_lowered:
.L_overlay_start_1:
0x0: {  	(tag) =	ssettag $0x1  }
0x1: {  	s0 =	rddreg [dreg:$0x0]  }
0x2: {  	s1 =	rddreg [dreg:$0x1];
	s3 =	simm.s32 $0x0;
	s2 =	srdreg.scid  }
0x3: {  	s11 =	stileid.u32;
	s28 =	simm.s32 $0x7;
	s29 =	simm.s32 $0x4  }
0x4: {  	s30 =	simm.s32 $0x8;
	s31 =	simm.s32 $0x5;
	[smem:$0x7FF] =	sst s3  }
0x5: {  	s2 =	sand.u32 $0x1, s2;
	s6 =	smul.u32 $0x13C00, s11;
	s4 =	sadd.s32 $0x16000, s0  }
0x6: {  	s7 =	sadd.s32 $0x2400, s0;
	s8 =	smul.u32 $0x4F000, s11;
	s9 =	sadd.s32 $0xC200, s0  }
0x7: {  	s16 =	sshll.u32 s11, $0x5;
	s19 =	smul.u32 $0x9C0, s11;
	p0 =	sgt.u32 s11, $0x1  }
0x8: {  	s5 =	smul.u32 $0x13C000, s2;
	_ =	strace $0x8000004D;
	s14 =	ssub.s32 $0x2, s2  }
0x9: {  	s17 =	sshll.u32 s2, $0x4;
	s2 =	smul.u32 $0x4E0, s2;
	s10 =	sshrl.u32 s14, $0x1  }
0xa: {  	s8 =	sshrl.u32 s8, $0x2;
	s26 =	sadd.s32 s19, s9;
	s5 =	sadd.s32 s6, s5  }
0xb: {  	s6 =	ssub.s32 s14, s10;
	s12 =	sadd.s32 s8, s1;
	s8 =	sor.u32 s17, s16  }
0xc: {  	s14 =	sadd.s32 s2, s26;
	s16 =	simm.s32 $0xD;
	s17 =	simm.s32 $0x80  }
0xd: {  	s26 =	simm.s32 $0x8300;
	s15 =	sadd.s32 $0x4000, s12;
	[dreg:$0x4] =	wrdreg s12  }
0xe: {  	s5 =	sshrl.u32 s5, $0x3;
	s18 =	sadd.s32 $0x8000, s12;
	[dreg:$0x5] =	wrdreg s15  }
0xf: {  	s20 =	sadd.s32 $0xC000, s12;
	s8 =	sor.u32 $0x9C00, s8;
	[dreg:$0x6] =	wrdreg s18  }
0x10: {  	s21 =	sadd.s32 $0x10000, s12;
	s25 =	smax.u32 s6, $0x1;
	[dreg:$0x7] =	wrdreg s20  }
0x11: {  	s6 =	simm.s32 $0xA;
	s0 =	sadd.s32 s5, s0;
	[dreg:$0x8] =	wrdreg s21  }
0x12: {  	s22 =	sadd.s32 s7, s8;
	s7 =	sadd.s32 s19, s7;
	s23 =	sadd.s32 s9, s8  }
0x13: {  	[dreg:$0xc] =	wrdreg s25;
	s15 =	simm.s32 $0x300;
	s18 =	simm.s32 $0x100  }
0x14: {  	s19 =	simm.s32 $0x180;
	s20 =	simm.s32 $0x200;
	s21 =	simm.s32 $0x280  }
0x15: {  	s25 =	simm.s32 $0x3;
	s8 =	simm.s32 $0xC;
	[dreg:$0x9] =	wrdreg s22  }
0x16: {  	s9 =	simm.s32 $0x0;
	[dreg:$0xa] =	wrdreg s23;
	s0 =	sadd.s32 $0x3D200, s0  }
0x17: {  	s24 =	sadd.s32 s2, s7;
	s22 =	simm.s32 $0x1;
	s23 =	simm.s32 $0x2  }
0x18: {  	s2 =	simm.s32 $0x6;
	s7 =	simm.s32 $0xB;
	[dreg:$0xb] =	wrdreg s0  }
0x19: {  	v0 =	vimm.f32 $0.0e+00;
	[dreg:$0x3] =	wrdreg s24;
	s24 =	simm.s32 $0x4300;
	s0 =	simm.s32 $0x9  }
.LBB2_1:
0x1a: {  	s10 =	simm.s32 $0x0;
	s11 =	simm.s32 $0x200  }
.LBB2_2:
0x1b: {  	p1 =	sne.s32 s11, $0xFE00;
	[tilespmem:s10+$0x370] =	vst v0  }
0x1c: {  	[tilespmem:s10+$0x300] =	vst v0  }
0x1d: {  	[tilespmem:s10+$0x310] =	vst v0  }
.Ltmp0:
0x1e: {  	[tilespmem:s10+$0x320] =	vst v0;
	(pc) =	sbr.rel @p1 .LBB2_2-.Ltmp0, $4  }
0x1f: {  	[tilespmem:s10+$0x330] =	vst v0  }
0x20: {  	[tilespmem:s10+$0x340] =	vst v0  }
0x21: {  	[tilespmem:s10+$0x350] =	vst v0  }
0x22: {  	[tilespmem:s10+$0x360] =	vst v0;
	s10 =	sshra.s32 s11, $0x2;
	s11 =	sadd.s32 $0x200, s11  }
0x23: {  	[tilespmem:s10+$0x370] =	vst v0  }
0x24: {  	[tilespmem:s10+$0x300] =	vst v0  }
0x25: {  	[tilespmem:s10+$0x310] =	vst v0  }
0x26: {  	[tilespmem:s10+$0x320] =	vst v0  }
0x27: {  	[tilespmem:s10+$0x330] =	vst v0  }
0x28: {  	[tilespmem:s10+$0x340] =	vst v0  }
0x29: {  	[tilespmem:s10+$0x350] =	vst v0  }
0x2a: {  	[tilespmem:s10+$0x360] =	vst v0  }
0x2b: {  	[spmem:s12] =	stream.linear.scatter [tilespmem:s15], [sflag:$0xD], $0x4000, $0x38;
	[tilespmem:$0x1FF00] =	vst v63  }
0x2c: {  	_ =	swait.ge [sflag:s16], $0x4000  }
0x2d: {  	[sflag:s16] =	ssyncset.done $0x0  }
0x2e: {  	s5 =	rddreg [dreg:$0x5];
	[sflag:s16] =	ssyncadd.s32 $0xFFFFC000  }
0x2f: {  	[spmem:s5] =	stream.linear.scatter [tilespmem:s15], [sflag:$0xD], $0x4000, $0x38;
	[tilespmem:$0x1FF00] =	vst v63  }
0x30: {  	_ =	swait.ge [sflag:s16], $0x4000  }
0x31: {  	[sflag:s16] =	ssyncset.done $0x0  }
0x32: {  	s12 =	rddreg [dreg:$0x6];
	[sflag:s16] =	ssyncadd.s32 $0xFFFFC000  }
0x33: {  	[spmem:s12] =	stream.linear.scatter [tilespmem:s15], [sflag:$0xD], $0x4000, $0x38;
	[tilespmem:$0x1FF00] =	vst v63  }
0x34: {  	_ =	swait.ge [sflag:s16], $0x4000  }
0x35: {  	[sflag:s16] =	ssyncset.done $0x0  }
0x36: {  	s13 =	rddreg [dreg:$0x7];
	[sflag:s16] =	ssyncadd.s32 $0xFFFFC000  }
0x37: {  	[spmem:s13] =	stream.linear.scatter [tilespmem:s15], [sflag:$0xD], $0x4000, $0x38;
	[tilespmem:$0x1FF00] =	vst v63  }
0x38: {  	_ =	swait.ge [sflag:s16], $0x4000  }
0x39: {  	[sflag:s16] =	ssyncset.done $0x0  }
0x3a: {  	s10 =	rddreg [dreg:$0x8];
	[sflag:s16] =	ssyncadd.s32 $0xFFFFC000  }
0x3b: {  	[spmem:s10] =	stream.linear.scatter [tilespmem:s15], [sflag:$0xD], $0x3C00, $0x38;
	[tilespmem:$0x1FF00] =	vst v63  }
0x3c: {  	_ =	swait.ge [sflag:s16], $0x3C00  }
0x3d: {  	[sflag:s16] =	ssyncset.done $0x0  }
0x3e: {  	[sflag:s16] =	ssyncadd.s32 $0xFFFFC400  }
0x3f: {  	[bflag:$0x0] =	sbarrier.arrive $0xFFFF  }
0x40: {  	s11 =	rddreg [dreg:$0x3]  }
0x41: {  	s10 =	sadd.s32 $0x0, s11  }
0x42: {  	[tilespmem:s3], [sflag:$0x1] =	stream.linear.gather [hbm4b:s10+s3], $0x80, $0x38;
	[tilespmem:$0x1FF00] =	vst v63  }
0x43: {  	s11 =	sadd.s32 $0x10, s10  }
0x44: {  	[tilespmem:s17], [sflag:$0x2] =	stream.linear.gather [hbm4b:s11+s3], $0x80, $0x38;
	[tilespmem:$0x1FF00] =	vst v63  }
0x45: {  	s10 =	sadd.s32 $0x20, s10  }
0x46: {  	[tilespmem:s18], [sflag:$0x3] =	stream.linear.gather [hbm4b:s10+s3], $0x80, $0x38;
	[tilespmem:$0x1FF00] =	vst v63  }
0x47: {  	s12 =	sadd.s32 $0x0, s14  }
0x48: {  	[tilespmem:s19], [sflag:$0x4] =	stream.linear.gather [hbm4b:s12+s3], $0x80, $0x38;
	[tilespmem:$0x1FF00] =	vst v63  }
0x49: {  	s13 =	sadd.s32 $0x10, s12  }
0x4a: {  	[tilespmem:s20], [sflag:$0x5] =	stream.linear.gather [hbm4b:s13+s3], $0x80, $0x38;
	[tilespmem:$0x1FF00] =	vst v63  }
0x4b: {  	s10 =	sadd.s32 $0x20, s12  }
0x4c: {  	[tilespmem:s21], [sflag:$0x6] =	stream.linear.gather [hbm4b:s10+s3], $0x80, $0x38;
	[tilespmem:$0x1FF00] =	vst v63  }
0x4d: {  	_ =	swait.ge [sflag:s22], $0x80  }
0x4e: {  	[sflag:s22] =	ssyncset.done $0x0  }
0x4f: {  	[sflag:s22] =	ssyncadd.s32 $0xFFFFFF80  }
0x50: {  	[tilespmem:s15], [sflag:$0x7] =	stream.indirect.gather [hbm4b:s4+s17], $0x80, s3, s17, $0xb8;
	[tilespmem:$0x1FF00] =	vst v63  }
0x51: {  	_ =	swait.ge [sflag:s23], $0x80  }
0x52: {  	[sflag:s23] =	ssyncset.done $0x0  }
0x53: {  	[sflag:s23] =	ssyncadd.s32 $0xFFFFFF80  }
0x54: {  	[tilespmem:s24], [sflag:$0x8] =	stream.indirect.gather [hbm4b:s4+s17], $0x80, s17, s17, $0xb8;
	[tilespmem:$0x1FF00] =	vst v63  }
0x55: {  	_ =	swait.ge [sflag:s25], $0x80  }
0x56: {  	[sflag:s25] =	ssyncset.done $0x0  }
0x57: {  	[sflag:s25] =	ssyncadd.s32 $0xFFFFFF80  }
0x58: {  	[tilespmem:s26], [sflag:$0x9] =	stream.indirect.gather [hbm4b:s4+s17], $0x80, s18, s17, $0xb8;
	[tilespmem:$0x1FF00] =	vst v63  }
0x59: {  	_ =	swait.ge [sflag:s28], $0x4000  }
0x5a: {  	[sflag:s28] =	ssyncset.done $0x0  }
0x5b: {  	[sflag:s28] =	ssyncadd.s32 $0xFFFFC000  }
0x5c: {  	_ =	swait.ge [sflag:s29], $0x80  }
0x5d: {  	[sflag:s29] =	ssyncset.done $0x0  }
0x5e: {  	[sflag:s29] =	ssyncadd.s32 $0xFFFFFF80  }
0x5f: {  	[spmem:s1] =	stream.indirect.scatter.add.f32 [tilespmem:s15], [sflag:$0xA], $0x80, s19, s17, $0xb8;
	[tilespmem:$0x1FF00] =	vst v63  }
0x60: {  	_ =	swait.ge [sflag:s30], $0x4000  }
0x61: {  	[sflag:s30] =	ssyncset.done $0x0  }
0x62: {  	[sflag:s30] =	ssyncadd.s32 $0xFFFFC000  }
0x63: {  	_ =	swait.ge [sflag:s31], $0x80  }
0x64: {  	[sflag:s31] =	ssyncset.done $0x0  }
0x65: {  	[sflag:s31] =	ssyncadd.s32 $0xFFFFFF80  }
0x66: {  	[spmem:s1] =	stream.indirect.scatter.add.f32 [tilespmem:s24], [sflag:$0xB], $0x80, s20, s17, $0xb8;
	[tilespmem:$0x1FF00] =	vst v63  }
0x67: {  	_ =	swait.ge [sflag:s0], $0x4000  }
0x68: {  	[sflag:s0] =	ssyncset.done $0x0  }
0x69: {  	[sflag:s0] =	ssyncadd.s32 $0xFFFFC000  }
0x6a: {  	_ =	swait.ge [sflag:s2], $0x80  }
0x6b: {  	[sflag:s2] =	ssyncset.done $0x0  }
0x6c: {  	[sflag:s2] =	ssyncadd.s32 $0xFFFFFF80  }
0x6d: {  	[spmem:s1] =	stream.indirect.scatter.add.f32 [tilespmem:s26], [sflag:$0xC], $0x80, s21, s17, $0xb8;
	[tilespmem:$0x1FF00] =	vst v63  }
0x6e: {  	_ =	swait.ge [sflag:s6], $0x4000  }
0x6f: {  	[sflag:s6] =	ssyncset.done $0x0  }
0x70: {  	[sflag:s6] =	ssyncadd.s32 $0xFFFFC000  }
0x71: {  	_ =	swait.ge [sflag:s7], $0x4000  }
0x72: {  	[sflag:s7] =	ssyncset.done $0x0  }
0x73: {  	[sflag:s7] =	ssyncadd.s32 $0xFFFFC000  }
0x74: {  	s11 =	simm.s32 $0x60;
	_ =	swait.ge [sflag:s8], $0x4000  }
0x75: {  	s10 =	simm.s32 $0x30;
	s12 =	rddreg [dreg:$0x3];
	[sflag:s8] =	ssyncset.done $0x0  }
.LBB2_4:
0x76: {  	[sflag:s8] =	ssyncadd.s32 $0xFFFFC000;
	s12 =	sadd.s32 s10, s12  }
0x77: {  	[tilespmem:s3], [sflag:$0x1] =	stream.linear.gather [hbm4b:s12+s3], $0x80, $0x38;
	[tilespmem:$0x1FF00] =	vst v63  }
0x78: {  	s5 =	sadd.s32 $0x10, s12  }
0x79: {  	[tilespmem:s17], [sflag:$0x2] =	stream.linear.gather [hbm4b:s5+s3], $0x80, $0x38;
	[tilespmem:$0x1FF00] =	vst v63  }
0x7a: {  	s12 =	sadd.s32 $0x20, s12  }
0x7b: {  	[tilespmem:s18], [sflag:$0x3] =	stream.linear.gather [hbm4b:s12+s3], $0x80, $0x38;
	[tilespmem:$0x1FF00] =	vst v63  }
0x7c: {  	s13 =	smov.u32 s11;
	s5 =	sadd.s32 s10, s14  }
0x7d: {  	[tilespmem:s19], [sflag:$0x4] =	stream.linear.gather [hbm4b:s5+s3], $0x80, $0x38;
	[tilespmem:$0x1FF00] =	vst v63  }
0x7e: {  	s10 =	smov.u32 s13;
	s13 =	sadd.s32 $0x10, s5  }
0x7f: {  	[tilespmem:s20], [sflag:$0x5] =	stream.linear.gather [hbm4b:s13+s3], $0x80, $0x38;
	[tilespmem:$0x1FF00] =	vst v63  }
0x80: {  	s5 =	sadd.s32 $0x20, s5  }
0x81: {  	[tilespmem:s21], [sflag:$0x6] =	stream.linear.gather [hbm4b:s5+s3], $0x80, $0x38;
	[tilespmem:$0x1FF00] =	vst v63  }
0x82: {  	_ =	swait.ge [sflag:s22], $0x80  }
0x83: {  	[sflag:s22] =	ssyncset.done $0x0  }
0x84: {  	[sflag:s22] =	ssyncadd.s32 $0xFFFFFF80  }
0x85: {  	[tilespmem:s15], [sflag:$0x7] =	stream.indirect.gather [hbm4b:s4+s17], $0x80, s3, s17, $0xb8;
	[tilespmem:$0x1FF00] =	vst v63  }
0x86: {  	_ =	swait.ge [sflag:s23], $0x80  }
0x87: {  	[sflag:s23] =	ssyncset.done $0x0  }
0x88: {  	[sflag:s23] =	ssyncadd.s32 $0xFFFFFF80  }
0x89: {  	[tilespmem:s24], [sflag:$0x8] =	stream.indirect.gather [hbm4b:s4+s17], $0x80, s17, s17, $0xb8;
	[tilespmem:$0x1FF00] =	vst v63  }
0x8a: {  	_ =	swait.ge [sflag:s25], $0x80  }
0x8b: {  	[sflag:s25] =	ssyncset.done $0x0  }
0x8c: {  	[sflag:s25] =	ssyncadd.s32 $0xFFFFFF80  }
0x8d: {  	[tilespmem:s26], [sflag:$0x9] =	stream.indirect.gather [hbm4b:s4+s17], $0x80, s18, s17, $0xb8;
	[tilespmem:$0x1FF00] =	vst v63  }
0x8e: {  	_ =	swait.ge [sflag:s28], $0x4000  }
0x8f: {  	[sflag:s28] =	ssyncset.done $0x0  }
0x90: {  	[sflag:s28] =	ssyncadd.s32 $0xFFFFC000  }
0x91: {  	_ =	swait.ge [sflag:s29], $0x80  }
0x92: {  	[sflag:s29] =	ssyncset.done $0x0  }
0x93: {  	[sflag:s29] =	ssyncadd.s32 $0xFFFFFF80  }
0x94: {  	[spmem:s1] =	stream.indirect.scatter.add.f32 [tilespmem:s15], [sflag:$0xA], $0x80, s19, s17, $0xb8;
	[tilespmem:$0x1FF00] =	vst v63  }
0x95: {  	_ =	swait.ge [sflag:s30], $0x4000  }
0x96: {  	[sflag:s30] =	ssyncset.done $0x0  }
0x97: {  	[sflag:s30] =	ssyncadd.s32 $0xFFFFC000  }
0x98: {  	_ =	swait.ge [sflag:s31], $0x80  }
0x99: {  	[sflag:s31] =	ssyncset.done $0x0  }
0x9a: {  	[sflag:s31] =	ssyncadd.s32 $0xFFFFFF80  }
0x9b: {  	[spmem:s1] =	stream.indirect.scatter.add.f32 [tilespmem:s24], [sflag:$0xB], $0x80, s20, s17, $0xb8;
	[tilespmem:$0x1FF00] =	vst v63  }
0x9c: {  	_ =	swait.ge [sflag:s0], $0x4000  }
0x9d: {  	[sflag:s0] =	ssyncset.done $0x0  }
0x9e: {  	[sflag:s0] =	ssyncadd.s32 $0xFFFFC000  }
0x9f: {  	_ =	swait.ge [sflag:s2], $0x80  }
0xa0: {  	[sflag:s2] =	ssyncset.done $0x0  }
0xa1: {  	[sflag:s2] =	ssyncadd.s32 $0xFFFFFF80  }
0xa2: {  	[spmem:s1] =	stream.indirect.scatter.add.f32 [tilespmem:s26], [sflag:$0xC], $0x80, s21, s17, $0xb8;
	[tilespmem:$0x1FF00] =	vst v63  }
0xa3: {  	_ =	swait.ge [sflag:s6], $0x4000  }
0xa4: {  	[sflag:s6] =	ssyncset.done $0x0  }
0xa5: {  	p1 =	sne.s32 s11, $0x4B0;
	[sflag:s6] =	ssyncadd.s32 $0xFFFFC000  }
.Ltmp1:
0xa6: {  	_ =	swait.ge [sflag:s7], $0x4000;
	(pc) =	sbr.rel @p1 .LBB2_4-.Ltmp1, $4  }
0xa7: {  	[sflag:s7] =	ssyncset.done $0x0  }
0xa8: {  	[sflag:s7] =	ssyncadd.s32 $0xFFFFC000  }
0xa9: {  	_ =	swait.ge [sflag:s8], $0x4000  }
0xaa: {  	s11 =	sadd.s32 $0x30, s11;
	s12 =	rddreg [dreg:$0x3];
	[sflag:s8] =	ssyncset.done $0x0  }
0xab: {  	[sflag:s8] =	ssyncadd.s32 $0xFFFFC000;
	s5 =	sadd.s32 s10, s12  }
0xac: {  	[tilespmem:s3], [sflag:$0x1] =	stream.linear.gather [hbm4b:s5+s3], $0x80, $0x38;
	[tilespmem:$0x1FF00] =	vst v63  }
0xad: {  	s11 =	sadd.s32 $0x10, s5  }
0xae: {  	[tilespmem:s17], [sflag:$0x2] =	stream.linear.gather [hbm4b:s11+s3], $0x80, $0x38;
	[tilespmem:$0x1FF00] =	vst v63  }
0xaf: {  	s5 =	sadd.s32 $0x20, s5  }
0xb0: {  	[tilespmem:s18], [sflag:$0x3] =	stream.linear.gather [hbm4b:s5+s3], $0x80, $0x38;
	[tilespmem:$0x1FF00] =	vst v63  }
0xb1: {  	s13 =	sadd.s32 s10, s14  }
0xb2: {  	[tilespmem:s19], [sflag:$0x4] =	stream.linear.gather [hbm4b:s13+s3], $0x80, $0x38;
	[tilespmem:$0x1FF00] =	vst v63  }
0xb3: {  	s10 =	sadd.s32 $0x10, s13  }
0xb4: {  	[tilespmem:s20], [sflag:$0x5] =	stream.linear.gather [hbm4b:s10+s3], $0x80, $0x38;
	[tilespmem:$0x1FF00] =	vst v63  }
0xb5: {  	s5 =	sadd.s32 $0x20, s13  }
0xb6: {  	[tilespmem:s21], [sflag:$0x6] =	stream.linear.gather [hbm4b:s5+s3], $0x80, $0x38;
	[tilespmem:$0x1FF00] =	vst v63  }
0xb7: {  	_ =	swait.ge [sflag:s22], $0x80  }
0xb8: {  	[sflag:s22] =	ssyncset.done $0x0  }
0xb9: {  	[sflag:s22] =	ssyncadd.s32 $0xFFFFFF80  }
0xba: {  	[tilespmem:s15], [sflag:$0x7] =	stream.indirect.gather [hbm4b:s4+s17], $0x80, s3, s17, $0xb8;
	[tilespmem:$0x1FF00] =	vst v63  }
0xbb: {  	_ =	swait.ge [sflag:s23], $0x80  }
0xbc: {  	[sflag:s23] =	ssyncset.done $0x0  }
0xbd: {  	[sflag:s23] =	ssyncadd.s32 $0xFFFFFF80  }
0xbe: {  	[tilespmem:s24], [sflag:$0x8] =	stream.indirect.gather [hbm4b:s4+s17], $0x80, s17, s17, $0xb8;
	[tilespmem:$0x1FF00] =	vst v63  }
0xbf: {  	_ =	swait.ge [sflag:s25], $0x80  }
0xc0: {  	[sflag:s25] =	ssyncset.done $0x0  }
0xc1: {  	[sflag:s25] =	ssyncadd.s32 $0xFFFFFF80  }
0xc2: {  	[tilespmem:s26], [sflag:$0x9] =	stream.indirect.gather [hbm4b:s4+s17], $0x80, s18, s17, $0xb8;
	[tilespmem:$0x1FF00] =	vst v63  }
0xc3: {  	_ =	swait.ge [sflag:s28], $0x4000  }
0xc4: {  	[sflag:s28] =	ssyncset.done $0x0  }
0xc5: {  	[sflag:s28] =	ssyncadd.s32 $0xFFFFC000  }
0xc6: {  	_ =	swait.ge [sflag:s29], $0x80  }
0xc7: {  	[sflag:s29] =	ssyncset.done $0x0  }
0xc8: {  	[sflag:s29] =	ssyncadd.s32 $0xFFFFFF80  }
0xc9: {  	[spmem:s1] =	stream.indirect.scatter.add.f32 [tilespmem:s15], [sflag:$0xA], $0x80, s19, s17, $0xb8;
	[tilespmem:$0x1FF00] =	vst v63  }
0xca: {  	_ =	swait.ge [sflag:s30], $0x4000  }
0xcb: {  	[sflag:s30] =	ssyncset.done $0x0  }
0xcc: {  	[sflag:s30] =	ssyncadd.s32 $0xFFFFC000  }
0xcd: {  	_ =	swait.ge [sflag:s31], $0x80  }
0xce: {  	[sflag:s31] =	ssyncset.done $0x0  }
0xcf: {  	[sflag:s31] =	ssyncadd.s32 $0xFFFFFF80  }
0xd0: {  	[spmem:s1] =	stream.indirect.scatter.add.f32 [tilespmem:s24], [sflag:$0xB], $0x80, s20, s17, $0xb8;
	[tilespmem:$0x1FF00] =	vst v63  }
0xd1: {  	_ =	swait.ge [sflag:s0], $0x4000  }
0xd2: {  	[sflag:s0] =	ssyncset.done $0x0  }
0xd3: {  	[sflag:s0] =	ssyncadd.s32 $0xFFFFC000  }
0xd4: {  	_ =	swait.ge [sflag:s2], $0x80  }
0xd5: {  	[sflag:s2] =	ssyncset.done $0x0  }
0xd6: {  	[sflag:s2] =	ssyncadd.s32 $0xFFFFFF80  }
0xd7: {  	[spmem:s1] =	stream.indirect.scatter.add.f32 [tilespmem:s26], [sflag:$0xC], $0x80, s21, s17, $0xb8;
	[tilespmem:$0x1FF00] =	vst v63  }
0xd8: {  	_ =	swait.ge [sflag:s6], $0x4000  }
0xd9: {  	[sflag:s6] =	ssyncset.done $0x0  }
0xda: {  	[sflag:s6] =	ssyncadd.s32 $0xFFFFC000  }
0xdb: {  	_ =	swait.ge [sflag:s7], $0x4000  }
0xdc: {  	[sflag:s7] =	ssyncset.done $0x0  }
0xdd: {  	[sflag:s7] =	ssyncadd.s32 $0xFFFFC000  }
0xde: {  	_ =	swait.ge [sflag:s8], $0x4000  }
0xdf: {  	[sflag:s8] =	ssyncset.done $0x0  }
0xe0: {  	s5 =	simm.s32 @!p0 $0x0;
	s10 =	rddreg [dreg:$0x9];
	[sflag:s8] =	ssyncadd.s32 $0xFFFFC000  }
0xe1: {  	[tilespmem:s5], [sflag:$0xD] =	stream.linear.gather @!p0 [hbm4b:s10+s5], $0x80, $0x38;
	[tilespmem:$0x1FF00] =	vst v63  }
0xe2: {  	s10 =	simm.s32 @!p0 $0xD  }
0xe3: {  	_ =	swait.ge @!p0 [sflag:s10], $0x80  }
0xe4: {  	[sflag:s10] =	ssyncset.done @!p0 $0x0  }
0xe5: {  	s11 =	simm.s32 @!p0 $0x180;
	s12 =	rddreg [dreg:$0xa];
	[sflag:s10] =	ssyncadd.s32 @!p0 $0xFFFFFF80  }
0xe6: {  	[tilespmem:s11], [sflag:$0xD] =	stream.linear.gather @!p0 [hbm4b:s12+s5], $0x80, $0x38;
	[tilespmem:$0x1FF00] =	vst v63  }
0xe7: {  	_ =	swait.ge @!p0 [sflag:s10], $0x80  }
0xe8: {  	[sflag:s10] =	ssyncset.done @!p0 $0x0  }
0xe9: {  	s13 =	simm.s32 @!p0 $0x300;
	s12 =	simm.s32 @!p0 $0x80;
	[sflag:s10] =	ssyncadd.s32 @!p0 $0xFFFFFF80  }
0xea: {  	[tilespmem:s13], [sflag:$0x7] =	stream.indirect.gather @!p0 [hbm4b:s4+s12], $0x80, s5, s12, $0xb8;
	[tilespmem:$0x1FF00] =	vst v63  }
0xeb: {  	s5 =	simm.s32 @!p0 $0x7  }
0xec: {  	_ =	swait.ge @!p0 [sflag:s5], $0x4000  }
0xed: {  	[sflag:s5] =	ssyncset.done @!p0 $0x0  }
0xee: {  	[sflag:s5] =	ssyncadd.s32 @!p0 $0xFFFFC000  }
0xef: {  	[spmem:s1] =	stream.indirect.scatter.add.f32 @!p0 [tilespmem:s13], [sflag:$0xD], $0x80, s11, s12, $0xb8;
	[tilespmem:$0x1FF00] =	vst v63  }
0xf0: {  	_ =	swait.ge @!p0 [sflag:s10], $0x4000  }
0xf1: {  	[sflag:s10] =	ssyncset.done @!p0 $0x0  }
0xf2: {  	[sflag:s10] =	ssyncadd.s32 @!p0 $0xFFFFC000  }
0xf3: {  	s10 =	stileid.u32;
	[bflag:$0x0] =	sbarrier.arrive $0xFFFF  }
0xf4: {  	s5 =	sshll.u32 s10, $0x6;
	s12 =	rddreg [dreg:$0x4]  }
0xf5: {  	s5 =	sor.u32 $0x1C0D, s5;
	s13 =	rddreg [dreg:$0xb];
	s11 =	sshrl.u32 s12, $0x3  }
0xf6: {  	[hbm:s13], [sflag:s5] =	dma.local [spmem:s11], $0x2780  }
0xf7: {  	_ =	swait.ge [sflag:s16], $0x2780  }
0xf8: {  	s9 =	sadd.s32 $0x1, s9;
	s13 =	rddreg [dreg:$0xc]  }
0xf9: {  	p1 =	sne.s32 s9, s13  }
.Ltmp2:
0xfa: {  	_ = 	snop;
	(pc) =	sbr.rel @p1 .LBB2_1-.Ltmp2, $3  }
0xfb: {  	_ =	sdelay $0x1  }
0xfc: {  	[sflag:s16] =	ssyncset.done $0x0  }
0xfd: {  	[sflag:s16] =	ssyncadd.s32 $0xFFFFD880  }
0xfe: {  	_ =	sfence.sel $0x180000  }
0xff: {  	[bflag:$0x0] =	sbarrier.arrive $0xFFFF  }
0x100: {  	_ =	strace $0x9000004D  }
0x101: {  	s0 =	stileid.u32;
	[bflag:$0x2] =	sbarrier.arrive $0xFFFF  }
0x102: {  	p0 =	sne.s32 s0, $0x0;
	s0 =	rddreg [dreg:$0x2]  }
0x103: {  	s0 =	sadd.s32 @!p0 $0x100000, s0  }
0x104: {  	[sflag:s0] =	ssyncadd.tile.s32 @!p0 $0x1;
	_ =	shalt  }
.Lfunc_end2:
_tile_overlayer_lowered:
.L_overlay_start_2:
0x105: {  	(tag) =	ssettag $0x2  }
0x106: {  	s0 =	rddreg [dreg:$0x0];
	s2 =	stileid.u32  }
0x107: {  	s1 =	rddreg [dreg:$0x1];
	p0 =	sne.s32 s2, $0x0  }
0x108: {  	s3 =	rddreg [dreg:$0x2];
	[bflag:$0x3] =	sbarrier.arrive $0xFFFF;
	s2 =	simm.s32 @!p0 $0x1C0D  }
0x109: {  	[timem:s3], [sflag:s2] =	dma.local @!p0 [hbm:s0], s1  }
0x10a: {  	s0 =	simm.s32 @!p0 $0xD  }
0x10b: {  	_ =	swait.ge @!p0 [sflag:s0], s1  }
0x10c: {  	s1 =	ssub.s32 @!p0 $0x0, s1;
	[sflag:s0] =	ssyncset.done @!p0 $0x0  }
0x10d: {  	[sflag:s0] =	ssyncadd.s32 @!p0 s1  }
0x10e: {  	[bflag:$0x3] =	sbarrier.arrive $0xFFFF  }
0x10f: {  	_ =	shalt  }

// kernel: kernel.8.cloned.1.call-start
scs
__scs_entry_jumppad:
0x0: {  	(pc) =	sbr.rel $0x88, $3  }
0x1: {  	(tag) =	ssettag $0x0;
	lr =	simm.s32 $0x1  }
0x2: {  	[smem:$0x3F97] =	sst lr;
	_ =	strace $0xD0000000  }
0x3: {  	_ = 	snop  }
0x4: {  	_ = 	snop  }
0x5: {  	_ = 	snop  }
0x6: {  	_ = 	snop  }
0x7: {  	_ = 	snop  }
__scs_overlays_trampoline_lowered:
0x8: {  	[smem:$0x3FA6] =	sst s0  }
0x9: {  	[smem:$0x3FA7] =	sst s1  }
0xa: {  	[smem:$0x3FA8] =	sst s2  }
0xb: {  	[smem:$0x3FA9] =	sst s3  }
0xc: {  	[smem:$0x3FAA] =	sst s4  }
0xd: {  	[smem:$0x3FAB] =	sst s5  }
0xe: {  	[smem:$0x3FAC] =	sst s6  }
0xf: {  	[smem:$0x3FAD] =	sst s7  }
0x10: {  	[smem:$0x3FAE] =	sst s8  }
0x11: {  	[smem:$0x3FAF] =	sst s9;
	s0 =	simm.s32 @!p0 $0x0  }
0x12: {  	s1 =	sld [smem:$0x3F95];
	s0 =	simm.s32 @p0 $0x1  }
0x13: {  	[smem:$0x3FB0] =	sst s0;
	s0 =	simm.s32 @!p1 $0x0  }
0x14: {  	s2 =	sld [smem:$0x3F94];
	s0 =	simm.s32 @p1 $0x1  }
0x15: {  	[smem:$0x3FB1] =	sst s0;
	s0 =	simm.s32 @!p2 $0x0  }
0x16: {  	s3 =	sld [smem:$0x3FDB];
	s0 =	simm.s32 @p2 $0x1  }
0x17: {  	s4 =	simm.s32 $0x1BF5;
	[smem:$0x3FB3] =	sst s0  }
0x18: {  	s0 =	sld [smem:$0x3F96];
	_ =	swait.ge [sflag:s4], $0x0  }
0x19: {  	s7 =	sld [smem:$0x3F97]  }
0x1a: {  	s8 =	sadd.s32 $0xFFFFE003, lr  }
0x1b: {  	s9 =	sadd.s32 $0xFFFFFEF7, lr;
	s5 =	simm.s32 $0xFFFFFFFF;
	p2 =	slt.u32 s8, $0xFFFFF086  }
0x1c: {  	p1 =	slt.u32 s9, $0xF7A;
	s5 =	simm.s32 @!p2 $0x0  }
0x1d: {  	s5 =	simm.s32 @p1 $0x1;
	p0 =	seq.s32 s7, s2  }
0x1e: {  	s7 =	smul.u32 @!p0 $0xF7A, s2;
	p2 =	seq.s32 @!p0 s5, $0x0  }
0x1f: {  	s9 =	smul.u32 $0xF7A, s1;
	s8 =	simm.s32 @!p0 $0x1BF5;
	p2 =	por !p2, p0  }
0x20: {  	[sflag:s8] =	ssyncset.s32 @!p0 $0xFFFFF086;
	s6 =	sadd.s32 @!p0 s3, s7;
	s7 =	simm.s32 @!p0 $0x108  }
0x21: {  	s3 =	sadd.s32 s3, s9;
	s6 =	sadd.s32 @!p0 $0x88, s6;
	s7 =	simm.s32 @p2 $0x1082  }
0x22: {  	[simem:s7], [sflag:s8] =	dma.local @!p0 [hbm:s6], $0xF7A  }
0x23: {  	s9 =	sor.u32 $0xD0000000, s2;
	s6 =	simm.s32 $0x108;
	_ =	swait.ge @!p0 [sflag:s8], $0x0  }
0x24: {  	s3 =	sadd.s32 $0x88, s3;
	s6 =	simm.s32 @!p1 $0x1082;
	[sflag:s4] =	ssyncset.s32 $0xFFFFF086  }
0x25: {  	[simem:s6], [sflag:s4] =	dma.local [hbm:s3], $0xF7A  }
0x26: {  	[smem:$0x3F97] =	sst s1;
	(tag) =	ssettag s2;
	_ =	strace s9  }
0x27: {  	s1 =	sld [smem:$0x3FA7]  }
0x28: {  	s2 =	sld [smem:$0x3FA8]  }
0x29: {  	s4 =	sld [smem:$0x3FAA]  }
0x2a: {  	p0 =	seq.s32 s5, $0x0;
	s5 =	sld [smem:$0x3FAB]  }
0x2b: {  	s6 =	sld [smem:$0x3FAC]  }
0x2c: {  	s7 =	sld [smem:$0x3FAD]  }
0x2d: {  	s3 =	simm.s32 $0x108;
	s8 =	sld [smem:$0x3FAE]  }
0x2e: {  	s3 =	simm.s32 @!p0 $0x1082;
	s9 =	sld [smem:$0x3FAF]  }
0x2f: {  	lr =	sadd.s32 s0, s3;
	s0 =	sld [smem:$0x3FA6]  }
0x30: {  	s3 =	sld [smem:$0x3FA9]  }
0x31: {  	[smem:$0x3FB2] =	sst s10  }
0x32: {  	s10 =	sld [smem:$0x3FB0];
	_ =	sdelay $0x3  }
0x33: {  	p0 =	seq.s32 s10, $0x1;
	s10 =	sld [smem:$0x3FB2];
	_ =	sdelay $0x3  }
0x34: {  	[smem:$0x3FB2] =	sst s10  }
0x35: {  	s10 =	sld [smem:$0x3FB1];
	_ =	sdelay $0x3  }
0x36: {  	p1 =	seq.s32 s10, $0x1;
	s10 =	sld [smem:$0x3FB2];
	_ =	sdelay $0x3  }
0x37: {  	[smem:$0x3FB2] =	sst s10  }
0x38: {  	s10 =	sld [smem:$0x3FB3]  }
0x39: {  	_ = 	snop;
	(pc) =	sbr.ind lr, $3  }
0x3a: {  	_ = 	snop  }
0x3b: {  	_ = 	snop  }
0x3c: {  	p2 =	seq.s32 s10, $0x1;
	s10 =	sld [smem:$0x3FB2]  }
0x3d: {  	_ =	shalt  }
0x3e: {  	_ =	shalt  }
0x3f: {  	_ =	shalt  }
0x40: {  	_ =	shalt  }
0x41: {  	_ =	shalt  }
0x42: {  	_ =	shalt  }
0x43: {  	_ =	shalt  }
0x44: {  	_ =	shalt  }
0x45: {  	_ =	shalt  }
0x46: {  	_ =	shalt  }
0x47: {  	_ =	shalt  }
0x48: {  	_ =	shalt  }
0x49: {  	_ =	shalt  }
0x4a: {  	_ =	shalt  }
0x4b: {  	_ =	shalt  }
0x4c: {  	_ =	shalt  }
0x4d: {  	_ =	shalt  }
0x4e: {  	_ =	shalt  }
0x4f: {  	_ =	shalt  }
0x50: {  	_ =	shalt  }
0x51: {  	_ =	shalt  }
0x52: {  	_ =	shalt  }
0x53: {  	_ =	shalt  }
0x54: {  	_ =	shalt  }
0x55: {  	_ =	shalt  }
0x56: {  	_ =	shalt  }
0x57: {  	_ =	shalt  }
0x58: {  	_ =	shalt  }
0x59: {  	_ =	shalt  }
0x5a: {  	_ =	shalt  }
0x5b: {  	_ =	shalt  }
0x5c: {  	_ =	shalt  }
0x5d: {  	_ =	shalt  }
0x5e: {  	_ =	shalt  }
0x5f: {  	_ =	shalt  }
0x60: {  	_ =	shalt  }
0x61: {  	_ =	shalt  }
0x62: {  	_ =	shalt  }
0x63: {  	_ =	shalt  }
0x64: {  	_ =	shalt  }
0x65: {  	_ =	shalt  }
0x66: {  	_ =	shalt  }
0x67: {  	_ =	shalt  }
0x68: {  	_ =	shalt  }
0x69: {  	_ =	shalt  }
0x6a: {  	_ =	shalt  }
0x6b: {  	_ =	shalt  }
0x6c: {  	_ =	shalt  }
0x6d: {  	_ =	shalt  }
0x6e: {  	_ =	shalt  }
0x6f: {  	_ =	shalt  }
0x70: {  	_ =	shalt  }
0x71: {  	_ =	shalt  }
0x72: {  	_ =	shalt  }
0x73: {  	_ =	shalt  }
0x74: {  	_ =	shalt  }
0x75: {  	_ =	shalt  }
0x76: {  	_ =	shalt  }
0x77: {  	_ =	shalt  }
0x78: {  	_ =	shalt  }
0x79: {  	_ =	shalt  }
0x7a: {  	_ =	shalt  }
0x7b: {  	_ =	shalt  }
0x7c: {  	_ =	shalt  }
0x7d: {  	_ =	shalt  }
0x7e: {  	_ =	shalt  }
0x7f: {  	_ =	shalt  }
0x80: {  	_ =	shalt  }
0x81: {  	_ =	shalt  }
0x82: {  	_ =	shalt  }
0x83: {  	_ =	shalt  }
0x84: {  	_ =	shalt  }
0x85: {  	_ =	shalt  }
0x86: {  	_ =	shalt  }
0x87: {  	_ =	shalt  }
.Lfunc_end0:
.L_simem_size_0:
called_computation_lowered:
.L_overlay_start_0:
0x88: {  	s2 =	sld [smem:$0x3FD9]  }
0x89: {  	s3 =	sld [smem:$0x3FFE];
	_ =	sdelay $0x1  }
0x8a: {  	s1 =	srdreg.scid  }
0x8b: {  	s0 =	sand.u32 $0x1, s1  }
0x8c: {  	s16 =	sshll.u32 s0, $0xA;
	s2 =	sadd.s32 s3, s2  }
0x8d: {  	s2 =	sadd.s32 s2, s16  }
0x8e: {  	[smem:$0x3FBE] =	sst s2  }
0x8f: {  	_ = 	snop  }
0x90: {  	(tm) =	ssettm $0x1  }
0x91: {  	s17 =	sld [smem:$0x3FFB];
	_ =	sdelay $0x3  }
0x92: {  	_ =	strace s17  }
0x93: {  	s2 =	sld [smem:$0x3FFC];
	_ =	sdelay $0x3  }
0x94: {  	_ =	strace s2  }
0x95: {  	s2 =	sld [smem:$0x3FFD];
	_ =	sdelay $0x3  }
0x96: {  	_ =	strace s2  }
0x97: {  	_ =	strace $0x8FFFFFFF  }
0x98: {  	s18 =	sld [smem:$0x3FDB];
	_ =	sdelay $0x1  }
0x99: {  	s19 =	simm.s32 $_scs_section_size  }
0x9a: {  	s4 =	simm.s32 $_size__tile_overlayer_lowered;
	s5 =	simm.s32 $_tile_overlayer_lowered  }
0x9b: {  	s22 =	simm.s32 $0x1BFF;
	s21 =	sshll.u32 s5, $0x1;
	s2 =	sadd.s32 s19, s18  }
0x9c: {  	s6 =	simm.s32 $0x0;
	s20 =	sshll.u32 s4, $0x1;
	s4 =	sadd.s32 s21, s2  }
0x9d: {  	[timem:s6], [sflag:s22] =	dma.local [hbm:s4], s20  }
0x9e: {  	_ =	swait.ge [sflag:s22], s20  }
0x9f: {  	s3 =	ssub.s32 $0x0, s20;
	[sflag:s22] =	ssyncset.done $0x0  }
0xa0: {  	[sflag:s22] =	ssyncadd.s32 s3;
	_ =	sdelay $0x1  }
0xa1: {  	s23 =	simm.s32 $0x1B8B  }
0xa2: {  	_ =	swait.ge [sflag:s23], $0x1  }
0xa3: {  	[sflag:s23] =	ssyncset.done $0x0  }
0xa4: {  	s25 =	simm.s32 $0x1B8E;
	s24 =	sld [smem:$0x3FFE];
	[sflag:s23] =	ssyncadd.s32 $0xFFFFFFFF  }
0xa5: {  	s26 =	simm.s32 $execute0_lowered;
	[smem:$0x3FD2] =	sst s25  }
0xa6: {  	s4 =	sshll.u32 s26, $0x1;
	_ =	strace $0x80000046;
	[dreg:$0x1] =	wrdreg $0xFFFFFFFF  }
0xa7: {  	s28 =	simm.s32 $_size_execute0_lowered;
	s2 =	sadd.s32 s2, s4;
	[dreg:$0x0] =	wrdreg $0x0  }
0xa8: {  	s4 =	sshll.u32 s28, $0x1;
	[dreg:$0x2] =	wrdreg s2  }
0xa9: {  	[dreg:$0x3] =	wrdreg s4  }
0xaa: {  	[dreg:$0x4] =	wrdreg $0xC0  }
0xab: {  	_ =	task [dreg:s6], $0x5FFFF  }
0xac: {  	[dreg:$0x1] =	wrdreg $0xFFFFFFFF  }
0xad: {  	[dreg:$0x0] =	wrdreg $0x60  }
0xae: {  	[dreg:$0x2] =	wrdreg s24  }
0xaf: {  	[dreg:$0x3] =	wrdreg $0x4800  }
0xb0: {  	[dreg:$0x4] =	wrdreg $0x9  }
0xb1: {  	_ =	task.clear_ibuf [dreg:s6], $0x5FFFF;
	_ =	strace $0x90000046  }
0xb2: {  	s29 =	simm.s32 $0x9;
	_ =	strace $0x80000048  }
0xb3: {  	_ =	swait.ge [sflag:s29], $0x1  }
0xb4: {  	[sflag:s29] =	ssyncadd.s32 $0xFFFFFFFF  }
0xb5: {  	_ =	strace $0x90000048  }
0xb6: {  	_ =	sfence  }
0xb7: {  	s30 =	sld [smem:$0x0];
	_ =	sdelay $0x2  }
0xb8: {  	s31 =	sshll.u32 s1, $0xD;
	s1 =	sshrl.u32 s1, $0x2  }
0xb9: {  	s3 =	sand.u32 $0x4000, s31;
	s1 =	sadd.s32 s1, s30  }
0xba: {  	s0 =	sor.u32 s3, s0;
	s1 =	sshll.u32 s1, $0x11  }
0xbb: {  	s0 =	sor.u32 s1, s0  }
0xbc: {  	s0 =	sadd.s32 $0x8F2B, s0  }
0xbd: {  	[sflag:s0] =	ssyncadd.remote.s32 $0x1  }
0xbe: {  	_ =	sfence.sel $0xFFFF  }
0xbf: {  	[dreg:$0x0] =	wrdreg $0xFFFFFFFF;
	(pc) =	sbr.abs _section_cstart, $3  }
0xc0: {  	[dreg:$0x1] =	wrdreg $0xFFFFFFFF  }
0xc1: {  	_ =	task.clear_ibuf [dreg:s6], $0x2FFFF;
	_ =	strace $0x9FFFFFFF  }
0xc2: {  	(tm) =	ssettm $0x7FFFFFFF  }
0xc3: {  	_ =	shalt  }
tec
execute0_lowered:
.L_overlay_start_1:
0x0: {  	(tag) =	ssettag $0x1  }
0x1: {  	s4 =	rddreg [dreg:$0x0];
	s1 =	srdreg.scid  }
0x2: {  	s0 =	stileid.u32;
	s2 =	rddreg [dreg:$0x1];
	s3 =	simm.s32 $0x0  }
0x3: {  	s13 =	simm.s32 $0x1;
	s14 =	simm.s32 $0x180;
	s15 =	simm.s32 $0x2  }
0x4: {  	s16 =	simm.s32 $0x3;
	s17 =	simm.s32 $0x4;
	s18 =	simm.s32 $0x5  }
0x5: {  	s19 =	simm.s32 $0x6;
	s22 =	simm.s32 $0x20;
	s23 =	simm.s32 $0x10  }
0x6: {  	s5 =	sand.u32 $0x1, s1;
	s6 =	smul.u32 $0x500, s0;
	s1 =	rddreg [dreg:$0x2]  }
0x7: {  	s24 =	simm.s32 $0x0;
	[smem:$0x7FF] =	sst s3;
	s9 =	smul.u32 $0xA00, s0  }
0x8: {  	s8 =	sadd.s32 $0xC200, s4;
	s10 =	sshll.u32 s0, $0x5;
	s31 =	smul.u32 $0x9C0, s0  }
0x9: {  	s20 =	sshll.u32 s0, $0x6;
	p0 =	sgt.u32 s0, $0x1;
	s7 =	sshll.u32 s5, $0x7  }
0xa: {  	_ =	strace $0x80000047;
	s28 =	ssub.s32 $0x2, s5;
	s11 =	sshll.u32 s5, $0x4  }
0xb: {  	s12 =	smul.u32 $0x4E0, s5;
	s20 =	sor.u32 $0x1C07, s20;
	s6 =	sor.u32 s7, s6  }
0xc: {  	s29 =	sshrl.u32 s28, $0x1;
	s30 =	sor.u32 s11, s10;
	s9 =	sshrl.u32 s9, $0x2  }
0xd: {  	s10 =	simm.s32 $0x7;
	s6 =	sshrl.u32 s6, $0x3;
	s7 =	ssub.s32 s28, s29  }
0xe: {  	s11 =	sadd.s32 s30, s8;
	s8 =	sadd.s32 s31, s8;
	s6 =	sadd.s32 s6, s4  }
0xf: {  	s4 =	sadd.s32 s9, s2;
	s5 =	sadd.s32 $0x9C00, s11;
	s7 =	smax.u32 s7, $0x1  }
0x10: {  	s8 =	sadd.s32 s12, s8;
	s9 =	simm.s32 $0x200;
	s11 =	simm.s32 $0x80  }
0x11: {  	v0 =	vimm.f32 $1.000000000e+00;
	v1 =	vimm.f32 $0.0e+00;
	s12 =	simm.s32 $0x100;
	s6 =	sadd.s32 $0x16000, s6;
	s21 =	sshrl.u32 s4, $0x3  }
.LBB2_1:
0x12: {  	[tilespmem:$0x180] =	vst v0  }
0x13: {  	[tilespmem:$0x190] =	vst v0  }
0x14: {  	[tilespmem:$0x1A0] =	vst v0  }
0x15: {  	[tilespmem:$0x1B0] =	vst v0  }
0x16: {  	[tilespmem:$0x1C0] =	vst v0  }
0x17: {  	[tilespmem:$0x1D0] =	vst v0  }
0x18: {  	[tilespmem:$0x1E0] =	vst v0  }
0x19: {  	[tilespmem:$0x1F0] =	vst v0  }
0x1a: {  	[tilespmem:$0x200] =	vst v1  }
0x1b: {  	[tilespmem:$0x210] =	vst v1  }
0x1c: {  	[tilespmem:$0x220] =	vst v1  }
0x1d: {  	[tilespmem:$0x230] =	vst v1  }
0x1e: {  	[tilespmem:$0x240] =	vst v1  }
0x1f: {  	[tilespmem:$0x250] =	vst v1  }
0x20: {  	[tilespmem:$0x260] =	vst v1  }
0x21: {  	[tilespmem:$0x270] =	vst v1  }
0x22: {  	[tilespmem:$0x280] =	vst v1  }
0x23: {  	[tilespmem:$0x290] =	vst v1  }
0x24: {  	[tilespmem:$0x2A0] =	vst v1  }
0x25: {  	[tilespmem:$0x2B0] =	vst v1  }
0x26: {  	[tilespmem:$0x2C0] =	vst v1  }
0x27: {  	[tilespmem:$0x2D0] =	vst v1  }
0x28: {  	[tilespmem:$0x2E0] =	vst v1  }
0x29: {  	[tilespmem:$0x2F0] =	vst v1  }
0x2a: {  	[tilespmem:$0x300] =	vst v1  }
0x2b: {  	[tilespmem:$0x310] =	vst v1  }
0x2c: {  	[tilespmem:$0x320] =	vst v1  }
0x2d: {  	[tilespmem:$0x330] =	vst v1  }
0x2e: {  	[tilespmem:$0x340] =	vst v1  }
0x2f: {  	[tilespmem:$0x350] =	vst v1  }
0x30: {  	[tilespmem:$0x360] =	vst v1  }
0x31: {  	[tilespmem:$0x370] =	vst v1  }
0x32: {  	[tilespmem:$0x380] =	vst v1  }
0x33: {  	[tilespmem:$0x390] =	vst v1  }
0x34: {  	[tilespmem:$0x3A0] =	vst v1  }
0x35: {  	[tilespmem:$0x3B0] =	vst v1  }
0x36: {  	[tilespmem:$0x3C0] =	vst v1  }
0x37: {  	[tilespmem:$0x3D0] =	vst v1  }
0x38: {  	[tilespmem:$0x3E0] =	vst v1  }
0x39: {  	[tilespmem:$0x3F0] =	vst v1  }
0x3a: {  	[tilespmem:$0x400] =	vst v1  }
0x3b: {  	[tilespmem:$0x410] =	vst v1  }
0x3c: {  	[tilespmem:$0x420] =	vst v1  }
0x3d: {  	[tilespmem:$0x430] =	vst v1  }
0x3e: {  	[tilespmem:$0x440] =	vst v1  }
0x3f: {  	[tilespmem:$0x450] =	vst v1  }
0x40: {  	[tilespmem:$0x460] =	vst v1  }
0x41: {  	[tilespmem:$0x470] =	vst v1  }
0x42: {  	[spmem:s4] =	stream.linear.scatter [tilespmem:s9], [sflag:$0x7], $0x280, $0x38;
	[tilespmem:$0x700] =	vst v63  }
0x43: {  	_ =	swait.ge [sflag:s10], $0x280  }
0x44: {  	[sflag:s10] =	ssyncset.done $0x0  }
0x45: {  	[sflag:s10] =	ssyncadd.s32 $0xFFFFFD80  }
0x46: {  	s25 =	sadd.s32 $0x0, s8;
	[bflag:$0x0] =	sbarrier.arrive $0xFFFF  }
0x47: {  	[tilespmem:s3], [sflag:$0x1] =	stream.linear.gather [hbm4b:s25+s3], $0x80, $0x38;
	[tilespmem:$0x700] =	vst v63  }
0x48: {  	s26 =	sadd.s32 $0x10, s25  }
0x49: {  	[tilespmem:s11], [sflag:$0x2] =	stream.linear.gather [hbm4b:s26+s3], $0x80, $0x38;
	[tilespmem:$0x700] =	vst v63  }
0x4a: {  	s25 =	sadd.s32 $0x20, s25  }
0x4b: {  	[tilespmem:s12], [sflag:$0x3] =	stream.linear.gather [hbm4b:s25+s3], $0x80, $0x38;
	[tilespmem:$0x700] =	vst v63  }
0x4c: {  	_ =	swait.ge [sflag:s13], $0x80  }
0x4d: {  	[sflag:s13] =	ssyncset.done $0x0  }
0x4e: {  	[sflag:s13] =	ssyncadd.s32 $0xFFFFFF80  }
0x4f: {  	[spmem:s2] =	stream.indirect.scatter.add.f32 [tilespmem:s14], [sflag:$0x4], $0x1, s3, s11, $0xb8;
	[tilespmem:$0x700] =	vst v63  }
0x50: {  	_ =	swait.ge [sflag:s15], $0x80  }
0x51: {  	[sflag:s15] =	ssyncset.done $0x0  }
0x52: {  	[sflag:s15] =	ssyncadd.s32 $0xFFFFFF80  }
0x53: {  	[spmem:s2] =	stream.indirect.scatter.add.f32 [tilespmem:s14], [sflag:$0x5], $0x1, s11, s11, $0xb8;
	[tilespmem:$0x700] =	vst v63  }
0x54: {  	_ =	swait.ge [sflag:s16], $0x80  }
0x55: {  	[sflag:s16] =	ssyncset.done $0x0  }
0x56: {  	[sflag:s16] =	ssyncadd.s32 $0xFFFFFF80  }
0x57: {  	[spmem:s2] =	stream.indirect.scatter.add.f32 [tilespmem:s14], [sflag:$0x6], $0x1, s12, s11, $0xb8;
	[tilespmem:$0x700] =	vst v63  }
0x58: {  	_ =	swait.ge [sflag:s17], $0x80  }
0x59: {  	[sflag:s17] =	ssyncset.done $0x0  }
0x5a: {  	[sflag:s17] =	ssyncadd.s32 $0xFFFFFF80  }
0x5b: {  	_ =	swait.ge [sflag:s18], $0x80  }
0x5c: {  	[sflag:s18] =	ssyncset.done $0x0  }
0x5d: {  	[sflag:s18] =	ssyncadd.s32 $0xFFFFFF80  }
0x5e: {  	_ =	swait.ge [sflag:s19], $0x80  }
0x5f: {  	s26 =	simm.s32 $0x60;
	s25 =	simm.s32 $0x30;
	[sflag:s19] =	ssyncset.done $0x0  }
.LBB2_2:
0x60: {  	s28 =	sadd.s32 s25, s8  }
0x61: {  	[sflag:s19] =	ssyncadd.s32 $0xFFFFFF80;
	s25 =	smov.u32 s26;
	s29 =	sadd.s32 $0x30, s26  }
0x62: {  	[tilespmem:s3], [sflag:$0x1] =	stream.linear.gather [hbm4b:s28+s3], $0x80, $0x38;
	[tilespmem:$0x700] =	vst v63  }
0x63: {  	p1 =	sne.s32 s26, $0x4B0;
	s26 =	sadd.s32 $0x10, s28  }
0x64: {  	[tilespmem:s11], [sflag:$0x2] =	stream.linear.gather [hbm4b:s26+s3], $0x80, $0x38;
	[tilespmem:$0x700] =	vst v63  }
0x65: {  	s26 =	sadd.s32 $0x20, s28  }
0x66: {  	[tilespmem:s12], [sflag:$0x3] =	stream.linear.gather [hbm4b:s26+s3], $0x80, $0x38;
	[tilespmem:$0x700] =	vst v63  }
0x67: {  	_ =	swait.ge [sflag:s13], $0x80  }
0x68: {  	[sflag:s13] =	ssyncset.done $0x0  }
0x69: {  	[sflag:s13] =	ssyncadd.s32 $0xFFFFFF80  }
0x6a: {  	[spmem:s2] =	stream.indirect.scatter.add.f32 [tilespmem:s14], [sflag:$0x4], $0x1, s3, s11, $0xb8;
	[tilespmem:$0x700] =	vst v63  }
0x6b: {  	_ =	swait.ge [sflag:s15], $0x80  }
0x6c: {  	[sflag:s15] =	ssyncset.done $0x0  }
0x6d: {  	[sflag:s15] =	ssyncadd.s32 $0xFFFFFF80  }
0x6e: {  	[spmem:s2] =	stream.indirect.scatter.add.f32 [tilespmem:s14], [sflag:$0x5], $0x1, s11, s11, $0xb8;
	[tilespmem:$0x700] =	vst v63  }
0x6f: {  	_ =	swait.ge [sflag:s16], $0x80  }
0x70: {  	[sflag:s16] =	ssyncset.done $0x0  }
0x71: {  	[sflag:s16] =	ssyncadd.s32 $0xFFFFFF80  }
0x72: {  	[spmem:s2] =	stream.indirect.scatter.add.f32 [tilespmem:s14], [sflag:$0x6], $0x1, s12, s11, $0xb8;
	[tilespmem:$0x700] =	vst v63  }
0x73: {  	_ =	swait.ge [sflag:s17], $0x80  }
0x74: {  	[sflag:s17] =	ssyncset.done $0x0  }
0x75: {  	[sflag:s17] =	ssyncadd.s32 $0xFFFFFF80  }
.Ltmp0:
0x76: {  	_ =	swait.ge [sflag:s18], $0x80;
	(pc) =	sbr.rel @p1 .LBB2_2-.Ltmp0, $4  }
0x77: {  	[sflag:s18] =	ssyncset.done $0x0  }
0x78: {  	[sflag:s18] =	ssyncadd.s32 $0xFFFFFF80  }
0x79: {  	_ =	swait.ge [sflag:s19], $0x80  }
0x7a: {  	s26 =	smov.u32 s29;
	[sflag:s19] =	ssyncset.done $0x0  }
0x7b: {  	s25 =	sadd.s32 s25, s8;
	[sflag:s19] =	ssyncadd.s32 $0xFFFFFF80  }
0x7c: {  	[tilespmem:s3], [sflag:$0x1] =	stream.linear.gather [hbm4b:s25+s3], $0x80, $0x38;
	[tilespmem:$0x700] =	vst v63  }
0x7d: {  	s26 =	sadd.s32 $0x10, s25  }
0x7e: {  	[tilespmem:s11], [sflag:$0x2] =	stream.linear.gather [hbm4b:s26+s3], $0x80, $0x38;
	[tilespmem:$0x700] =	vst v63  }
0x7f: {  	s25 =	sadd.s32 $0x20, s25  }
0x80: {  	[tilespmem:s12], [sflag:$0x3] =	stream.linear.gather [hbm4b:s25+s3], $0x80, $0x38;
	[tilespmem:$0x700] =	vst v63  }
0x81: {  	_ =	swait.ge [sflag:s13], $0x80  }
0x82: {  	[sflag:s13] =	ssyncset.done $0x0  }
0x83: {  	[sflag:s13] =	ssyncadd.s32 $0xFFFFFF80  }
0x84: {  	[spmem:s2] =	stream.indirect.scatter.add.f32 [tilespmem:s14], [sflag:$0x4], $0x1, s3, s11, $0xb8;
	[tilespmem:$0x700] =	vst v63  }
0x85: {  	_ =	swait.ge [sflag:s15], $0x80  }
0x86: {  	[sflag:s15] =	ssyncset.done $0x0  }
0x87: {  	[sflag:s15] =	ssyncadd.s32 $0xFFFFFF80  }
0x88: {  	[spmem:s2] =	stream.indirect.scatter.add.f32 [tilespmem:s14], [sflag:$0x5], $0x1, s11, s11, $0xb8;
	[tilespmem:$0x700] =	vst v63  }
0x89: {  	_ =	swait.ge [sflag:s16], $0x80  }
0x8a: {  	[sflag:s16] =	ssyncset.done $0x0  }
0x8b: {  	[sflag:s16] =	ssyncadd.s32 $0xFFFFFF80  }
0x8c: {  	[spmem:s2] =	stream.indirect.scatter.add.f32 [tilespmem:s14], [sflag:$0x6], $0x1, s12, s11, $0xb8;
	[tilespmem:$0x700] =	vst v63  }
0x8d: {  	_ =	swait.ge [sflag:s17], $0x80  }
0x8e: {  	[sflag:s17] =	ssyncset.done $0x0  }
0x8f: {  	[sflag:s17] =	ssyncadd.s32 $0xFFFFFF80  }
0x90: {  	_ =	swait.ge [sflag:s18], $0x80  }
0x91: {  	[sflag:s18] =	ssyncset.done $0x0  }
0x92: {  	[sflag:s18] =	ssyncadd.s32 $0xFFFFFF80  }
0x93: {  	_ =	swait.ge [sflag:s19], $0x80  }
0x94: {  	[sflag:s19] =	ssyncset.done $0x0  }
0x95: {  	s26 =	simm.s32 @!p0 $0x7;
	s25 =	simm.s32 @!p0 $0x0;
	[sflag:s19] =	ssyncadd.s32 $0xFFFFFF80  }
0x96: {  	[tilespmem:s25], [sflag:$0x7] =	stream.linear.gather @!p0 [hbm4b:s5+s25], $0x80, $0x38;
	[tilespmem:$0x700] =	vst v63  }
0x97: {  	_ =	swait.ge @!p0 [sflag:s26], $0x80  }
0x98: {  	[sflag:s26] =	ssyncset.done @!p0 $0x0  }
0x99: {  	s28 =	simm.s32 @!p0 $0x80;
	s29 =	simm.s32 @!p0 $0x180;
	[sflag:s26] =	ssyncadd.s32 @!p0 $0xFFFFFF80  }
0x9a: {  	[spmem:s2] =	stream.indirect.scatter.add.f32 @!p0 [tilespmem:s29], [sflag:$0x7], $0x1, s25, s28, $0xb8;
	[tilespmem:$0x700] =	vst v63  }
0x9b: {  	_ =	swait.ge @!p0 [sflag:s26], $0x80  }
0x9c: {  	s24 =	sadd.s32 $0x1, s24;
	[sflag:s26] =	ssyncset.done @!p0 $0x0  }
0x9d: {  	p1 =	sne.s32 s24, s7;
	[sflag:s26] =	ssyncadd.s32 @!p0 $0xFFFFFF80  }
.Ltmp1:
0x9e: {  	[bflag:$0x0] =	sbarrier.arrive $0xFFFF;
	(pc) =	sbr.rel @p1 .LBB2_1-.Ltmp1, $4  }
0x9f: {  	[hbm:s6@s22], [sflag:s20] =	dma.strided [spmem:s21@s23], $0x50, s13, $0x10   }
0xa0: {  	_ =	swait.ge [sflag:s10], $0x50  }
0xa1: {  	[sflag:s10] =	ssyncset.done $0x0  }
0xa2: {  	[sflag:s10] =	ssyncadd.s32 $0xFFFFFFB0  }
0xa3: {  	_ =	sfence.sel $0x180000  }
0xa4: {  	[bflag:$0x0] =	sbarrier.arrive $0xFFFF  }
0xa5: {  	p0 =	sne.s32 s0, $0x0;
	_ =	strace $0x90000047  }
0xa6: {  	s0 =	sadd.s32 @!p0 $0x100000, s1;
	[bflag:$0x2] =	sbarrier.arrive $0xFFFF  }
0xa7: {  	[sflag:s0] =	ssyncadd.tile.s32 @!p0 $0x1;
	_ =	shalt  }
.Lfunc_end2:
_tile_overlayer_lowered:
.L_overlay_start_2:
0xa8: {  	(tag) =	ssettag $0x2  }
0xa9: {  	s0 =	rddreg [dreg:$0x0];
	s2 =	stileid.u32  }
0xaa: {  	s1 =	rddreg [dreg:$0x1];
	p0 =	sne.s32 s2, $0x0  }
0xab: {  	s3 =	rddreg [dreg:$0x2];
	[bflag:$0x3] =	sbarrier.arrive $0xFFFF;
	s2 =	simm.s32 @!p0 $0x1C07  }
0xac: {  	[timem:s3], [sflag:s2] =	dma.local @!p0 [hbm:s0], s1  }
0xad: {  	s0 =	simm.s32 @!p0 $0x7  }
0xae: {  	_ =	swait.ge @!p0 [sflag:s0], s1  }
0xaf: {  	s1 =	ssub.s32 @!p0 $0x0, s1;
	[sflag:s0] =	ssyncset.done @!p0 $0x0  }
0xb0: {  	[sflag:s0] =	ssyncadd.s32 @!p0 s1  }
0xb1: {  	[bflag:$0x3] =	sbarrier.arrive $0xFFFF  }
0xb2: {  	_ =	shalt  }

</sc_bundles>
